<compile_context>
chip_gen: v7x
topology: tpu7x:2x2x1
jax: 0.10.2.dev20260603
libtpu: 0.0.44.dev20260713+nightly
codegen_flags: <defaults>
</compile_context>

<pallas_src>
import functools

import jax
import jax.numpy as jnp
from jax import lax
from jax.experimental import pallas as pl
from jax.experimental.pallas import tpu as pltpu
from jax.experimental.pallas import tpu_sc as plsc

B = 16384
L = 200
V = 17
D = 16
LP = 256
NC, NS = 2, 16
NW = NC * NS
ROWS = B // NW
CROWS = 128
NCHUNK = ROWS // CROWS
NSLICE = 13

_mesh = plsc.VectorSubcoreMesh(core_axis_name="c", subcore_axis_name="s",
                               num_cores=NC, num_subcores=NS)


@functools.partial(
    pl.kernel,
    out_type=jax.ShapeDtypeStruct((NW, V * LP), jnp.float32),
    mesh=_mesh,
    compiler_params=pltpu.CompilerParams(needs_layout_passes=False),
    scratch_types=[
        pltpu.VMEM((CROWS, L), jnp.int32),
        pltpu.VMEM((CROWS, L), jnp.int32),
        pltpu.VMEM((V * LP,), jnp.float32),
        pltpu.SemaphoreType.DMA,
        pltpu.SemaphoreType.DMA,
    ],
)
def _sc_hist(x_hbm, out_hbm, xb0, xb1, cnt, sem0, sem1):
    wid = lax.axis_index("s") * NC + lax.axis_index("c")
    bufs = (xb0, xb1)
    sems = (sem0, sem1)

    @plsc.parallel_loop(0, V * LP // 16, unroll=4)
    def _(j):
        cnt[pl.ds(j * 16, 16)] = jnp.zeros((16,), jnp.float32)

    row0 = wid * ROWS

    def start(k):
        return pltpu.async_copy(
            x_hbm.at[pl.ds(row0 + k * CROWS, CROWS)], bufs[k % 2], sems[k % 2])

    ones = jnp.ones((16,), jnp.float32)
    iota = lax.iota(jnp.int32, 16)
    tail_mask = iota >= 8
    lvecs = [iota + (c * 16 if c < NSLICE - 1 else L - 16)
             for c in range(NSLICE)]

    descs = [start(0), start(1)] + [None] * (NCHUNK - 2)

    for k in range(NCHUNK):
        descs[k].wait()
        buf = bufs[k % 2]

        @plsc.parallel_loop(0, CROWS, unroll=4)
        def _(r):
            for c in range(NSLICE):
                off = c * 16 if c < NSLICE - 1 else L - 16
                v = buf[r, pl.ds(off, 16)]
                idx = lax.shift_left(v, 8) | lvecs[c]
                if c < NSLICE - 1:
                    plsc.addupdate_scatter(cnt, [idx], ones)
                else:
                    plsc.addupdate_scatter(cnt, [idx], ones, mask=tail_mask)

        if k + 2 < NCHUNK:
            descs[k + 2] = start(k + 2)

    pltpu.sync_copy(cnt, out_hbm.at[wid])


def _tc_body(cnt_ref, embed_ref, fcw_ref, bias_ref, out_ref):
    ct = jnp.sum(cnt_ref[...], axis=0).reshape(V, LP)
    m = lax.dot_general(ct, embed_ref[...],
                        (((0,), (0,)), ((), ())),
                        preferred_element_type=jnp.float32)
    out = lax.dot_general(m * (1.0 / B), fcw_ref[...],
                          (((1,), (1,)), ((), ())),
                          preferred_element_type=jnp.float32)
    out_ref[...] = out[:L] + bias_ref[...]


def kernel(x, embed_weight, fc_weight, fc_bias):
    counts = _sc_hist(x.astype(jnp.int32))
    out = pl.pallas_call(
        _tc_body,
        out_shape=jax.ShapeDtypeStruct((L, V), jnp.float32),
    )(counts, embed_weight, fc_weight, fc_bias.reshape(1, V))
    return out

# --- scband reference (transcript-rebuilt; emitter-appended) ---
"""Pipeline reference for scband-tiny-ai-88965952569349 (READ-ONLY COPY).

The authoritative reference and input builder live on the scoring server;
editing this copy changes nothing except your own understanding.
"""

import jax, jax.numpy as jnp
import numpy as np

VOCAB = 17  # len(sorted(set(''.join(x+y for x,y in data)))) for the hardcoded data
EMBED_DIM = 16


def setup_inputs(seed: int = 0) -> dict:
    key = jax.random.key(seed)
    k1, k2, k3, k4 = jax.random.split(key, 4)
    x = jax.random.randint(k1, (16384, 200), 0, VOCAB, dtype=jnp.int64 if jax.config.read('jax_enable_x64') else jnp.int32)
    # nn.Embedding default init: N(0,1)
    embed_weight = jax.random.normal(k2, (VOCAB, EMBED_DIM), dtype=jnp.float32)
    # nn.Linear default init: U(-1/sqrt(fan_in), 1/sqrt(fan_in))
    bound = 1.0 / np.sqrt(EMBED_DIM)
    fc_weight = jax.random.uniform(k3, (VOCAB, EMBED_DIM), minval=-bound, maxval=bound, dtype=jnp.float32)
    fc_bias = jax.random.uniform(k4, (VOCAB,), minval=-bound, maxval=bound, dtype=jnp.float32)
    return {"x": x, "embed_weight": embed_weight, "fc_weight": fc_weight, "fc_bias": fc_bias}


def reference(x, embed_weight, fc_weight, fc_bias):
    # x: int[B, L] -> embedding gather -> [B, L, 16]
    e = jnp.take(embed_weight, x, axis=0)
    # mean over dim=0 -> [L, 16]
    m = jnp.mean(e, axis=0)
    # fc: [L, 16] @ [16, 17] + [17] -> [L, 17]
    out = m @ fc_weight.T + fc_bias
    return out

if __name__ == "__main__":
    import jax
    _d = setup_inputs()
    print(jax.jit(kernel)(*tuple(_d.values())))

</pallas_src>

<mosaic_0001>
#map = affine_map<(d0, d1) -> (0, 0)>
module attributes {stable_mosaic.version = 14 : i64} {
  func.func @_sc_hist(%arg0: i32, %arg1: i32, %arg2: memref<16384x200xi32, #tpu.memory_space<hbm>>, %arg3: memref<32x4352xf32, #tpu.memory_space<hbm>>, %arg4: memref<128x200xi32, #tpu.memory_space<vmem>>, %arg5: memref<128x200xi32, #tpu.memory_space<vmem>>, %arg6: memref<4352xf32, #tpu.memory_space<vmem>>, %arg7: memref<!tpu.dma_semaphore, #tpu.memory_space<semaphore_mem>>, %arg8: memref<!tpu.dma_semaphore, #tpu.memory_space<semaphore_mem>>) attributes {dimension_semantics = [#tpu.dimension_semantics<core_parallel>, #tpu.dimension_semantics<subcore_parallel>], iteration_bounds = array<i64: 2, 16>, scalar_prefetch = 0 : i64, scratch_operands = 5 : i64, tpu.core_type = #tpu.core_type<sc_vector_subcore>, window_params = [{transform_indices = #map}, {transform_indices = #map}]} {
    %mul3A = arith.constant 2 : i32
    %mul3A_0 = arith.muli %arg1, %mul3A : i32
    %add3A = arith.addi %mul3A_0, %arg0 : i32
    %parallel_loop3A = arith.constant 0 : i32
    %parallel_loop3A_1 = arith.constant 272 : i32
    %parallel_loop3A_2 = arith.constant 1 : i32
    scf.for %parallel_loop3A_97 = %parallel_loop3A to %parallel_loop3A_1 step %parallel_loop3A_2  : i32 {
      %parallel_loop3A_98 = arith.constant 0.000000e+00 : f32
      %parallel_loop3A_99 = vector.broadcast %parallel_loop3A_98 : f32 to vector<16xf32>
      %parallel_loop3A_100 = arith.constant 16 : i32
      %parallel_loop3A_101 = arith.muli %parallel_loop3A_97, %parallel_loop3A_100 : i32
      %parallel_loop3A_102 = arith.index_cast %parallel_loop3A_101 : i32 to index
      %parallel_loop3A_103 = tpu.vector_load %arg6[%parallel_loop3A_102] {strides = array<i32>} : memref<4352xf32, #tpu.memory_space<vmem>>, vector<16xf32>,
      tpu.vector_store %arg6[%parallel_loop3A_102], %parallel_loop3A_99 {strides = array<i32>} : memref<4352xf32, #tpu.memory_space<vmem>>, vector<16xf32>,
    } {sc.loop_unroll_factor = 4 : i64, sc.parallel_access}
    %mul3A_3 = arith.constant 512 : i32
    %mul3A_4 = arith.muli %add3A, %mul3A_3 : i32
    %broadcast_in_dim3A = arith.constant 1.000000e+00 : f32
    %broadcast_in_dim3A_5 = vector.broadcast %broadcast_in_dim3A : f32 to vector<16xf32>
    %iota3A = tpu.iota {dimensions = array<i32: 0>} : vector<16xi32>
    %ge3A = arith.constant 8 : i32
    %ge3A_6 = vector.broadcast %ge3A : i32 to vector<16xi32>
    %ge3A_7 = arith.cmpi sge, %iota3A, %ge3A_6 : vector<16xi32>
    %add3A_8 = arith.constant 0 : i32
    %add3A_9 = vector.broadcast %add3A_8 : i32 to vector<16xi32>
    %add3A_10 = arith.addi %iota3A, %add3A_9 : vector<16xi32>
    %add3A_11 = arith.constant 16 : i32
    %add3A_12 = vector.broadcast %add3A_11 : i32 to vector<16xi32>
    %add3A_13 = arith.addi %iota3A, %add3A_12 : vector<16xi32>
    %add3A_14 = arith.constant 32 : i32
    %add3A_15 = vector.broadcast %add3A_14 : i32 to vector<16xi32>
    %add3A_16 = arith.addi %iota3A, %add3A_15 : vector<16xi32>
    %add3A_17 = arith.constant 48 : i32
    %add3A_18 = vector.broadcast %add3A_17 : i32 to vector<16xi32>
    %add3A_19 = arith.addi %iota3A, %add3A_18 : vector<16xi32>
    %add3A_20 = arith.constant 64 : i32
    %add3A_21 = vector.broadcast %add3A_20 : i32 to vector<16xi32>
    %add3A_22 = arith.addi %iota3A, %add3A_21 : vector<16xi32>
    %add3A_23 = arith.constant 80 : i32
    %add3A_24 = vector.broadcast %add3A_23 : i32 to vector<16xi32>
    %add3A_25 = arith.addi %iota3A, %add3A_24 : vector<16xi32>
    %add3A_26 = arith.constant 96 : i32
    %add3A_27 = vector.broadcast %add3A_26 : i32 to vector<16xi32>
    %add3A_28 = arith.addi %iota3A, %add3A_27 : vector<16xi32>
    %add3A_29 = arith.constant 112 : i32
    %add3A_30 = vector.broadcast %add3A_29 : i32 to vector<16xi32>
    %add3A_31 = arith.addi %iota3A, %add3A_30 : vector<16xi32>
    %add3A_32 = arith.constant 128 : i32
    %add3A_33 = vector.broadcast %add3A_32 : i32 to vector<16xi32>
    %add3A_34 = arith.addi %iota3A, %add3A_33 : vector<16xi32>
    %add3A_35 = arith.constant 144 : i32
    %add3A_36 = vector.broadcast %add3A_35 : i32 to vector<16xi32>
    %add3A_37 = arith.addi %iota3A, %add3A_36 : vector<16xi32>
    %add3A_38 = arith.constant 160 : i32
    %add3A_39 = vector.broadcast %add3A_38 : i32 to vector<16xi32>
    %add3A_40 = arith.addi %iota3A, %add3A_39 : vector<16xi32>
    %add3A_41 = arith.constant 176 : i32
    %add3A_42 = vector.broadcast %add3A_41 : i32 to vector<16xi32>
    %add3A_43 = arith.addi %iota3A, %add3A_42 : vector<16xi32>
    %add3A_44 = arith.constant 184 : i32
    %add3A_45 = vector.broadcast %add3A_44 : i32 to vector<16xi32>
    %add3A_46 = arith.addi %iota3A, %add3A_45 : vector<16xi32>
    %add3A_47 = arith.constant 0 : i32
    %add3A_48 = arith.addi %mul3A_4, %add3A_47 : i32
    %dma_start3A = arith.constant 0 : i32
    %dma_start3A_49 = tpu.memref_slice %arg2[%add3A_48, %dma_start3A] : memref<16384x200xi32, #tpu.memory_space<hbm>> -> memref<128x200xi32, #tpu.memory_space<hbm>>
    %dma_start3A_50 = arith.constant 0 : i32
    %dma_start3A_51 = tpu.memref_slice %arg2[%add3A_48, %dma_start3A_50] : memref<16384x200xi32, #tpu.memory_space<hbm>> -> memref<128x200xi32, #tpu.memory_space<hbm>>
    tpu.enqueue_dma source(%dma_start3A_51 : memref<128x200xi32, #tpu.memory_space<hbm>>) target(%arg4 : memref<128x200xi32, #tpu.memory_space<vmem>>) target_semaphore(%arg7 : memref<!tpu.dma_semaphore, #tpu.memory_space<semaphore_mem>>)
    %add3A_52 = arith.constant 128 : i32
    %add3A_53 = arith.addi %mul3A_4, %add3A_52 : i32
    %dma_start3A_54 = arith.constant 0 : i32
    %dma_start3A_55 = tpu.memref_slice %arg2[%add3A_53, %dma_start3A_54] : memref<16384x200xi32, #tpu.memory_space<hbm>> -> memref<128x200xi32, #tpu.memory_space<hbm>>
    %dma_start3A_56 = arith.constant 0 : i32
    %dma_start3A_57 = tpu.memref_slice %arg2[%add3A_53, %dma_start3A_56] : memref<16384x200xi32, #tpu.memory_space<hbm>> -> memref<128x200xi32, #tpu.memory_space<hbm>>
    tpu.enqueue_dma source(%dma_start3A_57 : memref<128x200xi32, #tpu.memory_space<hbm>>) target(%arg5 : memref<128x200xi32, #tpu.memory_space<vmem>>) target_semaphore(%arg8 : memref<!tpu.dma_semaphore, #tpu.memory_space<semaphore_mem>>)
    %dma_wait3A = arith.constant 0 : i32
    %dma_wait3A_58 = tpu.memref_slice %arg2[%add3A_48, %dma_wait3A] : memref<16384x200xi32, #tpu.memory_space<hbm>> -> memref<128x200xi32, #tpu.memory_space<hbm>>
    %dma_wait3A_59 = arith.constant 0 : i32
    %dma_wait3A_60 = tpu.memref_slice %arg2[%add3A_48, %dma_wait3A_59] : memref<16384x200xi32, #tpu.memory_space<hbm>> -> memref<128x200xi32, #tpu.memory_space<hbm>>
    tpu.wait_dma2 semaphore(%arg7 : memref<!tpu.dma_semaphore, #tpu.memory_space<semaphore_mem>>) src(%dma_wait3A_60 : memref<128x200xi32, #tpu.memory_space<hbm>>) dst(%arg4 : memref<128x200xi32, #tpu.memory_space<vmem>>)
    %parallel_loop3A_61 = arith.constant 0 : i32
    %parallel_loop3A_62 = arith.constant 128 : i32
    %parallel_loop3A_63 = arith.constant 1 : i32
    scf.for %parallel_loop3A_97 = %parallel_loop3A_61 to %parallel_loop3A_62 step %parallel_loop3A_63  : i32 {
      %parallel_loop3A_98 = arith.index_cast %parallel_loop3A_97 : i32 to index
      %parallel_loop3A_99 = arith.constant 0 : index
      %parallel_loop3A_100 = tpu.vector_load %arg4[%parallel_loop3A_98, %parallel_loop3A_99] {strides = array<i32>} : memref<128x200xi32, #tpu.memory_space<vmem>>, vector<16xi32>,
      %parallel_loop3A_101 = arith.constant 8 : i32
      %parallel_loop3A_102 = vector.broadcast %parallel_loop3A_101 : i32 to vector<16xi32>
      %parallel_loop3A_103 = arith.shli %parallel_loop3A_100, %parallel_loop3A_102 : vector<16xi32>
      %parallel_loop3A_104 = arith.ori %parallel_loop3A_103, %add3A_10 : vector<16xi32>
      tpu.vector_store_idx %arg6[%parallel_loop3A_104], %broadcast_in_dim3A_5 {add = true} : memref<4352xf32, #tpu.memory_space<vmem>>[vector<16xi32>], vector<16xf32>,
      %parallel_loop3A_105 = arith.index_cast %parallel_loop3A_97 : i32 to index
      %parallel_loop3A_106 = arith.constant 16 : index
      %parallel_loop3A_107 = tpu.vector_load %arg4[%parallel_loop3A_105, %parallel_loop3A_106] {strides = array<i32>} : memref<128x200xi32, #tpu.memory_space<vmem>>, vector<16xi32>,
      %parallel_loop3A_108 = arith.constant 8 : i32
      %parallel_loop3A_109 = vector.broadcast %parallel_loop3A_108 : i32 to vector<16xi32>
      %parallel_loop3A_110 = arith.shli %parallel_loop3A_107, %parallel_loop3A_109 : vector<16xi32>
      %parallel_loop3A_111 = arith.ori %parallel_loop3A_110, %add3A_13 : vector<16xi32>
      tpu.vector_store_idx %arg6[%parallel_loop3A_111], %broadcast_in_dim3A_5 {add = true} : memref<4352xf32, #tpu.memory_space<vmem>>[vector<16xi32>], vector<16xf32>,
      %parallel_loop3A_112 = arith.index_cast %parallel_loop3A_97 : i32 to index
      %parallel_loop3A_113 = arith.constant 32 : index
      %parallel_loop3A_114 = tpu.vector_load %arg4[%parallel_loop3A_112, %parallel_loop3A_113] {strides = array<i32>} : memref<128x200xi32, #tpu.memory_space<vmem>>, vector<16xi32>,
      %parallel_loop3A_115 = arith.constant 8 : i32
      %parallel_loop3A_116 = vector.broadcast %parallel_loop3A_115 : i32 to vector<16xi32>
      %parallel_loop3A_117 = arith.shli %parallel_loop3A_114, %parallel_loop3A_116 : vector<16xi32>
      %parallel_loop3A_118 = arith.ori %parallel_loop3A_117, %add3A_16 : vector<16xi32>
      tpu.vector_store_idx %arg6[%parallel_loop3A_118], %broadcast_in_dim3A_5 {add = true} : memref<4352xf32, #tpu.memory_space<vmem>>[vector<16xi32>], vector<16xf32>,
      %parallel_loop3A_119 = arith.index_cast %parallel_loop3A_97 : i32 to index
      %parallel_loop3A_120 = arith.constant 48 : index
      %parallel_loop3A_121 = tpu.vector_load %arg4[%parallel_loop3A_119, %parallel_loop3A_120] {strides = array<i32>} : memref<128x200xi32, #tpu.memory_space<vmem>>, vector<16xi32>,
      %parallel_loop3A_122 = arith.constant 8 : i32
      %parallel_loop3A_123 = vector.broadcast %parallel_loop3A_122 : i32 to vector<16xi32>
      %parallel_loop3A_124 = arith.shli %parallel_loop3A_121, %parallel_loop3A_123 : vector<16xi32>
      %parallel_loop3A_125 = arith.ori %parallel_loop3A_124, %add3A_19 : vector<16xi32>
      tpu.vector_store_idx %arg6[%parallel_loop3A_125], %broadcast_in_dim3A_5 {add = true} : memref<4352xf32, #tpu.memory_space<vmem>>[vector<16xi32>], vector<16xf32>,
      %parallel_loop3A_126 = arith.index_cast %parallel_loop3A_97 : i32 to index
      %parallel_loop3A_127 = arith.constant 64 : index
      %parallel_loop3A_128 = tpu.vector_load %arg4[%parallel_loop3A_126, %parallel_loop3A_127] {strides = array<i32>} : memref<128x200xi32, #tpu.memory_space<vmem>>, vector<16xi32>,
      %parallel_loop3A_129 = arith.constant 8 : i32
      %parallel_loop3A_130 = vector.broadcast %parallel_loop3A_129 : i32 to vector<16xi32>
      %parallel_loop3A_131 = arith.shli %parallel_loop3A_128, %parallel_loop3A_130 : vector<16xi32>
      %parallel_loop3A_132 = arith.ori %parallel_loop3A_131, %add3A_22 : vector<16xi32>
      tpu.vector_store_idx %arg6[%parallel_loop3A_132], %broadcast_in_dim3A_5 {add = true} : memref<4352xf32, #tpu.memory_space<vmem>>[vector<16xi32>], vector<16xf32>,
      %parallel_loop3A_133 = arith.index_cast %parallel_loop3A_97 : i32 to index
      %parallel_loop3A_134 = arith.constant 80 : index
      %parallel_loop3A_135 = tpu.vector_load %arg4[%parallel_loop3A_133, %parallel_loop3A_134] {strides = array<i32>} : memref<128x200xi32, #tpu.memory_space<vmem>>, vector<16xi32>,
      %parallel_loop3A_136 = arith.constant 8 : i32
      %parallel_loop3A_137 = vector.broadcast %parallel_loop3A_136 : i32 to vector<16xi32>
      %parallel_loop3A_138 = arith.shli %parallel_loop3A_135, %parallel_loop3A_137 : vector<16xi32>
      %parallel_loop3A_139 = arith.ori %parallel_loop3A_138, %add3A_25 : vector<16xi32>
      tpu.vector_store_idx %arg6[%parallel_loop3A_139], %broadcast_in_dim3A_5 {add = true} : memref<4352xf32, #tpu.memory_space<vmem>>[vector<16xi32>], vector<16xf32>,
      %parallel_loop3A_140 = arith.index_cast %parallel_loop3A_97 : i32 to index
      %parallel_loop3A_141 = arith.constant 96 : index
      %parallel_loop3A_142 = tpu.vector_load %arg4[%parallel_loop3A_140, %parallel_loop3A_141] {strides = array<i32>} : memref<128x200xi32, #tpu.memory_space<vmem>>, vector<16xi32>,
      %parallel_loop3A_143 = arith.constant 8 : i32
      %parallel_loop3A_144 = vector.broadcast %parallel_loop3A_143 : i32 to vector<16xi32>
      %parallel_loop3A_145 = arith.shli %parallel_loop3A_142, %parallel_loop3A_144 : vector<16xi32>
      %parallel_loop3A_146 = arith.ori %parallel_loop3A_145, %add3A_28 : vector<16xi32>
      tpu.vector_store_idx %arg6[%parallel_loop3A_146], %broadcast_in_dim3A_5 {add = true} : memref<4352xf32, #tpu.memory_space<vmem>>[vector<16xi32>], vector<16xf32>,
      %parallel_loop3A_147 = arith.index_cast %parallel_loop3A_97 : i32 to index
      %parallel_loop3A_148 = arith.constant 112 : index
      %parallel_loop3A_149 = tpu.vector_load %arg4[%parallel_loop3A_147, %parallel_loop3A_148] {strides = array<i32>} : memref<128x200xi32, #tpu.memory_space<vmem>>, vector<16xi32>,
      %parallel_loop3A_150 = arith.constant 8 : i32
      %parallel_loop3A_151 = vector.broadcast %parallel_loop3A_150 : i32 to vector<16xi32>
      %parallel_loop3A_152 = arith.shli %parallel_loop3A_149, %parallel_loop3A_151 : vector<16xi32>
      %parallel_loop3A_153 = arith.ori %parallel_loop3A_152, %add3A_31 : vector<16xi32>
      tpu.vector_store_idx %arg6[%parallel_loop3A_153], %broadcast_in_dim3A_5 {add = true} : memref<4352xf32, #tpu.memory_space<vmem>>[vector<16xi32>], vector<16xf32>,
      %parallel_loop3A_154 = arith.index_cast %parallel_loop3A_97 : i32 to index
      %parallel_loop3A_155 = arith.constant 128 : index
      %parallel_loop3A_156 = tpu.vector_load %arg4[%parallel_loop3A_154, %parallel_loop3A_155] {strides = array<i32>} : memref<128x200xi32, #tpu.memory_space<vmem>>, vector<16xi32>,
      %parallel_loop3A_157 = arith.constant 8 : i32
      %parallel_loop3A_158 = vector.broadcast %parallel_loop3A_157 : i32 to vector<16xi32>
      %parallel_loop3A_159 = arith.shli %parallel_loop3A_156, %parallel_loop3A_158 : vector<16xi32>
      %parallel_loop3A_160 = arith.ori %parallel_loop3A_159, %add3A_34 : vector<16xi32>
      tpu.vector_store_idx %arg6[%parallel_loop3A_160], %broadcast_in_dim3A_5 {add = true} : memref<4352xf32, #tpu.memory_space<vmem>>[vector<16xi32>], vector<16xf32>,
      %parallel_loop3A_161 = arith.index_cast %parallel_loop3A_97 : i32 to index
      %parallel_loop3A_162 = arith.constant 144 : index
      %parallel_loop3A_163 = tpu.vector_load %arg4[%parallel_loop3A_161, %parallel_loop3A_162] {strides = array<i32>} : memref<128x200xi32, #tpu.memory_space<vmem>>, vector<16xi32>,
      %parallel_loop3A_164 = arith.constant 8 : i32
      %parallel_loop3A_165 = vector.broadcast %parallel_loop3A_164 : i32 to vector<16xi32>
      %parallel_loop3A_166 = arith.shli %parallel_loop3A_163, %parallel_loop3A_165 : vector<16xi32>
      %parallel_loop3A_167 = arith.ori %parallel_loop3A_166, %add3A_37 : vector<16xi32>
      tpu.vector_store_idx %arg6[%parallel_loop3A_167], %broadcast_in_dim3A_5 {add = true} : memref<4352xf32, #tpu.memory_space<vmem>>[vector<16xi32>], vector<16xf32>,
      %parallel_loop3A_168 = arith.index_cast %parallel_loop3A_97 : i32 to index
      %parallel_loop3A_169 = arith.constant 160 : index
      %parallel_loop3A_170 = tpu.vector_load %arg4[%parallel_loop3A_168, %parallel_loop3A_169] {strides = array<i32>} : memref<128x200xi32, #tpu.memory_space<vmem>>, vector<16xi32>,
      %parallel_loop3A_171 = arith.constant 8 : i32
      %parallel_loop3A_172 = vector.broadcast %parallel_loop3A_171 : i32 to vector<16xi32>
      %parallel_loop3A_173 = arith.shli %parallel_loop3A_170, %parallel_loop3A_172 : vector<16xi32>
      %parallel_loop3A_174 = arith.ori %parallel_loop3A_173, %add3A_40 : vector<16xi32>
      tpu.vector_store_idx %arg6[%parallel_loop3A_174], %broadcast_in_dim3A_5 {add = true} : memref<4352xf32, #tpu.memory_space<vmem>>[vector<16xi32>], vector<16xf32>,
      %parallel_loop3A_175 = arith.index_cast %parallel_loop3A_97 : i32 to index
      %parallel_loop3A_176 = arith.constant 176 : index
      %parallel_loop3A_177 = tpu.vector_load %arg4[%parallel_loop3A_175, %parallel_loop3A_176] {strides = array<i32>} : memref<128x200xi32, #tpu.memory_space<vmem>>, vector<16xi32>,
      %parallel_loop3A_178 = arith.constant 8 : i32
      %parallel_loop3A_179 = vector.broadcast %parallel_loop3A_178 : i32 to vector<16xi32>
      %parallel_loop3A_180 = arith.shli %parallel_loop3A_177, %parallel_loop3A_179 : vector<16xi32>
      %parallel_loop3A_181 = arith.ori %parallel_loop3A_180, %add3A_43 : vector<16xi32>
      tpu.vector_store_idx %arg6[%parallel_loop3A_181], %broadcast_in_dim3A_5 {add = true} : memref<4352xf32, #tpu.memory_space<vmem>>[vector<16xi32>], vector<16xf32>,
      %parallel_loop3A_182 = arith.index_cast %parallel_loop3A_97 : i32 to index
      %parallel_loop3A_183 = arith.constant 184 : index
      %parallel_loop3A_184 = tpu.vector_load %arg4[%parallel_loop3A_182, %parallel_loop3A_183] {strides = array<i32>} : memref<128x200xi32, #tpu.memory_space<vmem>>, vector<16xi32>,
      %parallel_loop3A_185 = arith.constant 8 : i32
      %parallel_loop3A_186 = vector.broadcast %parallel_loop3A_185 : i32 to vector<16xi32>
      %parallel_loop3A_187 = arith.shli %parallel_loop3A_184, %parallel_loop3A_186 : vector<16xi32>
      %parallel_loop3A_188 = arith.ori %parallel_loop3A_187, %add3A_46 : vector<16xi32>
      tpu.vector_store_idx %arg6[%parallel_loop3A_188], %broadcast_in_dim3A_5 masked %ge3A_7 {add = true} : memref<4352xf32, #tpu.memory_space<vmem>>[vector<16xi32>], vector<16xf32>, vector<16xi1>
    } {sc.loop_unroll_factor = 4 : i64, sc.parallel_access}
    %add3A_64 = arith.constant 256 : i32
    %add3A_65 = arith.addi %mul3A_4, %add3A_64 : i32
    %dma_start3A_66 = arith.constant 0 : i32
    %dma_start3A_67 = tpu.memref_slice %arg2[%add3A_65, %dma_start3A_66] : memref<16384x200xi32, #tpu.memory_space<hbm>> -> memref<128x200xi32, #tpu.memory_space<hbm>>
    %dma_start3A_68 = arith.constant 0 : i32
    %dma_start3A_69 = tpu.memref_slice %arg2[%add3A_65, %dma_start3A_68] : memref<16384x200xi32, #tpu.memory_space<hbm>> -> memref<128x200xi32, #tpu.memory_space<hbm>>
    tpu.enqueue_dma source(%dma_start3A_69 : memref<128x200xi32, #tpu.memory_space<hbm>>) target(%arg4 : memref<128x200xi32, #tpu.memory_space<vmem>>) target_semaphore(%arg7 : memref<!tpu.dma_semaphore, #tpu.memory_space<semaphore_mem>>)
    %dma_wait3A_70 = arith.constant 0 : i32
    %dma_wait3A_71 = tpu.memref_slice %arg2[%add3A_53, %dma_wait3A_70] : memref<16384x200xi32, #tpu.memory_space<hbm>> -> memref<128x200xi32, #tpu.memory_space<hbm>>
    %dma_wait3A_72 = arith.constant 0 : i32
    %dma_wait3A_73 = tpu.memref_slice %arg2[%add3A_53, %dma_wait3A_72] : memref<16384x200xi32, #tpu.memory_space<hbm>> -> memref<128x200xi32, #tpu.memory_space<hbm>>
    tpu.wait_dma2 semaphore(%arg8 : memref<!tpu.dma_semaphore, #tpu.memory_space<semaphore_mem>>) src(%dma_wait3A_73 : memref<128x200xi32, #tpu.memory_space<hbm>>) dst(%arg5 : memref<128x200xi32, #tpu.memory_space<vmem>>)
    %parallel_loop3A_74 = arith.constant 0 : i32
    %parallel_loop3A_75 = arith.constant 128 : i32
    %parallel_loop3A_76 = arith.constant 1 : i32
    scf.for %parallel_loop3A_97 = %parallel_loop3A_74 to %parallel_loop3A_75 step %parallel_loop3A_76  : i32 {
      %parallel_loop3A_98 = arith.index_cast %parallel_loop3A_97 : i32 to index
      %parallel_loop3A_99 = arith.constant 0 : index
      %parallel_loop3A_100 = tpu.vector_load %arg5[%parallel_loop3A_98, %parallel_loop3A_99] {strides = array<i32>} : memref<128x200xi32, #tpu.memory_space<vmem>>, vector<16xi32>,
      %parallel_loop3A_101 = arith.constant 8 : i32
      %parallel_loop3A_102 = vector.broadcast %parallel_loop3A_101 : i32 to vector<16xi32>
      %parallel_loop3A_103 = arith.shli %parallel_loop3A_100, %parallel_loop3A_102 : vector<16xi32>
      %parallel_loop3A_104 = arith.ori %parallel_loop3A_103, %add3A_10 : vector<16xi32>
      tpu.vector_store_idx %arg6[%parallel_loop3A_104], %broadcast_in_dim3A_5 {add = true} : memref<4352xf32, #tpu.memory_space<vmem>>[vector<16xi32>], vector<16xf32>,
      %parallel_loop3A_105 = arith.index_cast %parallel_loop3A_97 : i32 to index
      %parallel_loop3A_106 = arith.constant 16 : index
      %parallel_loop3A_107 = tpu.vector_load %arg5[%parallel_loop3A_105, %parallel_loop3A_106] {strides = array<i32>} : memref<128x200xi32, #tpu.memory_space<vmem>>, vector<16xi32>,
      %parallel_loop3A_108 = arith.constant 8 : i32
      %parallel_loop3A_109 = vector.broadcast %parallel_loop3A_108 : i32 to vector<16xi32>
      %parallel_loop3A_110 = arith.shli %parallel_loop3A_107, %parallel_loop3A_109 : vector<16xi32>
      %parallel_loop3A_111 = arith.ori %parallel_loop3A_110, %add3A_13 : vector<16xi32>
      tpu.vector_store_idx %arg6[%parallel_loop3A_111], %broadcast_in_dim3A_5 {add = true} : memref<4352xf32, #tpu.memory_space<vmem>>[vector<16xi32>], vector<16xf32>,
      %parallel_loop3A_112 = arith.index_cast %parallel_loop3A_97 : i32 to index
      %parallel_loop3A_113 = arith.constant 32 : index
      %parallel_loop3A_114 = tpu.vector_load %arg5[%parallel_loop3A_112, %parallel_loop3A_113] {strides = array<i32>} : memref<128x200xi32, #tpu.memory_space<vmem>>, vector<16xi32>,
      %parallel_loop3A_115 = arith.constant 8 : i32
      %parallel_loop3A_116 = vector.broadcast %parallel_loop3A_115 : i32 to vector<16xi32>
      %parallel_loop3A_117 = arith.shli %parallel_loop3A_114, %parallel_loop3A_116 : vector<16xi32>
      %parallel_loop3A_118 = arith.ori %parallel_loop3A_117, %add3A_16 : vector<16xi32>
      tpu.vector_store_idx %arg6[%parallel_loop3A_118], %broadcast_in_dim3A_5 {add = true} : memref<4352xf32, #tpu.memory_space<vmem>>[vector<16xi32>], vector<16xf32>,
      %parallel_loop3A_119 = arith.index_cast %parallel_loop3A_97 : i32 to index
      %parallel_loop3A_120 = arith.constant 48 : index
      %parallel_loop3A_121 = tpu.vector_load %arg5[%parallel_loop3A_119, %parallel_loop3A_120] {strides = array<i32>} : memref<128x200xi32, #tpu.memory_space<vmem>>, vector<16xi32>,
      %parallel_loop3A_122 = arith.constant 8 : i32
      %parallel_loop3A_123 = vector.broadcast %parallel_loop3A_122 : i32 to vector<16xi32>
      %parallel_loop3A_124 = arith.shli %parallel_loop3A_121, %parallel_loop3A_123 : vector<16xi32>
      %parallel_loop3A_125 = arith.ori %parallel_loop3A_124, %add3A_19 : vector<16xi32>
      tpu.vector_store_idx %arg6[%parallel_loop3A_125], %broadcast_in_dim3A_5 {add = true} : memref<4352xf32, #tpu.memory_space<vmem>>[vector<16xi32>], vector<16xf32>,
      %parallel_loop3A_126 = arith.index_cast %parallel_loop3A_97 : i32 to index
      %parallel_loop3A_127 = arith.constant 64 : index
      %parallel_loop3A_128 = tpu.vector_load %arg5[%parallel_loop3A_126, %parallel_loop3A_127] {strides = array<i32>} : memref<128x200xi32, #tpu.memory_space<vmem>>, vector<16xi32>,
      %parallel_loop3A_129 = arith.constant 8 : i32
      %parallel_loop3A_130 = vector.broadcast %parallel_loop3A_129 : i32 to vector<16xi32>
      %parallel_loop3A_131 = arith.shli %parallel_loop3A_128, %parallel_loop3A_130 : vector<16xi32>
      %parallel_loop3A_132 = arith.ori %parallel_loop3A_131, %add3A_22 : vector<16xi32>
      tpu.vector_store_idx %arg6[%parallel_loop3A_132], %broadcast_in_dim3A_5 {add = true} : memref<4352xf32, #tpu.memory_space<vmem>>[vector<16xi32>], vector<16xf32>,
      %parallel_loop3A_133 = arith.index_cast %parallel_loop3A_97 : i32 to index
      %parallel_loop3A_134 = arith.constant 80 : index
      %parallel_loop3A_135 = tpu.vector_load %arg5[%parallel_loop3A_133, %parallel_loop3A_134] {strides = array<i32>} : memref<128x200xi32, #tpu.memory_space<vmem>>, vector<16xi32>,
      %parallel_loop3A_136 = arith.constant 8 : i32
      %parallel_loop3A_137 = vector.broadcast %parallel_loop3A_136 : i32 to vector<16xi32>
      %parallel_loop3A_138 = arith.shli %parallel_loop3A_135, %parallel_loop3A_137 : vector<16xi32>
      %parallel_loop3A_139 = arith.ori %parallel_loop3A_138, %add3A_25 : vector<16xi32>
      tpu.vector_store_idx %arg6[%parallel_loop3A_139], %broadcast_in_dim3A_5 {add = true} : memref<4352xf32, #tpu.memory_space<vmem>>[vector<16xi32>], vector<16xf32>,
      %parallel_loop3A_140 = arith.index_cast %parallel_loop3A_97 : i32 to index
      %parallel_loop3A_141 = arith.constant 96 : index
      %parallel_loop3A_142 = tpu.vector_load %arg5[%parallel_loop3A_140, %parallel_loop3A_141] {strides = array<i32>} : memref<128x200xi32, #tpu.memory_space<vmem>>, vector<16xi32>,
      %parallel_loop3A_143 = arith.constant 8 : i32
      %parallel_loop3A_144 = vector.broadcast %parallel_loop3A_143 : i32 to vector<16xi32>
      %parallel_loop3A_145 = arith.shli %parallel_loop3A_142, %parallel_loop3A_144 : vector<16xi32>
      %parallel_loop3A_146 = arith.ori %parallel_loop3A_145, %add3A_28 : vector<16xi32>
      tpu.vector_store_idx %arg6[%parallel_loop3A_146], %broadcast_in_dim3A_5 {add = true} : memref<4352xf32, #tpu.memory_space<vmem>>[vector<16xi32>], vector<16xf32>,
      %parallel_loop3A_147 = arith.index_cast %parallel_loop3A_97 : i32 to index
      %parallel_loop3A_148 = arith.constant 112 : index
      %parallel_loop3A_149 = tpu.vector_load %arg5[%parallel_loop3A_147, %parallel_loop3A_148] {strides = array<i32>} : memref<128x200xi32, #tpu.memory_space<vmem>>, vector<16xi32>,
      %parallel_loop3A_150 = arith.constant 8 : i32
      %parallel_loop3A_151 = vector.broadcast %parallel_loop3A_150 : i32 to vector<16xi32>
      %parallel_loop3A_152 = arith.shli %parallel_loop3A_149, %parallel_loop3A_151 : vector<16xi32>
      %parallel_loop3A_153 = arith.ori %parallel_loop3A_152, %add3A_31 : vector<16xi32>
      tpu.vector_store_idx %arg6[%parallel_loop3A_153], %broadcast_in_dim3A_5 {add = true} : memref<4352xf32, #tpu.memory_space<vmem>>[vector<16xi32>], vector<16xf32>,
      %parallel_loop3A_154 = arith.index_cast %parallel_loop3A_97 : i32 to index
      %parallel_loop3A_155 = arith.constant 128 : index
      %parallel_loop3A_156 = tpu.vector_load %arg5[%parallel_loop3A_154, %parallel_loop3A_155] {strides = array<i32>} : memref<128x200xi32, #tpu.memory_space<vmem>>, vector<16xi32>,
      %parallel_loop3A_157 = arith.constant 8 : i32
      %parallel_loop3A_158 = vector.broadcast %parallel_loop3A_157 : i32 to vector<16xi32>
      %parallel_loop3A_159 = arith.shli %parallel_loop3A_156, %parallel_loop3A_158 : vector<16xi32>
      %parallel_loop3A_160 = arith.ori %parallel_loop3A_159, %add3A_34 : vector<16xi32>
      tpu.vector_store_idx %arg6[%parallel_loop3A_160], %broadcast_in_dim3A_5 {add = true} : memref<4352xf32, #tpu.memory_space<vmem>>[vector<16xi32>], vector<16xf32>,
      %parallel_loop3A_161 = arith.index_cast %parallel_loop3A_97 : i32 to index
      %parallel_loop3A_162 = arith.constant 144 : index
      %parallel_loop3A_163 = tpu.vector_load %arg5[%parallel_loop3A_161, %parallel_loop3A_162] {strides = array<i32>} : memref<128x200xi32, #tpu.memory_space<vmem>>, vector<16xi32>,
      %parallel_loop3A_164 = arith.constant 8 : i32
      %parallel_loop3A_165 = vector.broadcast %parallel_loop3A_164 : i32 to vector<16xi32>
      %parallel_loop3A_166 = arith.shli %parallel_loop3A_163, %parallel_loop3A_165 : vector<16xi32>
      %parallel_loop3A_167 = arith.ori %parallel_loop3A_166, %add3A_37 : vector<16xi32>
      tpu.vector_store_idx %arg6[%parallel_loop3A_167], %broadcast_in_dim3A_5 {add = true} : memref<4352xf32, #tpu.memory_space<vmem>>[vector<16xi32>], vector<16xf32>,
      %parallel_loop3A_168 = arith.index_cast %parallel_loop3A_97 : i32 to index
      %parallel_loop3A_169 = arith.constant 160 : index
      %parallel_loop3A_170 = tpu.vector_load %arg5[%parallel_loop3A_168, %parallel_loop3A_169] {strides = array<i32>} : memref<128x200xi32, #tpu.memory_space<vmem>>, vector<16xi32>,
      %parallel_loop3A_171 = arith.constant 8 : i32
      %parallel_loop3A_172 = vector.broadcast %parallel_loop3A_171 : i32 to vector<16xi32>
      %parallel_loop3A_173 = arith.shli %parallel_loop3A_170, %parallel_loop3A_172 : vector<16xi32>
      %parallel_loop3A_174 = arith.ori %parallel_loop3A_173, %add3A_40 : vector<16xi32>
      tpu.vector_store_idx %arg6[%parallel_loop3A_174], %broadcast_in_dim3A_5 {add = true} : memref<4352xf32, #tpu.memory_space<vmem>>[vector<16xi32>], vector<16xf32>,
      %parallel_loop3A_175 = arith.index_cast %parallel_loop3A_97 : i32 to index
      %parallel_loop3A_176 = arith.constant 176 : index
      %parallel_loop3A_177 = tpu.vector_load %arg5[%parallel_loop3A_175, %parallel_loop3A_176] {strides = array<i32>} : memref<128x200xi32, #tpu.memory_space<vmem>>, vector<16xi32>,
      %parallel_loop3A_178 = arith.constant 8 : i32
      %parallel_loop3A_179 = vector.broadcast %parallel_loop3A_178 : i32 to vector<16xi32>
      %parallel_loop3A_180 = arith.shli %parallel_loop3A_177, %parallel_loop3A_179 : vector<16xi32>
      %parallel_loop3A_181 = arith.ori %parallel_loop3A_180, %add3A_43 : vector<16xi32>
      tpu.vector_store_idx %arg6[%parallel_loop3A_181], %broadcast_in_dim3A_5 {add = true} : memref<4352xf32, #tpu.memory_space<vmem>>[vector<16xi32>], vector<16xf32>,
      %parallel_loop3A_182 = arith.index_cast %parallel_loop3A_97 : i32 to index
      %parallel_loop3A_183 = arith.constant 184 : index
      %parallel_loop3A_184 = tpu.vector_load %arg5[%parallel_loop3A_182, %parallel_loop3A_183] {strides = array<i32>} : memref<128x200xi32, #tpu.memory_space<vmem>>, vector<16xi32>,
      %parallel_loop3A_185 = arith.constant 8 : i32
      %parallel_loop3A_186 = vector.broadcast %parallel_loop3A_185 : i32 to vector<16xi32>
      %parallel_loop3A_187 = arith.shli %parallel_loop3A_184, %parallel_loop3A_186 : vector<16xi32>
      %parallel_loop3A_188 = arith.ori %parallel_loop3A_187, %add3A_46 : vector<16xi32>
      tpu.vector_store_idx %arg6[%parallel_loop3A_188], %broadcast_in_dim3A_5 masked %ge3A_7 {add = true} : memref<4352xf32, #tpu.memory_space<vmem>>[vector<16xi32>], vector<16xf32>, vector<16xi1>
    } {sc.loop_unroll_factor = 4 : i64, sc.parallel_access}
    %add3A_77 = arith.constant 384 : i32
    %add3A_78 = arith.addi %mul3A_4, %add3A_77 : i32
    %dma_start3A_79 = arith.constant 0 : i32
    %dma_start3A_80 = tpu.memref_slice %arg2[%add3A_78, %dma_start3A_79] : memref<16384x200xi32, #tpu.memory_space<hbm>> -> memref<128x200xi32, #tpu.memory_space<hbm>>
    %dma_start3A_81 = arith.constant 0 : i32
    %dma_start3A_82 = tpu.memref_slice %arg2[%add3A_78, %dma_start3A_81] : memref<16384x200xi32, #tpu.memory_space<hbm>> -> memref<128x200xi32, #tpu.memory_space<hbm>>
    tpu.enqueue_dma source(%dma_start3A_82 : memref<128x200xi32, #tpu.memory_space<hbm>>) target(%arg5 : memref<128x200xi32, #tpu.memory_space<vmem>>) target_semaphore(%arg8 : memref<!tpu.dma_semaphore, #tpu.memory_space<semaphore_mem>>)
    %dma_wait3A_83 = arith.constant 0 : i32
    %dma_wait3A_84 = tpu.memref_slice %arg2[%add3A_65, %dma_wait3A_83] : memref<16384x200xi32, #tpu.memory_space<hbm>> -> memref<128x200xi32, #tpu.memory_space<hbm>>
    %dma_wait3A_85 = arith.constant 0 : i32
    %dma_wait3A_86 = tpu.memref_slice %arg2[%add3A_65, %dma_wait3A_85] : memref<16384x200xi32, #tpu.memory_space<hbm>> -> memref<128x200xi32, #tpu.memory_space<hbm>>
    tpu.wait_dma2 semaphore(%arg7 : memref<!tpu.dma_semaphore, #tpu.memory_space<semaphore_mem>>) src(%dma_wait3A_86 : memref<128x200xi32, #tpu.memory_space<hbm>>) dst(%arg4 : memref<128x200xi32, #tpu.memory_space<vmem>>)
    %parallel_loop3A_87 = arith.constant 0 : i32
    %parallel_loop3A_88 = arith.constant 128 : i32
    %parallel_loop3A_89 = arith.constant 1 : i32
    scf.for %parallel_loop3A_97 = %parallel_loop3A_87 to %parallel_loop3A_88 step %parallel_loop3A_89  : i32 {
      %parallel_loop3A_98 = arith.index_cast %parallel_loop3A_97 : i32 to index
      %parallel_loop3A_99 = arith.constant 0 : index
      %parallel_loop3A_100 = tpu.vector_load %arg4[%parallel_loop3A_98, %parallel_loop3A_99] {strides = array<i32>} : memref<128x200xi32, #tpu.memory_space<vmem>>, vector<16xi32>,
      %parallel_loop3A_101 = arith.constant 8 : i32
      %parallel_loop3A_102 = vector.broadcast %parallel_loop3A_101 : i32 to vector<16xi32>
      %parallel_loop3A_103 = arith.shli %parallel_loop3A_100, %parallel_loop3A_102 : vector<16xi32>
      %parallel_loop3A_104 = arith.ori %parallel_loop3A_103, %add3A_10 : vector<16xi32>
      tpu.vector_store_idx %arg6[%parallel_loop3A_104], %broadcast_in_dim3A_5 {add = true} : memref<4352xf32, #tpu.memory_space<vmem>>[vector<16xi32>], vector<16xf32>,
      %parallel_loop3A_105 = arith.index_cast %parallel_loop3A_97 : i32 to index
      %parallel_loop3A_106 = arith.constant 16 : index
      %parallel_loop3A_107 = tpu.vector_load %arg4[%parallel_loop3A_105, %parallel_loop3A_106] {strides = array<i32>} : memref<128x200xi32, #tpu.memory_space<vmem>>, vector<16xi32>,
      %parallel_loop3A_108 = arith.constant 8 : i32
      %parallel_loop3A_109 = vector.broadcast %parallel_loop3A_108 : i32 to vector<16xi32>
      %parallel_loop3A_110 = arith.shli %parallel_loop3A_107, %parallel_loop3A_109 : vector<16xi32>
      %parallel_loop3A_111 = arith.ori %parallel_loop3A_110, %add3A_13 : vector<16xi32>
      tpu.vector_store_idx %arg6[%parallel_loop3A_111], %broadcast_in_dim3A_5 {add = true} : memref<4352xf32, #tpu.memory_space<vmem>>[vector<16xi32>], vector<16xf32>,
      %parallel_loop3A_112 = arith.index_cast %parallel_loop3A_97 : i32 to index
      %parallel_loop3A_113 = arith.constant 32 : index
      %parallel_loop3A_114 = tpu.vector_load %arg4[%parallel_loop3A_112, %parallel_loop3A_113] {strides = array<i32>} : memref<128x200xi32, #tpu.memory_space<vmem>>, vector<16xi32>,
      %parallel_loop3A_115 = arith.constant 8 : i32
      %parallel_loop3A_116 = vector.broadcast %parallel_loop3A_115 : i32 to vector<16xi32>
      %parallel_loop3A_117 = arith.shli %parallel_loop3A_114, %parallel_loop3A_116 : vector<16xi32>
      %parallel_loop3A_118 = arith.ori %parallel_loop3A_117, %add3A_16 : vector<16xi32>
      tpu.vector_store_idx %arg6[%parallel_loop3A_118], %broadcast_in_dim3A_5 {add = true} : memref<4352xf32, #tpu.memory_space<vmem>>[vector<16xi32>], vector<16xf32>,
      %parallel_loop3A_119 = arith.index_cast %parallel_loop3A_97 : i32 to index
      %parallel_loop3A_120 = arith.constant 48 : index
      %parallel_loop3A_121 = tpu.vector_load %arg4[%parallel_loop3A_119, %parallel_loop3A_120] {strides = array<i32>} : memref<128x200xi32, #tpu.memory_space<vmem>>, vector<16xi32>,
      %parallel_loop3A_122 = arith.constant 8 : i32
      %parallel_loop3A_123 = vector.broadcast %parallel_loop3A_122 : i32 to vector<16xi32>
      %parallel_loop3A_124 = arith.shli %parallel_loop3A_121, %parallel_loop3A_123 : vector<16xi32>
      %parallel_loop3A_125 = arith.ori %parallel_loop3A_124, %add3A_19 : vector<16xi32>
      tpu.vector_store_idx %arg6[%parallel_loop3A_125], %broadcast_in_dim3A_5 {add = true} : memref<4352xf32, #tpu.memory_space<vmem>>[vector<16xi32>], vector<16xf32>,
      %parallel_loop3A_126 = arith.index_cast %parallel_loop3A_97 : i32 to index
      %parallel_loop3A_127 = arith.constant 64 : index
      %parallel_loop3A_128 = tpu.vector_load %arg4[%parallel_loop3A_126, %parallel_loop3A_127] {strides = array<i32>} : memref<128x200xi32, #tpu.memory_space<vmem>>, vector<16xi32>,
      %parallel_loop3A_129 = arith.constant 8 : i32
      %parallel_loop3A_130 = vector.broadcast %parallel_loop3A_129 : i32 to vector<16xi32>
      %parallel_loop3A_131 = arith.shli %parallel_loop3A_128, %parallel_loop3A_130 : vector<16xi32>
      %parallel_loop3A_132 = arith.ori %parallel_loop3A_131, %add3A_22 : vector<16xi32>
      tpu.vector_store_idx %arg6[%parallel_loop3A_132], %broadcast_in_dim3A_5 {add = true} : memref<4352xf32, #tpu.memory_space<vmem>>[vector<16xi32>], vector<16xf32>,
      %parallel_loop3A_133 = arith.index_cast %parallel_loop3A_97 : i32 to index
      %parallel_loop3A_134 = arith.constant 80 : index
      %parallel_loop3A_135 = tpu.vector_load %arg4[%parallel_loop3A_133, %parallel_loop3A_134] {strides = array<i32>} : memref<128x200xi32, #tpu.memory_space<vmem>>, vector<16xi32>,
      %parallel_loop3A_136 = arith.constant 8 : i32
      %parallel_loop3A_137 = vector.broadcast %parallel_loop3A_136 : i32 to vector<16xi32>
      %parallel_loop3A_138 = arith.shli %parallel_loop3A_135, %parallel_loop3A_137 : vector<16xi32>
      %parallel_loop3A_139 = arith.ori %parallel_loop3A_138, %add3A_25 : vector<16xi32>
      tpu.vector_store_idx %arg6[%parallel_loop3A_139], %broadcast_in_dim3A_5 {add = true} : memref<4352xf32, #tpu.memory_space<vmem>>[vector<16xi32>], vector<16xf32>,
      %parallel_loop3A_140 = arith.index_cast %parallel_loop3A_97 : i32 to index
      %parallel_loop3A_141 = arith.constant 96 : index
      %parallel_loop3A_142 = tpu.vector_load %arg4[%parallel_loop3A_140, %parallel_loop3A_141] {strides = array<i32>} : memref<128x200xi32, #tpu.memory_space<vmem>>, vector<16xi32>,
      %parallel_loop3A_143 = arith.constant 8 : i32
      %parallel_loop3A_144 = vector.broadcast %parallel_loop3A_143 : i32 to vector<16xi32>
      %parallel_loop3A_145 = arith.shli %parallel_loop3A_142, %parallel_loop3A_144 : vector<16xi32>
      %parallel_loop3A_146 = arith.ori %parallel_loop3A_145, %add3A_28 : vector<16xi32>
      tpu.vector_store_idx %arg6[%parallel_loop3A_146], %broadcast_in_dim3A_5 {add = true} : memref<4352xf32, #tpu.memory_space<vmem>>[vector<16xi32>], vector<16xf32>,
      %parallel_loop3A_147 = arith.index_cast %parallel_loop3A_97 : i32 to index
      %parallel_loop3A_148 = arith.constant 112 : index
      %parallel_loop3A_149 = tpu.vector_load %arg4[%parallel_loop3A_147, %parallel_loop3A_148] {strides = array<i32>} : memref<128x200xi32, #tpu.memory_space<vmem>>, vector<16xi32>,
      %parallel_loop3A_150 = arith.constant 8 : i32
      %parallel_loop3A_151 = vector.broadcast %parallel_loop3A_150 : i32 to vector<16xi32>
      %parallel_loop3A_152 = arith.shli %parallel_loop3A_149, %parallel_loop3A_151 : vector<16xi32>
      %parallel_loop3A_153 = arith.ori %parallel_loop3A_152, %add3A_31 : vector<16xi32>
      tpu.vector_store_idx %arg6[%parallel_loop3A_153], %broadcast_in_dim3A_5 {add = true} : memref<4352xf32, #tpu.memory_space<vmem>>[vector<16xi32>], vector<16xf32>,
      %parallel_loop3A_154 = arith.index_cast %parallel_loop3A_97 : i32 to index
      %parallel_loop3A_155 = arith.constant 128 : index
      %parallel_loop3A_156 = tpu.vector_load %arg4[%parallel_loop3A_154, %parallel_loop3A_155] {strides = array<i32>} : memref<128x200xi32, #tpu.memory_space<vmem>>, vector<16xi32>,
      %parallel_loop3A_157 = arith.constant 8 : i32
      %parallel_loop3A_158 = vector.broadcast %parallel_loop3A_157 : i32 to vector<16xi32>
      %parallel_loop3A_159 = arith.shli %parallel_loop3A_156, %parallel_loop3A_158 : vector<16xi32>
      %parallel_loop3A_160 = arith.ori %parallel_loop3A_159, %add3A_34 : vector<16xi32>
      tpu.vector_store_idx %arg6[%parallel_loop3A_160], %broadcast_in_dim3A_5 {add = true} : memref<4352xf32, #tpu.memory_space<vmem>>[vector<16xi32>], vector<16xf32>,
      %parallel_loop3A_161 = arith.index_cast %parallel_loop3A_97 : i32 to index
      %parallel_loop3A_162 = arith.constant 144 : index
      %parallel_loop3A_163 = tpu.vector_load %arg4[%parallel_loop3A_161, %parallel_loop3A_162] {strides = array<i32>} : memref<128x200xi32, #tpu.memory_space<vmem>>, vector<16xi32>,
      %parallel_loop3A_164 = arith.constant 8 : i32
      %parallel_loop3A_165 = vector.broadcast %parallel_loop3A_164 : i32 to vector<16xi32>
      %parallel_loop3A_166 = arith.shli %parallel_loop3A_163, %parallel_loop3A_165 : vector<16xi32>
      %parallel_loop3A_167 = arith.ori %parallel_loop3A_166, %add3A_37 : vector<16xi32>
      tpu.vector_store_idx %arg6[%parallel_loop3A_167], %broadcast_in_dim3A_5 {add = true} : memref<4352xf32, #tpu.memory_space<vmem>>[vector<16xi32>], vector<16xf32>,
      %parallel_loop3A_168 = arith.index_cast %parallel_loop3A_97 : i32 to index
      %parallel_loop3A_169 = arith.constant 160 : index
      %parallel_loop3A_170 = tpu.vector_load %arg4[%parallel_loop3A_168, %parallel_loop3A_169] {strides = array<i32>} : memref<128x200xi32, #tpu.memory_space<vmem>>, vector<16xi32>,
      %parallel_loop3A_171 = arith.constant 8 : i32
      %parallel_loop3A_172 = vector.broadcast %parallel_loop3A_171 : i32 to vector<16xi32>
      %parallel_loop3A_173 = arith.shli %parallel_loop3A_170, %parallel_loop3A_172 : vector<16xi32>
      %parallel_loop3A_174 = arith.ori %parallel_loop3A_173, %add3A_40 : vector<16xi32>
      tpu.vector_store_idx %arg6[%parallel_loop3A_174], %broadcast_in_dim3A_5 {add = true} : memref<4352xf32, #tpu.memory_space<vmem>>[vector<16xi32>], vector<16xf32>,
      %parallel_loop3A_175 = arith.index_cast %parallel_loop3A_97 : i32 to index
      %parallel_loop3A_176 = arith.constant 176 : index
      %parallel_loop3A_177 = tpu.vector_load %arg4[%parallel_loop3A_175, %parallel_loop3A_176] {strides = array<i32>} : memref<128x200xi32, #tpu.memory_space<vmem>>, vector<16xi32>,
      %parallel_loop3A_178 = arith.constant 8 : i32
      %parallel_loop3A_179 = vector.broadcast %parallel_loop3A_178 : i32 to vector<16xi32>
      %parallel_loop3A_180 = arith.shli %parallel_loop3A_177, %parallel_loop3A_179 : vector<16xi32>
      %parallel_loop3A_181 = arith.ori %parallel_loop3A_180, %add3A_43 : vector<16xi32>
      tpu.vector_store_idx %arg6[%parallel_loop3A_181], %broadcast_in_dim3A_5 {add = true} : memref<4352xf32, #tpu.memory_space<vmem>>[vector<16xi32>], vector<16xf32>,
      %parallel_loop3A_182 = arith.index_cast %parallel_loop3A_97 : i32 to index
      %parallel_loop3A_183 = arith.constant 184 : index
      %parallel_loop3A_184 = tpu.vector_load %arg4[%parallel_loop3A_182, %parallel_loop3A_183] {strides = array<i32>} : memref<128x200xi32, #tpu.memory_space<vmem>>, vector<16xi32>,
      %parallel_loop3A_185 = arith.constant 8 : i32
      %parallel_loop3A_186 = vector.broadcast %parallel_loop3A_185 : i32 to vector<16xi32>
      %parallel_loop3A_187 = arith.shli %parallel_loop3A_184, %parallel_loop3A_186 : vector<16xi32>
      %parallel_loop3A_188 = arith.ori %parallel_loop3A_187, %add3A_46 : vector<16xi32>
      tpu.vector_store_idx %arg6[%parallel_loop3A_188], %broadcast_in_dim3A_5 masked %ge3A_7 {add = true} : memref<4352xf32, #tpu.memory_space<vmem>>[vector<16xi32>], vector<16xf32>, vector<16xi1>
    } {sc.loop_unroll_factor = 4 : i64, sc.parallel_access}
    %dma_wait3A_90 = arith.constant 0 : i32
    %dma_wait3A_91 = tpu.memref_slice %arg2[%add3A_78, %dma_wait3A_90] : memref<16384x200xi32, #tpu.memory_space<hbm>> -> memref<128x200xi32, #tpu.memory_space<hbm>>
    %dma_wait3A_92 = arith.constant 0 : i32
    %dma_wait3A_93 = tpu.memref_slice %arg2[%add3A_78, %dma_wait3A_92] : memref<16384x200xi32, #tpu.memory_space<hbm>> -> memref<128x200xi32, #tpu.memory_space<hbm>>
    tpu.wait_dma2 semaphore(%arg8 : memref<!tpu.dma_semaphore, #tpu.memory_space<semaphore_mem>>) src(%dma_wait3A_93 : memref<128x200xi32, #tpu.memory_space<hbm>>) dst(%arg5 : memref<128x200xi32, #tpu.memory_space<vmem>>)
    %parallel_loop3A_94 = arith.constant 0 : i32
    %parallel_loop3A_95 = arith.constant 128 : i32
    %parallel_loop3A_96 = arith.constant 1 : i32
    scf.for %parallel_loop3A_97 = %parallel_loop3A_94 to %parallel_loop3A_95 step %parallel_loop3A_96  : i32 {
      %parallel_loop3A_98 = arith.index_cast %parallel_loop3A_97 : i32 to index
      %parallel_loop3A_99 = arith.constant 0 : index
      %parallel_loop3A_100 = tpu.vector_load %arg5[%parallel_loop3A_98, %parallel_loop3A_99] {strides = array<i32>} : memref<128x200xi32, #tpu.memory_space<vmem>>, vector<16xi32>,
      %parallel_loop3A_101 = arith.constant 8 : i32
      %parallel_loop3A_102 = vector.broadcast %parallel_loop3A_101 : i32 to vector<16xi32>
      %parallel_loop3A_103 = arith.shli %parallel_loop3A_100, %parallel_loop3A_102 : vector<16xi32>
      %parallel_loop3A_104 = arith.ori %parallel_loop3A_103, %add3A_10 : vector<16xi32>
      tpu.vector_store_idx %arg6[%parallel_loop3A_104], %broadcast_in_dim3A_5 {add = true} : memref<4352xf32, #tpu.memory_space<vmem>>[vector<16xi32>], vector<16xf32>,
      %parallel_loop3A_105 = arith.index_cast %parallel_loop3A_97 : i32 to index
      %parallel_loop3A_106 = arith.constant 16 : index
      %parallel_loop3A_107 = tpu.vector_load %arg5[%parallel_loop3A_105, %parallel_loop3A_106] {strides = array<i32>} : memref<128x200xi32, #tpu.memory_space<vmem>>, vector<16xi32>,
      %parallel_loop3A_108 = arith.constant 8 : i32
      %parallel_loop3A_109 = vector.broadcast %parallel_loop3A_108 : i32 to vector<16xi32>
      %parallel_loop3A_110 = arith.shli %parallel_loop3A_107, %parallel_loop3A_109 : vector<16xi32>
      %parallel_loop3A_111 = arith.ori %parallel_loop3A_110, %add3A_13 : vector<16xi32>
      tpu.vector_store_idx %arg6[%parallel_loop3A_111], %broadcast_in_dim3A_5 {add = true} : memref<4352xf32, #tpu.memory_space<vmem>>[vector<16xi32>], vector<16xf32>,
      %parallel_loop3A_112 = arith.index_cast %parallel_loop3A_97 : i32 to index
      %parallel_loop3A_113 = arith.constant 32 : index
      %parallel_loop3A_114 = tpu.vector_load %arg5[%parallel_loop3A_112, %parallel_loop3A_113] {strides = array<i32>} : memref<128x200xi32, #tpu.memory_space<vmem>>, vector<16xi32>,
      %parallel_loop3A_115 = arith.constant 8 : i32
      %parallel_loop3A_116 = vector.broadcast %parallel_loop3A_115 : i32 to vector<16xi32>
      %parallel_loop3A_117 = arith.shli %parallel_loop3A_114, %parallel_loop3A_116 : vector<16xi32>
      %parallel_loop3A_118 = arith.ori %parallel_loop3A_117, %add3A_16 : vector<16xi32>
      tpu.vector_store_idx %arg6[%parallel_loop3A_118], %broadcast_in_dim3A_5 {add = true} : memref<4352xf32, #tpu.memory_space<vmem>>[vector<16xi32>], vector<16xf32>,
      %parallel_loop3A_119 = arith.index_cast %parallel_loop3A_97 : i32 to index
      %parallel_loop3A_120 = arith.constant 48 : index
      %parallel_loop3A_121 = tpu.vector_load %arg5[%parallel_loop3A_119, %parallel_loop3A_120] {strides = array<i32>} : memref<128x200xi32, #tpu.memory_space<vmem>>, vector<16xi32>,
      %parallel_loop3A_122 = arith.constant 8 : i32
      %parallel_loop3A_123 = vector.broadcast %parallel_loop3A_122 : i32 to vector<16xi32>
      %parallel_loop3A_124 = arith.shli %parallel_loop3A_121, %parallel_loop3A_123 : vector<16xi32>
      %parallel_loop3A_125 = arith.ori %parallel_loop3A_124, %add3A_19 : vector<16xi32>
      tpu.vector_store_idx %arg6[%parallel_loop3A_125], %broadcast_in_dim3A_5 {add = true} : memref<4352xf32, #tpu.memory_space<vmem>>[vector<16xi32>], vector<16xf32>,
      %parallel_loop3A_126 = arith.index_cast %parallel_loop3A_97 : i32 to index
      %parallel_loop3A_127 = arith.constant 64 : index
      %parallel_loop3A_128 = tpu.vector_load %arg5[%parallel_loop3A_126, %parallel_loop3A_127] {strides = array<i32>} : memref<128x200xi32, #tpu.memory_space<vmem>>, vector<16xi32>,
      %parallel_loop3A_129 = arith.constant 8 : i32
      %parallel_loop3A_130 = vector.broadcast %parallel_loop3A_129 : i32 to vector<16xi32>
      %parallel_loop3A_131 = arith.shli %parallel_loop3A_128, %parallel_loop3A_130 : vector<16xi32>
      %parallel_loop3A_132 = arith.ori %parallel_loop3A_131, %add3A_22 : vector<16xi32>
      tpu.vector_store_idx %arg6[%parallel_loop3A_132], %broadcast_in_dim3A_5 {add = true} : memref<4352xf32, #tpu.memory_space<vmem>>[vector<16xi32>], vector<16xf32>,
      %parallel_loop3A_133 = arith.index_cast %parallel_loop3A_97 : i32 to index
      %parallel_loop3A_134 = arith.constant 80 : index
      %parallel_loop3A_135 = tpu.vector_load %arg5[%parallel_loop3A_133, %parallel_loop3A_134] {strides = array<i32>} : memref<128x200xi32, #tpu.memory_space<vmem>>, vector<16xi32>,
      %parallel_loop3A_136 = arith.constant 8 : i32
      %parallel_loop3A_137 = vector.broadcast %parallel_loop3A_136 : i32 to vector<16xi32>
      %parallel_loop3A_138 = arith.shli %parallel_loop3A_135, %parallel_loop3A_137 : vector<16xi32>
      %parallel_loop3A_139 = arith.ori %parallel_loop3A_138, %add3A_25 : vector<16xi32>
      tpu.vector_store_idx %arg6[%parallel_loop3A_139], %broadcast_in_dim3A_5 {add = true} : memref<4352xf32, #tpu.memory_space<vmem>>[vector<16xi32>], vector<16xf32>,
      %parallel_loop3A_140 = arith.index_cast %parallel_loop3A_97 : i32 to index
      %parallel_loop3A_141 = arith.constant 96 : index
      %parallel_loop3A_142 = tpu.vector_load %arg5[%parallel_loop3A_140, %parallel_loop3A_141] {strides = array<i32>} : memref<128x200xi32, #tpu.memory_space<vmem>>, vector<16xi32>,
      %parallel_loop3A_143 = arith.constant 8 : i32
      %parallel_loop3A_144 = vector.broadcast %parallel_loop3A_143 : i32 to vector<16xi32>
      %parallel_loop3A_145 = arith.shli %parallel_loop3A_142, %parallel_loop3A_144 : vector<16xi32>
      %parallel_loop3A_146 = arith.ori %parallel_loop3A_145, %add3A_28 : vector<16xi32>
      tpu.vector_store_idx %arg6[%parallel_loop3A_146], %broadcast_in_dim3A_5 {add = true} : memref<4352xf32, #tpu.memory_space<vmem>>[vector<16xi32>], vector<16xf32>,
      %parallel_loop3A_147 = arith.index_cast %parallel_loop3A_97 : i32 to index
      %parallel_loop3A_148 = arith.constant 112 : index
      %parallel_loop3A_149 = tpu.vector_load %arg5[%parallel_loop3A_147, %parallel_loop3A_148] {strides = array<i32>} : memref<128x200xi32, #tpu.memory_space<vmem>>, vector<16xi32>,
      %parallel_loop3A_150 = arith.constant 8 : i32
      %parallel_loop3A_151 = vector.broadcast %parallel_loop3A_150 : i32 to vector<16xi32>
      %parallel_loop3A_152 = arith.shli %parallel_loop3A_149, %parallel_loop3A_151 : vector<16xi32>
      %parallel_loop3A_153 = arith.ori %parallel_loop3A_152, %add3A_31 : vector<16xi32>
      tpu.vector_store_idx %arg6[%parallel_loop3A_153], %broadcast_in_dim3A_5 {add = true} : memref<4352xf32, #tpu.memory_space<vmem>>[vector<16xi32>], vector<16xf32>,
      %parallel_loop3A_154 = arith.index_cast %parallel_loop3A_97 : i32 to index
      %parallel_loop3A_155 = arith.constant 128 : index
      %parallel_loop3A_156 = tpu.vector_load %arg5[%parallel_loop3A_154, %parallel_loop3A_155] {strides = array<i32>} : memref<128x200xi32, #tpu.memory_space<vmem>>, vector<16xi32>,
      %parallel_loop3A_157 = arith.constant 8 : i32
      %parallel_loop3A_158 = vector.broadcast %parallel_loop3A_157 : i32 to vector<16xi32>
      %parallel_loop3A_159 = arith.shli %parallel_loop3A_156, %parallel_loop3A_158 : vector<16xi32>
      %parallel_loop3A_160 = arith.ori %parallel_loop3A_159, %add3A_34 : vector<16xi32>
      tpu.vector_store_idx %arg6[%parallel_loop3A_160], %broadcast_in_dim3A_5 {add = true} : memref<4352xf32, #tpu.memory_space<vmem>>[vector<16xi32>], vector<16xf32>,
      %parallel_loop3A_161 = arith.index_cast %parallel_loop3A_97 : i32 to index
      %parallel_loop3A_162 = arith.constant 144 : index
      %parallel_loop3A_163 = tpu.vector_load %arg5[%parallel_loop3A_161, %parallel_loop3A_162] {strides = array<i32>} : memref<128x200xi32, #tpu.memory_space<vmem>>, vector<16xi32>,
      %parallel_loop3A_164 = arith.constant 8 : i32
      %parallel_loop3A_165 = vector.broadcast %parallel_loop3A_164 : i32 to vector<16xi32>
      %parallel_loop3A_166 = arith.shli %parallel_loop3A_163, %parallel_loop3A_165 : vector<16xi32>
      %parallel_loop3A_167 = arith.ori %parallel_loop3A_166, %add3A_37 : vector<16xi32>
      tpu.vector_store_idx %arg6[%parallel_loop3A_167], %broadcast_in_dim3A_5 {add = true} : memref<4352xf32, #tpu.memory_space<vmem>>[vector<16xi32>], vector<16xf32>,
      %parallel_loop3A_168 = arith.index_cast %parallel_loop3A_97 : i32 to index
      %parallel_loop3A_169 = arith.constant 160 : index
      %parallel_loop3A_170 = tpu.vector_load %arg5[%parallel_loop3A_168, %parallel_loop3A_169] {strides = array<i32>} : memref<128x200xi32, #tpu.memory_space<vmem>>, vector<16xi32>,
      %parallel_loop3A_171 = arith.constant 8 : i32
      %parallel_loop3A_172 = vector.broadcast %parallel_loop3A_171 : i32 to vector<16xi32>
      %parallel_loop3A_173 = arith.shli %parallel_loop3A_170, %parallel_loop3A_172 : vector<16xi32>
      %parallel_loop3A_174 = arith.ori %parallel_loop3A_173, %add3A_40 : vector<16xi32>
      tpu.vector_store_idx %arg6[%parallel_loop3A_174], %broadcast_in_dim3A_5 {add = true} : memref<4352xf32, #tpu.memory_space<vmem>>[vector<16xi32>], vector<16xf32>,
      %parallel_loop3A_175 = arith.index_cast %parallel_loop3A_97 : i32 to index
      %parallel_loop3A_176 = arith.constant 176 : index
      %parallel_loop3A_177 = tpu.vector_load %arg5[%parallel_loop3A_175, %parallel_loop3A_176] {strides = array<i32>} : memref<128x200xi32, #tpu.memory_space<vmem>>, vector<16xi32>,
      %parallel_loop3A_178 = arith.constant 8 : i32
      %parallel_loop3A_179 = vector.broadcast %parallel_loop3A_178 : i32 to vector<16xi32>
      %parallel_loop3A_180 = arith.shli %parallel_loop3A_177, %parallel_loop3A_179 : vector<16xi32>
      %parallel_loop3A_181 = arith.ori %parallel_loop3A_180, %add3A_43 : vector<16xi32>
      tpu.vector_store_idx %arg6[%parallel_loop3A_181], %broadcast_in_dim3A_5 {add = true} : memref<4352xf32, #tpu.memory_space<vmem>>[vector<16xi32>], vector<16xf32>,
      %parallel_loop3A_182 = arith.index_cast %parallel_loop3A_97 : i32 to index
      %parallel_loop3A_183 = arith.constant 184 : index
      %parallel_loop3A_184 = tpu.vector_load %arg5[%parallel_loop3A_182, %parallel_loop3A_183] {strides = array<i32>} : memref<128x200xi32, #tpu.memory_space<vmem>>, vector<16xi32>,
      %parallel_loop3A_185 = arith.constant 8 : i32
      %parallel_loop3A_186 = vector.broadcast %parallel_loop3A_185 : i32 to vector<16xi32>
      %parallel_loop3A_187 = arith.shli %parallel_loop3A_184, %parallel_loop3A_186 : vector<16xi32>
      %parallel_loop3A_188 = arith.ori %parallel_loop3A_187, %add3A_46 : vector<16xi32>
      tpu.vector_store_idx %arg6[%parallel_loop3A_188], %broadcast_in_dim3A_5 masked %ge3A_7 {add = true} : memref<4352xf32, #tpu.memory_space<vmem>>[vector<16xi32>], vector<16xf32>, vector<16xi1>
    } {sc.loop_unroll_factor = 4 : i64, sc.parallel_access}
    "tpu.region"() ({
      %run_scoped3A = tpu.sem_alloc : memref<!tpu.dma_semaphore, #tpu.memory_space<semaphore_mem>>
      %dma_start3A_97 = arith.constant 0 : i32
      %dma_start3A_98 = tpu.memref_slice %arg3[%add3A, %dma_start3A_97] : memref<32x4352xf32, #tpu.memory_space<hbm>> -> memref<1x4352xf32, #tpu.memory_space<hbm>>
      %dma_start3A_99 = tpu.memref_squeeze %dma_start3A_98 : memref<1x4352xf32, #tpu.memory_space<hbm>> -> memref<4352xf32, #tpu.memory_space<hbm>>
      %dma_start3A_100 = arith.constant 0 : i32
      %dma_start3A_101 = tpu.memref_slice %arg3[%add3A, %dma_start3A_100] : memref<32x4352xf32, #tpu.memory_space<hbm>> -> memref<1x4352xf32, #tpu.memory_space<hbm>>
      %dma_start3A_102 = tpu.memref_squeeze %dma_start3A_101 : memref<1x4352xf32, #tpu.memory_space<hbm>> -> memref<4352xf32, #tpu.memory_space<hbm>>
      tpu.enqueue_dma source(%arg6 : memref<4352xf32, #tpu.memory_space<vmem>>) target(%dma_start3A_102 : memref<4352xf32, #tpu.memory_space<hbm>>) target_semaphore(%run_scoped3A : memref<!tpu.dma_semaphore, #tpu.memory_space<semaphore_mem>>)
      %dma_wait3A_103 = arith.constant 0 : i32
      %dma_wait3A_104 = tpu.memref_slice %arg3[%add3A, %dma_wait3A_103] : memref<32x4352xf32, #tpu.memory_space<hbm>> -> memref<1x4352xf32, #tpu.memory_space<hbm>>
      %dma_wait3A_105 = tpu.memref_squeeze %dma_wait3A_104 : memref<1x4352xf32, #tpu.memory_space<hbm>> -> memref<4352xf32, #tpu.memory_space<hbm>>
      %dma_wait3A_106 = arith.constant 0 : i32
      %dma_wait3A_107 = tpu.memref_slice %arg3[%add3A, %dma_wait3A_106] : memref<32x4352xf32, #tpu.memory_space<hbm>> -> memref<1x4352xf32, #tpu.memory_space<hbm>>
      %dma_wait3A_108 = tpu.memref_squeeze %dma_wait3A_107 : memref<1x4352xf32, #tpu.memory_space<hbm>> -> memref<4352xf32, #tpu.memory_space<hbm>>
      tpu.wait_dma2 semaphore(%run_scoped3A : memref<!tpu.dma_semaphore, #tpu.memory_space<semaphore_mem>>) src(%arg6 : memref<4352xf32, #tpu.memory_space<vmem>>) dst(%dma_wait3A_108 : memref<4352xf32, #tpu.memory_space<hbm>>)
      tpu.yield
    }) : () -> ()
    return
  }
}

module attributes {stable_mosaic.version = 14 : i64} {
  func.func @_tc_body(%arg0: memref<32x4352xf32, #tpu.memory_space<vmem>>, %arg1: memref<17x16xf32, #tpu.memory_space<vmem>>, %arg2: memref<17x16xf32, #tpu.memory_space<vmem>>, %arg3: memref<1x17xf32, #tpu.memory_space<vmem>>, %arg4: memref<200x17xf32, #tpu.memory_space<vmem>>) attributes {dimension_semantics = [], scalar_prefetch = 0 : i64, scratch_operands = 0 : i64, tpu.core_type = #tpu.core_type<tc>} {
    %get3A = arith.constant 0 : index
    %get3A_0 = arith.constant 0 : index
    %get3A_1 = vector.load %arg0[%get3A, %get3A_0] : memref<32x4352xf32, #tpu.memory_space<vmem>>, vector<32x4352xf32>
    %reduce_sum3A = arith.constant dense<0.000000e+00> : vector<4352xf32>
    %reduce_sum3A_2 = vector.multi_reduction <add>, %get3A_1, %reduce_sum3A [0] : vector<32x4352xf32> to vector<4352xf32>
    %reshape3A = vector.shape_cast %reduce_sum3A_2 : vector<4352xf32> to vector<17x256xf32>
    %get3A_3 = arith.constant 0 : index
    %get3A_4 = arith.constant 0 : index
    %get3A_5 = vector.load %arg1[%get3A_3, %get3A_4] : memref<17x16xf32, #tpu.memory_space<vmem>>, vector<17x16xf32>
    %dot_general3A = arith.constant dense<0.000000e+00> : vector<256x16xf32>
    %dot_general3A_6 = tpu.matmul %reshape3A, %get3A_5, %dot_general3A {dimension_numbers = #tpu.dot_dimension_numbers<[0], [0], [1], [1], [0, 1, 1, 1], [], []>, transpose_lhs_hint = false} : vector<17x256xf32>, vector<17x16xf32>, vector<256x16xf32> -> vector<256x16xf32>
    %mul3A = arith.constant 6.10351563E-5 : f32
    %mul3A_7 = vector.broadcast %mul3A : f32 to vector<256x16xf32>
    %mul3A_8 = arith.mulf %dot_general3A_6, %mul3A_7 : vector<256x16xf32>
    %get3A_9 = arith.constant 0 : index
    %get3A_10 = arith.constant 0 : index
    %get3A_11 = vector.load %arg2[%get3A_9, %get3A_10] : memref<17x16xf32, #tpu.memory_space<vmem>>, vector<17x16xf32>
    %dot_general3A_12 = arith.constant dense<0.000000e+00> : vector<256x17xf32>
    %dot_general3A_13 = tpu.matmul %mul3A_8, %get3A_11, %dot_general3A_12 {dimension_numbers = #tpu.dot_dimension_numbers<[1], [1], [0], [0], [0, 0, 1, 0], [], []>, transpose_lhs_hint = false} : vector<256x16xf32>, vector<17x16xf32>, vector<256x17xf32> -> vector<256x17xf32>
    %slice3A = vector.extract_strided_slice %dot_general3A_13 {offsets = [0, 0], sizes = [200, 17], strides = [1, 1]} : vector<256x17xf32> to vector<200x17xf32>
    %get3A_14 = arith.constant 0 : index
    %get3A_15 = arith.constant 0 : index
    %get3A_16 = vector.load %arg3[%get3A_14, %get3A_15] : memref<1x17xf32, #tpu.memory_space<vmem>>, vector<1x17xf32>
    %add3A = vector.broadcast %get3A_16 : vector<1x17xf32> to vector<200x17xf32>
    %add3A_17 = arith.addf %slice3A, %add3A : vector<200x17xf32>
    %swap3A = arith.constant 0 : index
    %swap3A_18 = arith.constant 0 : index
    %swap3A_19 = vector.load %arg4[%swap3A, %swap3A_18] : memref<200x17xf32, #tpu.memory_space<vmem>>, vector<200x17xf32>
    tpu.vector_store %arg4[%swap3A, %swap3A_18], %add3A_17 {strides = array<i32>} : memref<200x17xf32, #tpu.memory_space<vmem>>, vector<200x17xf32>,
    return
  }
}

</mosaic_0001>

<sc_bundles>
// kernel: kernel.4.cloned.1.call-start
scs
__scs_entry_jumppad:
0x0: {  	(pc) =	sbr.rel $0x88, $3  }
0x1: {  	(tag) =	ssettag $0x0;
	lr =	simm.s32 $0x1  }
0x2: {  	[smem:$0x3F9D] =	sst lr;
	_ =	strace $0xD0000000  }
0x3: {  	_ = 	snop  }
0x4: {  	_ = 	snop  }
0x5: {  	_ = 	snop  }
0x6: {  	_ = 	snop  }
0x7: {  	_ = 	snop  }
__scs_overlays_trampoline_lowered:
0x8: {  	[smem:$0x3FAC] =	sst s0  }
0x9: {  	[smem:$0x3FAD] =	sst s1  }
0xa: {  	[smem:$0x3FAE] =	sst s2  }
0xb: {  	[smem:$0x3FAF] =	sst s3  }
0xc: {  	[smem:$0x3FB0] =	sst s4  }
0xd: {  	[smem:$0x3FB1] =	sst s5  }
0xe: {  	[smem:$0x3FB2] =	sst s6  }
0xf: {  	[smem:$0x3FB3] =	sst s7  }
0x10: {  	[smem:$0x3FB4] =	sst s8  }
0x11: {  	[smem:$0x3FB5] =	sst s9;
	s0 =	simm.s32 @!p0 $0x0  }
0x12: {  	s1 =	sld [smem:$0x3F9B];
	s0 =	simm.s32 @p0 $0x1  }
0x13: {  	[smem:$0x3FB6] =	sst s0;
	s0 =	simm.s32 @!p1 $0x0  }
0x14: {  	s2 =	sld [smem:$0x3F9A];
	s0 =	simm.s32 @p1 $0x1  }
0x15: {  	[smem:$0x3FB7] =	sst s0;
	s0 =	simm.s32 @!p2 $0x0  }
0x16: {  	s3 =	sld [smem:$0x3FDB];
	s0 =	simm.s32 @p2 $0x1  }
0x17: {  	s4 =	simm.s32 $0x1BF5;
	[smem:$0x3FB9] =	sst s0  }
0x18: {  	s0 =	sld [smem:$0x3F9C];
	_ =	swait.ge [sflag:s4], $0x0  }
0x19: {  	s7 =	sld [smem:$0x3F9D]  }
0x1a: {  	s8 =	sadd.s32 $0xFFFFE003, lr  }
0x1b: {  	s9 =	sadd.s32 $0xFFFFFEF7, lr;
	s5 =	simm.s32 $0xFFFFFFFF;
	p2 =	slt.u32 s8, $0xFFFFF086  }
0x1c: {  	p1 =	slt.u32 s9, $0xF7A;
	s5 =	simm.s32 @!p2 $0x0  }
0x1d: {  	s5 =	simm.s32 @p1 $0x1;
	p0 =	seq.s32 s7, s2  }
0x1e: {  	s7 =	smul.u32 @!p0 $0xF7A, s2;
	p2 =	seq.s32 @!p0 s5, $0x0  }
0x1f: {  	s9 =	smul.u32 $0xF7A, s1;
	s8 =	simm.s32 @!p0 $0x1BF5;
	p2 =	por !p2, p0  }
0x20: {  	[sflag:s8] =	ssyncset.s32 @!p0 $0xFFFFF086;
	s6 =	sadd.s32 @!p0 s3, s7;
	s7 =	simm.s32 @!p0 $0x108  }
0x21: {  	s3 =	sadd.s32 s3, s9;
	s6 =	sadd.s32 @!p0 $0x88, s6;
	s7 =	simm.s32 @p2 $0x1082  }
0x22: {  	[simem:s7], [sflag:s8] =	dma.local @!p0 [hbm:s6], $0xF7A  }
0x23: {  	s9 =	sor.u32 $0xD0000000, s2;
	s6 =	simm.s32 $0x108;
	_ =	swait.ge @!p0 [sflag:s8], $0x0  }
0x24: {  	s3 =	sadd.s32 $0x88, s3;
	s6 =	simm.s32 @!p1 $0x1082;
	[sflag:s4] =	ssyncset.s32 $0xFFFFF086  }
0x25: {  	[simem:s6], [sflag:s4] =	dma.local [hbm:s3], $0xF7A  }
0x26: {  	[smem:$0x3F9D] =	sst s1;
	(tag) =	ssettag s2;
	_ =	strace s9  }
0x27: {  	s1 =	sld [smem:$0x3FAD]  }
0x28: {  	s2 =	sld [smem:$0x3FAE]  }
0x29: {  	s4 =	sld [smem:$0x3FB0]  }
0x2a: {  	p0 =	seq.s32 s5, $0x0;
	s5 =	sld [smem:$0x3FB1]  }
0x2b: {  	s6 =	sld [smem:$0x3FB2]  }
0x2c: {  	s7 =	sld [smem:$0x3FB3]  }
0x2d: {  	s3 =	simm.s32 $0x108;
	s8 =	sld [smem:$0x3FB4]  }
0x2e: {  	s3 =	simm.s32 @!p0 $0x1082;
	s9 =	sld [smem:$0x3FB5]  }
0x2f: {  	lr =	sadd.s32 s0, s3;
	s0 =	sld [smem:$0x3FAC]  }
0x30: {  	s3 =	sld [smem:$0x3FAF]  }
0x31: {  	[smem:$0x3FB8] =	sst s10  }
0x32: {  	s10 =	sld [smem:$0x3FB6];
	_ =	sdelay $0x3  }
0x33: {  	p0 =	seq.s32 s10, $0x1;
	s10 =	sld [smem:$0x3FB8];
	_ =	sdelay $0x3  }
0x34: {  	[smem:$0x3FB8] =	sst s10  }
0x35: {  	s10 =	sld [smem:$0x3FB7];
	_ =	sdelay $0x3  }
0x36: {  	p1 =	seq.s32 s10, $0x1;
	s10 =	sld [smem:$0x3FB8];
	_ =	sdelay $0x3  }
0x37: {  	[smem:$0x3FB8] =	sst s10  }
0x38: {  	s10 =	sld [smem:$0x3FB9]  }
0x39: {  	_ = 	snop;
	(pc) =	sbr.ind lr, $3  }
0x3a: {  	_ = 	snop  }
0x3b: {  	_ = 	snop  }
0x3c: {  	p2 =	seq.s32 s10, $0x1;
	s10 =	sld [smem:$0x3FB8]  }
0x3d: {  	_ =	shalt  }
0x3e: {  	_ =	shalt  }
0x3f: {  	_ =	shalt  }
0x40: {  	_ =	shalt  }
0x41: {  	_ =	shalt  }
0x42: {  	_ =	shalt  }
0x43: {  	_ =	shalt  }
0x44: {  	_ =	shalt  }
0x45: {  	_ =	shalt  }
0x46: {  	_ =	shalt  }
0x47: {  	_ =	shalt  }
0x48: {  	_ =	shalt  }
0x49: {  	_ =	shalt  }
0x4a: {  	_ =	shalt  }
0x4b: {  	_ =	shalt  }
0x4c: {  	_ =	shalt  }
0x4d: {  	_ =	shalt  }
0x4e: {  	_ =	shalt  }
0x4f: {  	_ =	shalt  }
0x50: {  	_ =	shalt  }
0x51: {  	_ =	shalt  }
0x52: {  	_ =	shalt  }
0x53: {  	_ =	shalt  }
0x54: {  	_ =	shalt  }
0x55: {  	_ =	shalt  }
0x56: {  	_ =	shalt  }
0x57: {  	_ =	shalt  }
0x58: {  	_ =	shalt  }
0x59: {  	_ =	shalt  }
0x5a: {  	_ =	shalt  }
0x5b: {  	_ =	shalt  }
0x5c: {  	_ =	shalt  }
0x5d: {  	_ =	shalt  }
0x5e: {  	_ =	shalt  }
0x5f: {  	_ =	shalt  }
0x60: {  	_ =	shalt  }
0x61: {  	_ =	shalt  }
0x62: {  	_ =	shalt  }
0x63: {  	_ =	shalt  }
0x64: {  	_ =	shalt  }
0x65: {  	_ =	shalt  }
0x66: {  	_ =	shalt  }
0x67: {  	_ =	shalt  }
0x68: {  	_ =	shalt  }
0x69: {  	_ =	shalt  }
0x6a: {  	_ =	shalt  }
0x6b: {  	_ =	shalt  }
0x6c: {  	_ =	shalt  }
0x6d: {  	_ =	shalt  }
0x6e: {  	_ =	shalt  }
0x6f: {  	_ =	shalt  }
0x70: {  	_ =	shalt  }
0x71: {  	_ =	shalt  }
0x72: {  	_ =	shalt  }
0x73: {  	_ =	shalt  }
0x74: {  	_ =	shalt  }
0x75: {  	_ =	shalt  }
0x76: {  	_ =	shalt  }
0x77: {  	_ =	shalt  }
0x78: {  	_ =	shalt  }
0x79: {  	_ =	shalt  }
0x7a: {  	_ =	shalt  }
0x7b: {  	_ =	shalt  }
0x7c: {  	_ =	shalt  }
0x7d: {  	_ =	shalt  }
0x7e: {  	_ =	shalt  }
0x7f: {  	_ =	shalt  }
0x80: {  	_ =	shalt  }
0x81: {  	_ =	shalt  }
0x82: {  	_ =	shalt  }
0x83: {  	_ =	shalt  }
0x84: {  	_ =	shalt  }
0x85: {  	_ =	shalt  }
0x86: {  	_ =	shalt  }
0x87: {  	_ =	shalt  }
.Lfunc_end0:
.L_simem_size_0:
called_computation_lowered:
.L_overlay_start_0:
0x88: {  	s2 =	sld [smem:$0x3FD9]  }
0x89: {  	s3 =	sld [smem:$0x3FFE];
	_ =	sdelay $0x1  }
0x8a: {  	s1 =	srdreg.scid  }
0x8b: {  	s0 =	sand.u32 $0x1, s1  }
0x8c: {  	s16 =	sshll.u32 s0, $0xA;
	s2 =	sadd.s32 s3, s2  }
0x8d: {  	s2 =	sadd.s32 s2, s16  }
0x8e: {  	[smem:$0x3FC4] =	sst s2  }
0x8f: {  	_ = 	snop  }
0x90: {  	(tm) =	ssettm $0x1  }
0x91: {  	s17 =	sld [smem:$0x3FFB];
	_ =	sdelay $0x3  }
0x92: {  	_ =	strace s17  }
0x93: {  	s2 =	sld [smem:$0x3FFC];
	_ =	sdelay $0x3  }
0x94: {  	_ =	strace s2  }
0x95: {  	s2 =	sld [smem:$0x3FFD];
	_ =	sdelay $0x3  }
0x96: {  	_ =	strace s2  }
0x97: {  	_ =	strace $0x8FFFFFFF  }
0x98: {  	s18 =	sld [smem:$0x3FDB];
	_ =	sdelay $0x1  }
0x99: {  	s19 =	simm.s32 $_scs_section_size  }
0x9a: {  	s4 =	simm.s32 $_size__tile_overlayer_lowered;
	s5 =	simm.s32 $_tile_overlayer_lowered  }
0x9b: {  	s22 =	simm.s32 $0x1BFF;
	s21 =	sshll.u32 s5, $0x1;
	s2 =	sadd.s32 s19, s18  }
0x9c: {  	s6 =	simm.s32 $0x0;
	s20 =	sshll.u32 s4, $0x1;
	s4 =	sadd.s32 s21, s2  }
0x9d: {  	[timem:s6], [sflag:s22] =	dma.local [hbm:s4], s20  }
0x9e: {  	_ =	swait.ge [sflag:s22], s20  }
0x9f: {  	s3 =	ssub.s32 $0x0, s20;
	[sflag:s22] =	ssyncset.done $0x0  }
0xa0: {  	[sflag:s22] =	ssyncadd.s32 s3;
	_ =	sdelay $0x1  }
0xa1: {  	s23 =	simm.s32 $0x1B8B  }
0xa2: {  	_ =	swait.ge [sflag:s23], $0x1  }
0xa3: {  	[sflag:s23] =	ssyncset.done $0x0  }
0xa4: {  	s25 =	simm.s32 $0x1B8E;
	s24 =	sld [smem:$0x3FFE];
	[sflag:s23] =	ssyncadd.s32 $0xFFFFFFFF  }
0xa5: {  	s26 =	simm.s32 $execute0_lowered;
	[smem:$0x3FD2] =	sst s25  }
0xa6: {  	s4 =	sshll.u32 s26, $0x1;
	_ =	strace $0x80000046;
	[dreg:$0x1] =	wrdreg $0xFFFFFFFF  }
0xa7: {  	s28 =	simm.s32 $_size_execute0_lowered;
	s2 =	sadd.s32 s2, s4;
	[dreg:$0x0] =	wrdreg $0x0  }
0xa8: {  	s4 =	sshll.u32 s28, $0x1;
	[dreg:$0x2] =	wrdreg s2  }
0xa9: {  	[dreg:$0x3] =	wrdreg s4  }
0xaa: {  	[dreg:$0x4] =	wrdreg $0xC0  }
0xab: {  	_ =	task [dreg:s6], $0x5FFFF  }
0xac: {  	[dreg:$0x1] =	wrdreg $0xFFFFFFFF  }
0xad: {  	[dreg:$0x0] =	wrdreg $0x60  }
0xae: {  	[dreg:$0x2] =	wrdreg s24  }
0xaf: {  	[dreg:$0x3] =	wrdreg $0x9  }
0xb0: {  	_ =	task.clear_ibuf [dreg:s6], $0x4FFFF;
	_ =	strace $0x90000046  }
0xb1: {  	s29 =	simm.s32 $0x9;
	_ =	strace $0x80000048  }
0xb2: {  	_ =	swait.ge [sflag:s29], $0x1  }
0xb3: {  	[sflag:s29] =	ssyncadd.s32 $0xFFFFFFFF  }
0xb4: {  	_ =	strace $0x90000048  }
0xb5: {  	_ =	sfence  }
0xb6: {  	s30 =	sld [smem:$0x0];
	_ =	sdelay $0x2  }
0xb7: {  	s31 =	sshll.u32 s1, $0xD;
	s1 =	sshrl.u32 s1, $0x2  }
0xb8: {  	s3 =	sand.u32 $0x4000, s31;
	s1 =	sadd.s32 s1, s30  }
0xb9: {  	s0 =	sor.u32 s3, s0;
	s1 =	sshll.u32 s1, $0x11  }
0xba: {  	s0 =	sor.u32 s1, s0  }
0xbb: {  	s0 =	sadd.s32 $0x8F2B, s0  }
0xbc: {  	[sflag:s0] =	ssyncadd.remote.s32 $0x1  }
0xbd: {  	_ =	sfence.sel $0xFFFF  }
0xbe: {  	[dreg:$0x0] =	wrdreg $0xFFFFFFFF;
	(pc) =	sbr.abs _section_cstart, $3  }
0xbf: {  	[dreg:$0x1] =	wrdreg $0xFFFFFFFF  }
0xc0: {  	_ =	task.clear_ibuf [dreg:s6], $0x2FFFF;
	_ =	strace $0x9FFFFFFF  }
0xc1: {  	(tm) =	ssettm $0x7FFFFFFF  }
tec
execute0_lowered:
.L_overlay_start_1:
0x0: {  	(tag) =	ssettag $0x1  }
0x1: {  	s0 =	rddreg [dreg:$0x0]  }
0x2: {  	s1 =	srdreg.scid;
	s4 =	stileid.u32  }
0x3: {  	s2 =	simm.s32 $0x0;
	s10 =	simm.s32 $0x1;
	s11 =	simm.s32 $0x10000  }
0x4: {  	s12 =	simm.s32 $0x2;
	s15 =	simm.s32 $0x3;
	s1 =	sand.u32 $0x1, s1  }
0x5: {  	s3 =	sshll.u32 s4, $0x1;
	s4 =	sshrl.u32 s4, $0x2;
	[smem:$0x7FF] =	sst s2  }
0x6: {  	s3 =	sor.u32 s1, s3;
	s4 =	smul.u32 $0x8800, s4;
	_ =	strace $0x80000047  }
0x7: {  	v0 =	vlaneseq.u32;
	s1 =	ssub.s32 $0x2, s1;
	s5 =	sshll.u32 s3, $0x7;
	s3 =	sshll.u32 s3, $0xE  }
0x8: {  	v1 =	vimm.f32 $0.0e+00;
	v2 =	vimm.f32 $1.000000000e+00;
	vm0 =	vcmask $0x3F20;
	s29 =	sshrl.u32 s1, $0x1;
	s5 =	sand.u32 $0x380, s5;
	s6 =	sadd.s32 s3, s0  }
0x9: {  	v3 =	vor.u32 $0x10, v0;
	v4 =	vor.u32 $0x20, v0;
	v5 =	vor.u32 $0x30, v0;
	s1 =	ssub.s32 s1, s29;
	s4 =	sor.u32 s4, s5;
	s30 =	sadd.s32 $0xC00, s6  }
0xa: {  	v6 =	vor.u32 $0x40, v0;
	v7 =	vor.u32 $0x50, v0;
	v8 =	vor.u32 $0x60, v0;
	s31 =	sadd.s32 $0x1C00, s6;
	s5 =	sadd.s32 $0x2C00, s6;
	s28 =	sshrl.u32 s4, $0x3  }
0xb: {  	v9 =	vor.u32 $0x70, v0;
	v10 =	vor.u32 $0x80, v0;
	v11 =	vor.u32 $0x90, v0;
	s6 =	sadd.s32 $0x3C00, s6;
	[dreg:$0x2] =	wrdreg s30;
	s0 =	sadd.s32 s28, s0  }
0xc: {  	v12 =	vor.u32 $0xA0, v0;
	v13 =	vor.u32 $0xB0, v0;
	v14 =	vadd.s32 $0xB8, v0;
	s8 =	smax.u32 s1, $0x1;
	[dreg:$0x3] =	wrdreg s31;
	s7 =	sadd.s32 $0x80C00, s0  }
.LBB2_1:
0xd: {  	s0 =	simm.s32 $0x10020  }
0xe: {  	[tilespmem:s0+$0xFFFFFFE0] =	vst v1  }
0xf: {  	[tilespmem:s0+$0x10] =	vst v1  }
0x10: {  	s1 =	simm.s32 $0x0;
	[tilespmem:s0+$0x0] =	vst v1  }
.LBB2_2:
0x11: {  	s1 =	sadd.s32 $0x4, s1  }
0x12: {  	[tilespmem:s0+$0xFFFFFFF0] =	vst v1;
	s0 =	sadd.s32 $0x40, s0;
	p0 =	slt.u32 s1, $0x10C  }
.Ltmp0:
0x13: {  	[tilespmem:s0+$0xFFFFFFE0] =	vst v1;
	(pc) =	sbr.rel @p0 .LBB2_2-.Ltmp0, $3  }
0x14: {  	_ =	sdelay $0x1  }
0x15: {  	[tilespmem:s0+$0x10] =	vst v1  }
0x16: {  	[tilespmem:s0+$0x0] =	vst v1  }
0x17: {  	[tilespmem:s0+$0xFFFFFFF0] =	vst v1  }
0x18: {  	s16 =	simm.s32 $0x0;
	s1 =	rddreg [dreg:$0x2]  }
0x19: {  	[tilespmem:s16], [sflag:$0x1] =	stream.linear.gather [hbm4b:s1+s16], $0x8000, $0x38;
	[tilespmem:$0x11100] =	vst v63  }
0x1a: {  	s3 =	simm.s32 $0x8000;
	s17 =	rddreg [dreg:$0x3]  }
0x1b: {  	[tilespmem:s3], [sflag:$0x2] =	stream.linear.gather [hbm4b:s17+s16], $0x8000, $0x38;
	[tilespmem:$0x11100] =	vst v63  }
0x1c: {  	_ =	swait.ge [sflag:s10], $0x8000  }
0x1d: {  	s18 =	sand.u32 $0x7800, s16;
	s0 =	sand.u32 $0x200, s16;
	[sflag:s10] =	ssyncset.done $0x0  }
0x1e: {  	s1 =	sor.u32 s0, s18;
	[sflag:s10] =	ssyncadd.s32 $0xFFFF8000  }
0x1f: {  	v15 =	vld [tilespmem:s1+$0x180];
	_ =	sdelay $0x4  }
0x20: {  	v15 =	vshll.u32 v15, $0x8  }
0x21: {  	v15 =	vor.u32 v0, v15  }
0x22: {  	v16 =	vld [tilespmem:s1+$0x0]  }
0x23: {  	v17 =	vld [tilespmem:s1+$0x80];
	_ =	sdelay $0x2  }
0x24: {  	[tilespmem:v15+s11+$0x0] =	vst.idx.add.f32.msk $0xffff, v2  }
0x25: {  	v15 =	vshll.u32 v16, $0x8;
	v16 =	vld [tilespmem:s1+$0x190]  }
0x26: {  	v17 =	vshll.u32 v17, $0x8;
	v15 =	vor.u32 v0, v15  }
0x27: {  	v18 =	vld [tilespmem:s1+$0x100];
	v17 =	vor.u32 v0, v17;
	_ =	sdelay $0x2  }
0x28: {  	v16 =	vshll.u32 v16, $0x8  }
0x29: {  	[tilespmem:v15+s11+$0x0] =	vst.idx.add.f32.msk $0xffff, v2;
	v15 =	vor.u32 v3, v16  }
0x2a: {  	[tilespmem:v17+s11+$0x0] =	vst.idx.add.f32.msk $0xffff, v2;
	v16 =	vshll.u32 v18, $0x8  }
0x2b: {  	v18 =	vld [tilespmem:s1+$0x90];
	v16 =	vor.u32 v0, v16  }
0x2c: {  	v17 =	vld [tilespmem:s1+$0x10];
	_ =	sdelay $0x1  }
0x2d: {  	[tilespmem:v15+s11+$0x0] =	vst.idx.add.f32.msk $0xffff, v2  }
0x2e: {  	v15 =	vld [tilespmem:s1+$0x1A0]  }
0x2f: {  	v18 =	vshll.u32 v18, $0x8;
	[tilespmem:v16+s11+$0x0] =	vst.idx.add.f32.msk $0xffff, v2  }
0x30: {  	v16 =	vshll.u32 v17, $0x8;
	v18 =	vor.u32 v3, v18;
	v17 =	vld [tilespmem:s1+$0x110]  }
0x31: {  	v16 =	vor.u32 v3, v16;
	_ =	sdelay $0x1  }
0x32: {  	v15 =	vshll.u32 v15, $0x8  }
0x33: {  	v15 =	vor.u32 v4, v15  }
0x34: {  	[tilespmem:v18+s11+$0x0] =	vst.idx.add.f32.msk $0xffff, v2;
	v17 =	vshll.u32 v17, $0x8  }
0x35: {  	[tilespmem:v16+s11+$0x0] =	vst.idx.add.f32.msk $0xffff, v2;
	v16 =	vor.u32 v3, v17  }
0x36: {  	v18 =	vld [tilespmem:s1+$0xA0]  }
0x37: {  	v17 =	vld [tilespmem:s1+$0x20]  }
0x38: {  	[tilespmem:v15+s11+$0x0] =	vst.idx.add.f32.msk $0xffff, v2  }
0x39: {  	v15 =	vld [tilespmem:s1+$0x1B0]  }
0x3a: {  	[tilespmem:v16+s11+$0x0] =	vst.idx.add.f32.msk $0xffff, v2  }
0x3b: {  	v18 =	vshll.u32 v18, $0x8;
	v16 =	vld [tilespmem:s1+$0x120]  }
0x3c: {  	v17 =	vshll.u32 v17, $0x8;
	v18 =	vor.u32 v4, v18  }
0x3d: {  	v17 =	vor.u32 v4, v17  }
0x3e: {  	v15 =	vshll.u32 v15, $0x8  }
0x3f: {  	v15 =	vor.u32 v5, v15  }
0x40: {  	v16 =	vshll.u32 v16, $0x8  }
0x41: {  	[tilespmem:v18+s11+$0x0] =	vst.idx.add.f32.msk $0xffff, v2;
	v16 =	vor.u32 v4, v16  }
0x42: {  	[tilespmem:v17+s11+$0x0] =	vst.idx.add.f32.msk $0xffff, v2  }
0x43: {  	v17 =	vld [tilespmem:s1+$0x30]  }
0x44: {  	[tilespmem:v15+s11+$0x0] =	vst.idx.add.f32.msk $0xffff, v2  }
0x45: {  	v15 =	vld [tilespmem:s1+$0x1C0]  }
0x46: {  	[tilespmem:v16+s11+$0x0] =	vst.idx.add.f32.msk $0xffff, v2  }
0x47: {  	v16 =	vld [tilespmem:s1+$0xB0]  }
0x48: {  	v17 =	vshll.u32 v17, $0x8;
	v18 =	vld [tilespmem:s1+$0x130]  }
0x49: {  	v17 =	vor.u32 v5, v17  }
0x4a: {  	v15 =	vshll.u32 v15, $0x8  }
0x4b: {  	v15 =	vor.u32 v6, v15  }
0x4c: {  	v16 =	vshll.u32 v16, $0x8  }
0x4d: {  	v16 =	vor.u32 v5, v16;
	v18 =	vshll.u32 v18, $0x8  }
0x4e: {  	[tilespmem:v17+s11+$0x0] =	vst.idx.add.f32.msk $0xffff, v2;
	v18 =	vor.u32 v5, v18  }
0x4f: {  	v17 =	vld [tilespmem:s1+$0x40]  }
0x50: {  	[tilespmem:v15+s11+$0x0] =	vst.idx.add.f32.msk $0xffff, v2  }
0x51: {  	v15 =	vld [tilespmem:s1+$0x1D0]  }
0x52: {  	[tilespmem:v16+s11+$0x0] =	vst.idx.add.f32.msk $0xffff, v2  }
0x53: {  	[tilespmem:v18+s11+$0x0] =	vst.idx.add.f32.msk $0xffff, v2  }
0x54: {  	v16 =	vld [tilespmem:s1+$0xC0]  }
0x55: {  	v17 =	vshll.u32 v17, $0x8;
	v18 =	vld [tilespmem:s1+$0x140]  }
0x56: {  	v17 =	vor.u32 v6, v17;
	v15 =	vshll.u32 v15, $0x8  }
0x57: {  	v15 =	vor.u32 v7, v15;
	_ =	sdelay $0x1  }
0x58: {  	v16 =	vshll.u32 v16, $0x8  }
0x59: {  	v16 =	vor.u32 v6, v16;
	v18 =	vshll.u32 v18, $0x8  }
0x5a: {  	[tilespmem:v17+s11+$0x0] =	vst.idx.add.f32.msk $0xffff, v2;
	v17 =	vor.u32 v6, v18  }
0x5b: {  	[tilespmem:v15+s11+$0x0] =	vst.idx.add.f32.msk $0xffff, v2  }
0x5c: {  	v15 =	vld [tilespmem:s1+$0x1E0]  }
0x5d: {  	v18 =	vld [tilespmem:s1+$0x50]  }
0x5e: {  	[tilespmem:v16+s11+$0x0] =	vst.idx.add.f32.msk $0xffff, v2  }
0x5f: {  	[tilespmem:v17+s11+$0x0] =	vst.idx.add.f32.msk $0xffff, v2  }
0x60: {  	v16 =	vld [tilespmem:s1+$0xD0]  }
0x61: {  	v17 =	vld [tilespmem:s1+$0x150];
	v15 =	vshll.u32 v15, $0x8  }
0x62: {  	v15 =	vor.u32 v8, v15  }
0x63: {  	v18 =	vshll.u32 v18, $0x8  }
0x64: {  	v18 =	vor.u32 v7, v18  }
0x65: {  	v16 =	vshll.u32 v16, $0x8  }
0x66: {  	v16 =	vor.u32 v7, v16;
	v17 =	vshll.u32 v17, $0x8  }
0x67: {  	v17 =	vor.u32 v7, v17;
	[tilespmem:v15+s11+$0x0] =	vst.idx.add.f32.msk $0xffff, v2  }
0x68: {  	v15 =	vld [tilespmem:s1+$0x1F0]  }
0x69: {  	[tilespmem:v18+s11+$0x0] =	vst.idx.add.f32.msk $0xffff, v2  }
0x6a: {  	v18 =	vld [tilespmem:s1+$0x60]  }
0x6b: {  	[tilespmem:v16+s11+$0x0] =	vst.idx.add.f32.msk $0xffff, v2  }
0x6c: {  	[tilespmem:v17+s11+$0x0] =	vst.idx.add.f32.msk $0xffff, v2  }
0x6d: {  	v16 =	vld [tilespmem:s1+$0xE0];
	v15 =	vshll.u32 v15, $0x8  }
0x6e: {  	p0 =	por $0x0, $0x0;
	s0 =	simm.s32 $0x1;
	v17 =	vld [tilespmem:s1+$0x160];
	v15 =	vor.u32 v9, v15  }
0x6f: {  	s0 =	simm.s32 @!p0 $0x0  }
0x70: {  	s0 =	sshll.u32 s0, $0x9;
	v18 =	vshll.u32 v18, $0x8  }
0x71: {  	s0 =	sadd.s32 $0x0, s0;
	v18 =	vor.u32 v8, v18  }
0x72: {  	s13 =	sadd.s32 $0x180, s0;
	v16 =	vshll.u32 v16, $0x8  }
0x73: {  	s9 =	sor.u32 $0x400, s13;
	v16 =	vor.u32 v8, v16;
	v17 =	vshll.u32 v17, $0x8;
	[tilespmem:v15+s11+$0x0] =	vst.idx.add.f32.msk $0xffff, v2  }
0x74: {  	v15 =	vor.u32 v8, v17;
	v17 =	vld [tilespmem:s9+$0x0];
	_ =	sdelay $0x1  }
0x75: {  	[tilespmem:v18+s11+$0x0] =	vst.idx.add.f32.msk $0xffff, v2  }
0x76: {  	v18 =	vld [tilespmem:s1+$0x70]  }
0x77: {  	s19 =	simm.s32 $0x200;
	s14 =	simm.s32 $0x400;
	[tilespmem:v16+s11+$0x0] =	vst.idx.add.f32.msk $0xffff, v2  }
0x78: {  	s14 =	sand.u32 $0x7800, s14;
	s9 =	sand.u32 $0x200, s19;
	[tilespmem:v15+s11+$0x0] =	vst.idx.add.f32.msk $0xffff, v2;
	v15 =	vshll.u32 v17, $0x8  }
0x79: {  	v16 =	vld [tilespmem:s1+$0xF0];
	s16 =	sor.u32 s9, s14;
	v15 =	vor.u32 v10, v15  }
0x7a: {  	v17 =	vld [tilespmem:s16+$0x180];
	_ =	sdelay $0x1  }
0x7b: {  	v20 =	vld [tilespmem:s16+$0x0]  }
0x7c: {  	v18 =	vshll.u32 v18, $0x8;
	v21 =	vld [tilespmem:s16+$0x80]  }
0x7d: {  	s20 =	sor.u32 $0x410, s13;
	v18 =	vor.u32 v9, v18;
	v16 =	vshll.u32 v16, $0x8;
	[tilespmem:v15+s11+$0x0] =	vst.idx.add.f32.msk $0xffff, v2  }
0x7e: {  	v17 =	vshll.u32 v17, $0x8;
	v15 =	vor.u32 v9, v16;
	v16 =	vld [tilespmem:s20+$0x0]  }
0x7f: {  	v22 =	vld [tilespmem:s16+$0x100];
	v17 =	vor.u32 v0, v17;
	_ =	sdelay $0x1  }
0x80: {  	v19 =	vld [tilespmem:s1+$0x170];
	v20 =	vshll.u32 v20, $0x8  }
0x81: {  	[tilespmem:v18+s11+$0x0] =	vst.idx.add.f32.msk $0xffff, v2;
	v18 =	vor.u32 v0, v20;
	v20 =	vshll.u32 v21, $0x8  }
0x82: {  	v20 =	vor.u32 v0, v20;
	[tilespmem:v15+s11+$0x0] =	vst.idx.add.f32.msk $0xffff, v2;
	v15 =	vshll.u32 v16, $0x8  }
0x83: {  	[tilespmem:v17+s11+$0x0] =	vst.idx.add.f32.msk $0xffff, v2;
	v16 =	vshll.u32 v22, $0x8;
	v15 =	vor.u32 v11, v15  }
0x84: {  	s21 =	sor.u32 $0x400, s0;
	v17 =	vld [tilespmem:s16+$0x190];
	v16 =	vor.u32 v0, v16  }
0x85: {  	v50 =	vld [tilespmem:s21+$0x0]  }
0x86: {  	v19 =	vshll.u32 v19, $0x8;
	[tilespmem:v18+s11+$0x0] =	vst.idx.add.f32.msk $0xffff, v2  }
0x87: {  	v19 =	vor.u32 v9, v19;
	[tilespmem:v20+s11+$0x0] =	vst.idx.add.f32.msk $0xffff, v2  }
0x88: {  	[tilespmem:v15+s11+$0x0] =	vst.idx.add.f32.msk $0xffff, v2  }
0x89: {  	v17 =	vshll.u32 v17, $0x8;
	[tilespmem:v16+s11+$0x0] =	vst.idx.add.f32.msk $0xffff, v2  }
0x8a: {  	s22 =	sor.u32 $0x420, s13;
	v16 =	vor.u32 v3, v17;
	v17 =	vld [tilespmem:s16+$0x10]  }
0x8b: {  	v15 =	vld [tilespmem:s22+$0x0]  }
0x8c: {  	[tilespmem:v19+s11+$0x0] =	vst.idx.add.f32.msk $0xffff, v2  }
0x8d: {  	v19 =	vld [tilespmem:s16+$0x90]  }
0x8e: {  	v18 =	vshll.u32 v50, $0x8  }
0x8f: {  	v18 =	vor.u32 v10, v18;
	[tilespmem:v16+s11+$0x0] =	vst.idx.add.f32.msk $0xffff, v2;
	v16 =	vshll.u32 v17, $0x8  }
0x90: {  	s17 =	sadd.s32 $0x80, s0;
	v20 =	vld [tilespmem:s16+$0x110];
	v15 =	vshll.u32 v15, $0x8;
	v16 =	vor.u32 v3, v16  }
0x91: {  	s23 =	sor.u32 $0x400, s17;
	s1 =	sadd.s32 $0x100, s0;
	v17 =	vld [tilespmem:s16+$0x1A0];
	v15 =	vor.u32 v12, v15  }
0x92: {  	s24 =	sor.u32 $0x400, s1;
	v51 =	vld [tilespmem:s23+$0x0];
	v19 =	vshll.u32 v19, $0x8  }
0x93: {  	v52 =	vld [tilespmem:s24+$0x0];
	v19 =	vor.u32 v3, v19  }
0x94: {  	[tilespmem:v18+s11+$0x0] =	vst.idx.add.f32.msk $0xffff, v2  }
0x95: {  	v20 =	vshll.u32 v20, $0x8;
	[tilespmem:v16+s11+$0x0] =	vst.idx.add.f32.msk $0xffff, v2  }
0x96: {  	s26 =	sor.u32 $0x430, s13;
	v18 =	vor.u32 v3, v20;
	v17 =	vshll.u32 v17, $0x8;
	[tilespmem:v15+s11+$0x0] =	vst.idx.add.f32.msk $0xffff, v2  }
0x97: {  	v16 =	vor.u32 v4, v17;
	v15 =	vld [tilespmem:s26+$0x0]  }
0x98: {  	[tilespmem:v19+s11+$0x0] =	vst.idx.add.f32.msk $0xffff, v2  }
0x99: {  	v53 =	vld [tilespmem:s16+$0xA0]  }
0x9a: {  	v17 =	vshll.u32 v51, $0x8;
	v19 =	vld [tilespmem:s16+$0x20]  }
0x9b: {  	[tilespmem:v18+s11+$0x0] =	vst.idx.add.f32.msk $0xffff, v2;
	v18 =	vshll.u32 v52, $0x8;
	v17 =	vor.u32 v10, v17  }
0x9c: {  	v18 =	vor.u32 v10, v18;
	[tilespmem:v16+s11+$0x0] =	vst.idx.add.f32.msk $0xffff, v2;
	v15 =	vshll.u32 v15, $0x8  }
0x9d: {  	s25 =	sor.u32 $0x410, s0;
	v16 =	vld [tilespmem:s16+$0x1B0];
	v15 =	vor.u32 v13, v15  }
0x9e: {  	v20 =	vld [tilespmem:s25+$0x0]  }
0x9f: {  	v54 =	vld [tilespmem:s16+$0x120];
	v19 =	vshll.u32 v19, $0x8  }
0xa0: {  	[tilespmem:v17+s11+$0x0] =	vst.idx.add.f32.msk $0xffff, v2;
	v17 =	vor.u32 v4, v19;
	v19 =	vshll.u32 v53, $0x8  }
0xa1: {  	[tilespmem:v18+s11+$0x0] =	vst.idx.add.f32.msk $0xffff, v2;
	v18 =	vor.u32 v4, v19  }
0xa2: {  	s3 =	sor.u32 $0x438, s13;
	v16 =	vshll.u32 v16, $0x8;
	[tilespmem:v15+s11+$0x0] =	vst.idx.add.f32.msk $0xffff, v2  }
0xa3: {  	s4 =	sor.u32 $0x410, s17;
	v16 =	vor.u32 v5, v16;
	v15 =	vld [tilespmem:s3+$0x0]  }
0xa4: {  	v55 =	vshll.u32 v54, $0x8;
	v19 =	vld [tilespmem:s4+$0x0]  }
0xa5: {  	v21 =	vor.u32 v4, v55;
	[tilespmem:v17+s11+$0x0] =	vst.idx.add.f32.msk $0xffff, v2  }
0xa6: {  	[tilespmem:v18+s11+$0x0] =	vst.idx.add.f32.msk $0xffff, v2  }
0xa7: {  	v17 =	vld [tilespmem:s16+$0x30];
	v18 =	vshll.u32 v20, $0x8  }
0xa8: {  	[tilespmem:v16+s11+$0x0] =	vst.idx.add.f32.msk $0xffff, v2;
	v16 =	vor.u32 v11, v18;
	v15 =	vshll.u32 v15, $0x8  }
0xa9: {  	v18 =	vshll.u32 v19, $0x8;
	v19 =	vld [tilespmem:s16+$0x1C0];
	v15 =	vor.u32 v14, v15  }
0xaa: {  	[tilespmem:v21+s11+$0x0] =	vst.idx.add.f32.msk $0xffff, v2  }
0xab: {  	v20 =	vld [tilespmem:s16+$0xB0];
	v18 =	vor.u32 v11, v18  }
0xac: {  	v21 =	vld [tilespmem:s16+$0x130]  }
0xad: {  	v17 =	vshll.u32 v17, $0x8;
	[tilespmem:v16+s11+$0x0] =	vst.idx.add.f32.msk $0xffff, v2  }
0xae: {  	s14 =	sor.u32 $0x410, s1;
	v16 =	vshll.u32 v19, $0x8;
	[tilespmem:v15+s11+$0x0] =	vst.idx.add.f32.msk vm0, v2;
	v15 =	vor.u32 v5, v17  }
0xaf: {  	v56 =	vld [tilespmem:s14+$0x0];
	v16 =	vor.u32 v6, v16  }
0xb0: {  	s18 =	sor.u32 $0x420, s0;
	[tilespmem:v18+s11+$0x0] =	vst.idx.add.f32.msk $0xffff, v2  }
0xb1: {  	s19 =	sor.u32 $0x420, s17;
	v18 =	vld [tilespmem:s18+$0x0];
	v19 =	vshll.u32 v21, $0x8  }
0xb2: {  	v17 =	vshll.u32 v20, $0x8;
	v20 =	vld [tilespmem:s19+$0x0];
	v19 =	vor.u32 v5, v19  }
0xb3: {  	v17 =	vor.u32 v5, v17;
	[tilespmem:v15+s11+$0x0] =	vst.idx.add.f32.msk $0xffff, v2  }
0xb4: {  	[tilespmem:v16+s11+$0x0] =	vst.idx.add.f32.msk $0xffff, v2  }
0xb5: {  	v57 =	vshll.u32 v56, $0x8;
	v15 =	vld [tilespmem:s16+$0x40]  }
0xb6: {  	v16 =	vor.u32 v11, v57;
	v58 =	vld [tilespmem:s16+$0x1D0]  }
0xb7: {  	v18 =	vshll.u32 v18, $0x8;
	[tilespmem:v19+s11+$0x0] =	vst.idx.add.f32.msk $0xffff, v2  }
0xb8: {  	[tilespmem:v17+s11+$0x0] =	vst.idx.add.f32.msk $0xffff, v2;
	v17 =	vor.u32 v12, v18;
	v18 =	vshll.u32 v20, $0x8  }
0xb9: {  	v20 =	vld [tilespmem:s16+$0x140];
	v18 =	vor.u32 v12, v18  }
0xba: {  	v19 =	vld [tilespmem:s16+$0xC0];
	v15 =	vshll.u32 v15, $0x8  }
0xbb: {  	s20 =	sor.u32 $0x420, s1;
	[tilespmem:v16+s11+$0x0] =	vst.idx.add.f32.msk $0xffff, v2;
	v16 =	vshll.u32 v58, $0x8;
	v15 =	vor.u32 v6, v15  }
0xbc: {  	v59 =	vld [tilespmem:s20+$0x0];
	v16 =	vor.u32 v7, v16  }
0xbd: {  	[tilespmem:v17+s11+$0x0] =	vst.idx.add.f32.msk $0xffff, v2  }
0xbe: {  	s21 =	sor.u32 $0x430, s0;
	[tilespmem:v18+s11+$0x0] =	vst.idx.add.f32.msk $0xffff, v2  }
0xbf: {  	v17 =	vshll.u32 v19, $0x8;
	v19 =	vld [tilespmem:s21+$0x0]  }
0xc0: {  	[tilespmem:v15+s11+$0x0] =	vst.idx.add.f32.msk $0xffff, v2  }
0xc1: {  	v15 =	vor.u32 v6, v17;
	v17 =	vshll.u32 v20, $0x8;
	[tilespmem:v16+s11+$0x0] =	vst.idx.add.f32.msk $0xffff, v2  }
0xc2: {  	v18 =	vld [tilespmem:s16+$0x50];
	v17 =	vor.u32 v6, v17  }
0xc3: {  	v20 =	vshll.u32 v59, $0x8;
	v16 =	vld [tilespmem:s16+$0x1E0]  }
0xc4: {  	s22 =	sor.u32 $0x430, s17;
	v20 =	vor.u32 v12, v20  }
0xc5: {  	v60 =	vld [tilespmem:s22+$0x0];
	v19 =	vshll.u32 v19, $0x8  }
0xc6: {  	v19 =	vor.u32 v13, v19;
	[tilespmem:v15+s11+$0x0] =	vst.idx.add.f32.msk $0xffff, v2  }
0xc7: {  	v15 =	vshll.u32 v18, $0x8;
	[tilespmem:v17+s11+$0x0] =	vst.idx.add.f32.msk $0xffff, v2  }
0xc8: {  	v17 =	vld [tilespmem:s16+$0xD0];
	v16 =	vshll.u32 v16, $0x8;
	v15 =	vor.u32 v7, v15  }
0xc9: {  	[tilespmem:v20+s11+$0x0] =	vst.idx.add.f32.msk $0xffff, v2;
	v16 =	vor.u32 v8, v16  }
0xca: {  	v18 =	vld [tilespmem:s16+$0x150]  }
0xcb: {  	s23 =	sor.u32 $0x430, s1;
	[tilespmem:v19+s11+$0x0] =	vst.idx.add.f32.msk $0xffff, v2  }
0xcc: {  	v20 =	vld [tilespmem:s23+$0x0]  }
0xcd: {  	v21 =	vshll.u32 v60, $0x8;
	[tilespmem:v15+s11+$0x0] =	vst.idx.add.f32.msk $0xffff, v2  }
0xce: {  	v19 =	vor.u32 v13, v21;
	v15 =	vshll.u32 v17, $0x8;
	[tilespmem:v16+s11+$0x0] =	vst.idx.add.f32.msk $0xffff, v2  }
0xcf: {  	v18 =	vshll.u32 v18, $0x8;
	v17 =	vld [tilespmem:s16+$0x60];
	v15 =	vor.u32 v7, v15  }
0xd0: {  	v18 =	vor.u32 v7, v18;
	v16 =	vld [tilespmem:s16+$0x1F0]  }
0xd1: {  	s0 =	sor.u32 $0x438, s0  }
0xd2: {  	v61 =	vld [tilespmem:s0+$0x0]  }
0xd3: {  	[tilespmem:v19+s11+$0x0] =	vst.idx.add.f32.msk $0xffff, v2;
	v20 =	vshll.u32 v20, $0x8  }
0xd4: {  	v19 =	vor.u32 v13, v20;
	v17 =	vshll.u32 v17, $0x8;
	[tilespmem:v15+s11+$0x0] =	vst.idx.add.f32.msk $0xffff, v2  }
0xd5: {  	[tilespmem:v18+s11+$0x0] =	vst.idx.add.f32.msk $0xffff, v2;
	v16 =	vshll.u32 v16, $0x8;
	v15 =	vor.u32 v8, v17  }
0xd6: {  	v17 =	vld [tilespmem:s16+$0xE0];
	v16 =	vor.u32 v9, v16  }
0xd7: {  	p0 =	por !p0, !p0;
	s24 =	sor.u32 $0x438, s17;
	s0 =	simm.s32 $0x1;
	v18 =	vld [tilespmem:s16+$0x160]  }
0xd8: {  	s0 =	simm.s32 @!p0 $0x0;
	v20 =	vld [tilespmem:s24+$0x0]  }
0xd9: {  	s0 =	sshll.u32 s0, $0x9;
	[tilespmem:v19+s11+$0x0] =	vst.idx.add.f32.msk $0xffff, v2  }
0xda: {  	s20 =	sadd.s32 $0x400, s0;
	v21 =	vshll.u32 v61, $0x8;
	[tilespmem:v15+s11+$0x0] =	vst.idx.add.f32.msk $0xffff, v2  }
0xdb: {  	s25 =	sor.u32 $0x438, s1;
	s28 =	sadd.s32 $0x180, s20;
	v15 =	vor.u32 v14, v21;
	v17 =	vshll.u32 v17, $0x8;
	[tilespmem:v16+s11+$0x0] =	vst.idx.add.f32.msk $0xffff, v2  }
0xdc: {  	s19 =	simm.s32 $0x4;
	s23 =	simm.s32 $0x800;
	s26 =	sor.u32 $0x400, s28;
	v62 =	vld [tilespmem:s16+$0x70];
	v63 =	vor.u32 v8, v17;
	v17 =	vshll.u32 v18, $0x8  }
0xdd: {  	s18 =	sadd.s32 $0x80, s20;
	s22 =	sadd.s32 $0x100, s20;
	s9 =	sor.u32 $0x400, s20;
	v24 =	vld [tilespmem:s26+$0x0];
	v23 =	vor.u32 v8, v17  }
0xde: {  	s1 =	sor.u32 $0x410, s20;
	s30 =	sor.u32 $0x420, s20;
	s14 =	sor.u32 $0x400, s18;
	v17 =	vld [tilespmem:s25+$0x0]  }
0xdf: {  	s13 =	sor.u32 $0x400, s22;
	s0 =	sor.u32 $0x410, s18;
	s31 =	sor.u32 $0x410, s22  }
0xe0: {  	s29 =	sor.u32 $0x420, s18;
	s21 =	sor.u32 $0x430, s22;
	s17 =	sor.u32 $0x438, s22;
	[tilespmem:v15+s11+$0x0] =	vst.idx.add.f32.msk vm0, v2  }
0xe1: {  	s24 =	sor.u32 $0x430, s18;
	s18 =	sor.u32 $0x438, s18;
	s26 =	sor.u32 $0x420, s22;
	v15 =	vshll.u32 v20, $0x8;
	v18 =	vshll.u32 v62, $0x8;
	[tilespmem:v63+s11+$0x0] =	vst.idx.add.f32.msk $0xffff, v2  }
0xe2: {  	s22 =	simm.s32 $0x400;
	s25 =	sor.u32 $0x430, s20;
	s20 =	sor.u32 $0x438, s20;
	v16 =	vor.u32 v14, v15;
	v15 =	vshll.u32 v24, $0x8;
	v18 =	vor.u32 v9, v18;
	[tilespmem:v23+s11+$0x0] =	vst.idx.add.f32.msk $0xffff, v2  }
.LBB2_4:
0xe3: {  	s3 =	sand.u32 $0x7800, s23;
	s4 =	sand.u32 $0x200, s22;
	s19 =	sadd.s32 $0x4, s19;
	v19 =	vld [tilespmem:s16+$0xF0];
	v20 =	vor.u32 v10, v15;
	v15 =	vshll.u32 v17, $0x8  }
0xe4: {  	p1 =	slt.u32 s19, $0x7C;
	v17 =	vld [tilespmem:s16+$0x170];
	s16 =	sor.u32 s4, s3;
	v15 =	vor.u32 v14, v15  }
0xe5: {  	v21 =	vld [tilespmem:s16+$0x180]  }
0xe6: {  	v22 =	vld [tilespmem:s16+$0x0]  }
0xe7: {  	v23 =	vld [tilespmem:s16+$0x80]  }
0xe8: {  	s3 =	sor.u32 $0x410, s28;
	v19 =	vshll.u32 v19, $0x8;
	[tilespmem:v20+s11+$0x0] =	vst.idx.add.f32.msk $0xffff, v2  }
0xe9: {  	v19 =	vor.u32 v9, v19;
	v17 =	vshll.u32 v17, $0x8;
	v20 =	vld [tilespmem:s3+$0x0]  }
0xea: {  	v24 =	vld [tilespmem:s16+$0x100];
	v21 =	vshll.u32 v21, $0x8;
	v17 =	vor.u32 v9, v17  }
0xeb: {  	v22 =	vshll.u32 v22, $0x8;
	v21 =	vor.u32 v0, v21;
	[tilespmem:v18+s11+$0x0] =	vst.idx.add.f32.msk $0xffff, v2  }
0xec: {  	v18 =	vor.u32 v0, v22;
	v22 =	vshll.u32 v23, $0x8;
	v23 =	vld [tilespmem:s9+$0x0]  }
0xed: {  	v22 =	vor.u32 v0, v22;
	[tilespmem:v16+s11+$0x0] =	vst.idx.add.f32.msk vm0, v2  }
0xee: {  	[tilespmem:v19+s11+$0x0] =	vst.idx.add.f32.msk $0xffff, v2;
	v16 =	vshll.u32 v20, $0x8  }
0xef: {  	v19 =	vshll.u32 v24, $0x8;
	[tilespmem:v17+s11+$0x0] =	vst.idx.add.f32.msk $0xffff, v2;
	v16 =	vor.u32 v11, v16  }
0xf0: {  	v17 =	vor.u32 v0, v19;
	[tilespmem:v21+s11+$0x0] =	vst.idx.add.f32.msk $0xffff, v2  }
0xf1: {  	v19 =	vld [tilespmem:s16+$0x190];
	v20 =	vshll.u32 v23, $0x8  }
0xf2: {  	[tilespmem:v18+s11+$0x0] =	vst.idx.add.f32.msk $0xffff, v2;
	v18 =	vor.u32 v10, v20  }
0xf3: {  	[tilespmem:v22+s11+$0x0] =	vst.idx.add.f32.msk $0xffff, v2  }
0xf4: {  	s3 =	sor.u32 $0x420, s28;
	[tilespmem:v16+s11+$0x0] =	vst.idx.add.f32.msk $0xffff, v2  }
0xf5: {  	v16 =	vld [tilespmem:s3+$0x0]  }
0xf6: {  	[tilespmem:v17+s11+$0x0] =	vst.idx.add.f32.msk $0xffff, v2;
	v17 =	vshll.u32 v19, $0x8  }
0xf7: {  	v19 =	vld [tilespmem:s16+$0x10];
	v17 =	vor.u32 v3, v17  }
0xf8: {  	v20 =	vld [tilespmem:s16+$0x90]  }
0xf9: {  	v21 =	vld [tilespmem:s16+$0x110]  }
0xfa: {  	v22 =	vld [tilespmem:s14+$0x0];
	v16 =	vshll.u32 v16, $0x8  }
0xfb: {  	v23 =	vld [tilespmem:s13+$0x0];
	v16 =	vor.u32 v12, v16  }
0xfc: {  	v19 =	vshll.u32 v19, $0x8;
	[tilespmem:v17+s11+$0x0] =	vst.idx.add.f32.msk $0xffff, v2  }
0xfd: {  	v17 =	vor.u32 v3, v19;
	v19 =	vshll.u32 v20, $0x8;
	v20 =	vld [tilespmem:s16+$0x1A0]  }
0xfe: {  	v19 =	vor.u32 v3, v19;
	v21 =	vshll.u32 v21, $0x8;
	[tilespmem:v18+s11+$0x0] =	vst.idx.add.f32.msk $0xffff, v2  }
0xff: {  	v18 =	vor.u32 v3, v21;
	v21 =	vld [tilespmem:s1+$0x0];
	v22 =	vshll.u32 v22, $0x8  }
0x100: {  	s1 =	sor.u32 $0x430, s28;
	v22 =	vor.u32 v10, v22;
	v23 =	vshll.u32 v23, $0x8;
	[tilespmem:v16+s11+$0x0] =	vst.idx.add.f32.msk $0xffff, v2  }
0x101: {  	v16 =	vor.u32 v10, v23;
	v23 =	vld [tilespmem:s1+$0x0]  }
0x102: {  	[tilespmem:v17+s11+$0x0] =	vst.idx.add.f32.msk $0xffff, v2;
	v17 =	vshll.u32 v20, $0x8  }
0x103: {  	[tilespmem:v19+s11+$0x0] =	vst.idx.add.f32.msk $0xffff, v2;
	v17 =	vor.u32 v4, v17  }
0x104: {  	[tilespmem:v18+s11+$0x0] =	vst.idx.add.f32.msk $0xffff, v2;
	v18 =	vshll.u32 v21, $0x8  }
0x105: {  	v19 =	vld [tilespmem:s16+$0x20];
	v18 =	vor.u32 v11, v18  }
0x106: {  	v20 =	vld [tilespmem:s16+$0xA0];
	v21 =	vshll.u32 v23, $0x8  }
0x107: {  	v23 =	vld [tilespmem:s16+$0x120];
	v21 =	vor.u32 v13, v21  }
0x108: {  	[tilespmem:v17+s11+$0x0] =	vst.idx.add.f32.msk $0xffff, v2  }
0x109: {  	v17 =	vld [tilespmem:s16+$0x1B0]  }
0x10a: {  	v19 =	vshll.u32 v19, $0x8;
	[tilespmem:v22+s11+$0x0] =	vst.idx.add.f32.msk $0xffff, v2  }
0x10b: {  	v19 =	vor.u32 v4, v19;
	v20 =	vshll.u32 v20, $0x8;
	[tilespmem:v16+s11+$0x0] =	vst.idx.add.f32.msk $0xffff, v2  }
0x10c: {  	s1 =	sor.u32 $0x438, s28;
	v16 =	vor.u32 v4, v20;
	v20 =	vshll.u32 v23, $0x8;
	[tilespmem:v21+s11+$0x0] =	vst.idx.add.f32.msk $0xffff, v2  }
0x10d: {  	v20 =	vor.u32 v4, v20;
	v21 =	vld [tilespmem:s1+$0x0]  }
0x10e: {  	v17 =	vshll.u32 v17, $0x8;
	v22 =	vld [tilespmem:s0+$0x0]  }
0x10f: {  	v17 =	vor.u32 v5, v17;
	v23 =	vld [tilespmem:s31+$0x0]  }
0x110: {  	[tilespmem:v19+s11+$0x0] =	vst.idx.add.f32.msk $0xffff, v2  }
0x111: {  	[tilespmem:v16+s11+$0x0] =	vst.idx.add.f32.msk $0xffff, v2  }
0x112: {  	[tilespmem:v20+s11+$0x0] =	vst.idx.add.f32.msk $0xffff, v2;
	v16 =	vshll.u32 v21, $0x8  }
0x113: {  	v19 =	vld [tilespmem:s16+$0x30];
	v20 =	vshll.u32 v22, $0x8;
	v16 =	vor.u32 v14, v16  }
0x114: {  	[tilespmem:v17+s11+$0x0] =	vst.idx.add.f32.msk $0xffff, v2;
	v17 =	vor.u32 v11, v20;
	v20 =	vshll.u32 v23, $0x8  }
0x115: {  	v21 =	vld [tilespmem:s16+$0x1C0];
	v20 =	vor.u32 v11, v20  }
0x116: {  	v22 =	vld [tilespmem:s16+$0xB0]  }
0x117: {  	v23 =	vld [tilespmem:s16+$0x130]  }
0x118: {  	v19 =	vshll.u32 v19, $0x8;
	[tilespmem:v16+s11+$0x0] =	vst.idx.add.f32.msk vm0, v2  }
0x119: {  	v16 =	vor.u32 v5, v19;
	[tilespmem:v18+s11+$0x0] =	vst.idx.add.f32.msk $0xffff, v2  }
0x11a: {  	v18 =	vshll.u32 v21, $0x8;
	[tilespmem:v17+s11+$0x0] =	vst.idx.add.f32.msk $0xffff, v2  }
0x11b: {  	v17 =	vshll.u32 v22, $0x8;
	v18 =	vor.u32 v6, v18;
	[tilespmem:v20+s11+$0x0] =	vst.idx.add.f32.msk $0xffff, v2  }
0x11c: {  	v17 =	vor.u32 v5, v17;
	v19 =	vshll.u32 v23, $0x8;
	v20 =	vld [tilespmem:s30+$0x0]  }
0x11d: {  	v19 =	vor.u32 v5, v19;
	v21 =	vld [tilespmem:s29+$0x0]  }
0x11e: {  	[tilespmem:v16+s11+$0x0] =	vst.idx.add.f32.msk $0xffff, v2  }
0x11f: {  	v16 =	vld [tilespmem:s16+$0x40]  }
0x120: {  	[tilespmem:v18+s11+$0x0] =	vst.idx.add.f32.msk $0xffff, v2  }
0x121: {  	v18 =	vld [tilespmem:s16+$0x1D0];
	v20 =	vshll.u32 v20, $0x8  }
0x122: {  	[tilespmem:v17+s11+$0x0] =	vst.idx.add.f32.msk $0xffff, v2;
	v17 =	vor.u32 v12, v20;
	v20 =	vshll.u32 v21, $0x8  }
0x123: {  	[tilespmem:v19+s11+$0x0] =	vst.idx.add.f32.msk $0xffff, v2;
	v19 =	vor.u32 v12, v20  }
0x124: {  	v16 =	vshll.u32 v16, $0x8;
	v20 =	vld [tilespmem:s16+$0xC0]  }
0x125: {  	v16 =	vor.u32 v6, v16;
	v21 =	vld [tilespmem:s16+$0x140]  }
0x126: {  	v18 =	vshll.u32 v18, $0x8;
	v22 =	vld [tilespmem:s26+$0x0]  }
0x127: {  	v18 =	vor.u32 v7, v18;
	[tilespmem:v17+s11+$0x0] =	vst.idx.add.f32.msk $0xffff, v2  }
0x128: {  	[tilespmem:v19+s11+$0x0] =	vst.idx.add.f32.msk $0xffff, v2  }
0x129: {  	v17 =	vshll.u32 v20, $0x8;
	v19 =	vld [tilespmem:s25+$0x0]  }
0x12a: {  	[tilespmem:v16+s11+$0x0] =	vst.idx.add.f32.msk $0xffff, v2;
	v16 =	vor.u32 v6, v17;
	v17 =	vshll.u32 v21, $0x8  }
0x12b: {  	v20 =	vld [tilespmem:s16+$0x50];
	v17 =	vor.u32 v6, v17;
	v21 =	vshll.u32 v22, $0x8  }
0x12c: {  	[tilespmem:v18+s11+$0x0] =	vst.idx.add.f32.msk $0xffff, v2;
	v18 =	vor.u32 v12, v21  }
0x12d: {  	v21 =	vld [tilespmem:s16+$0x1E0]  }
0x12e: {  	v19 =	vshll.u32 v19, $0x8;
	v22 =	vld [tilespmem:s24+$0x0]  }
0x12f: {  	[tilespmem:v16+s11+$0x0] =	vst.idx.add.f32.msk $0xffff, v2;
	v16 =	vor.u32 v13, v19  }
0x130: {  	v19 =	vshll.u32 v20, $0x8;
	[tilespmem:v17+s11+$0x0] =	vst.idx.add.f32.msk $0xffff, v2  }
0x131: {  	v17 =	vor.u32 v7, v19;
	v19 =	vld [tilespmem:s16+$0xD0]  }
0x132: {  	v20 =	vld [tilespmem:s16+$0x150];
	v21 =	vshll.u32 v21, $0x8  }
0x133: {  	v21 =	vor.u32 v8, v21;
	v22 =	vshll.u32 v22, $0x8;
	[tilespmem:v18+s11+$0x0] =	vst.idx.add.f32.msk $0xffff, v2  }
0x134: {  	v18 =	vor.u32 v13, v22;
	v22 =	vld [tilespmem:s21+$0x0]  }
0x135: {  	[tilespmem:v16+s11+$0x0] =	vst.idx.add.f32.msk $0xffff, v2  }
0x136: {  	[tilespmem:v17+s11+$0x0] =	vst.idx.add.f32.msk $0xffff, v2;
	v16 =	vshll.u32 v19, $0x8  }
0x137: {  	v17 =	vld [tilespmem:s16+$0x60];
	v16 =	vor.u32 v7, v16;
	v19 =	vshll.u32 v20, $0x8  }
0x138: {  	v19 =	vor.u32 v7, v19;
	[tilespmem:v21+s11+$0x0] =	vst.idx.add.f32.msk $0xffff, v2  }
0x139: {  	v20 =	vld [tilespmem:s16+$0x1F0];
	v21 =	vshll.u32 v22, $0x8  }
0x13a: {  	[tilespmem:v18+s11+$0x0] =	vst.idx.add.f32.msk $0xffff, v2;
	v18 =	vor.u32 v13, v21  }
0x13b: {  	v21 =	vld [tilespmem:s20+$0x0]  }
0x13c: {  	v17 =	vshll.u32 v17, $0x8;
	[tilespmem:v16+s11+$0x0] =	vst.idx.add.f32.msk $0xffff, v2  }
0x13d: {  	v16 =	vor.u32 v8, v17;
	[tilespmem:v19+s11+$0x0] =	vst.idx.add.f32.msk $0xffff, v2  }
0x13e: {  	p0 =	por !p0, !p0;
	s0 =	simm.s32 $0x1;
	v17 =	vld [tilespmem:s16+$0xE0];
	v19 =	vshll.u32 v20, $0x8  }
0x13f: {  	s0 =	simm.s32 @!p0 $0x0;
	v20 =	vld [tilespmem:s16+$0x160];
	v19 =	vor.u32 v9, v19  }
0x140: {  	s0 =	sshll.u32 s0, $0x9;
	v21 =	vshll.u32 v21, $0x8;
	[tilespmem:v18+s11+$0x0] =	vst.idx.add.f32.msk $0xffff, v2  }
0x141: {  	s3 =	sadd.s32 s0, s23;
	v18 =	vor.u32 v14, v21;
	v21 =	vld [tilespmem:s18+$0x0]  }
0x142: {  	s4 =	sadd.s32 $0x80, s3;
	[tilespmem:v16+s11+$0x0] =	vst.idx.add.f32.msk $0xffff, v2  }
0x143: {  	s28 =	sadd.s32 $0x180, s3;
	s9 =	sor.u32 $0x400, s3;
	s20 =	sadd.s32 $0x100, s3;
	v22 =	vld [tilespmem:s16+$0x70];
	v16 =	vshll.u32 v17, $0x8  }
0x144: {  	s14 =	sor.u32 $0x400, s4;
	s1 =	sor.u32 $0x400, s28;
	s13 =	sor.u32 $0x400, s20;
	v23 =	vor.u32 v8, v16;
	v16 =	vshll.u32 v20, $0x8;
	[tilespmem:v19+s11+$0x0] =	vst.idx.add.f32.msk $0xffff, v2  }
0x145: {  	s0 =	sor.u32 $0x410, s4;
	s29 =	sor.u32 $0x420, s4;
	s31 =	sor.u32 $0x410, s20;
	v19 =	vor.u32 v8, v16;
	v20 =	vld [tilespmem:s1+$0x0]  }
.Ltmp1:
0x146: {  	s26 =	sor.u32 $0x420, s20;
	s1 =	sor.u32 $0x410, s3;
	v16 =	vshll.u32 v21, $0x8;
	v17 =	vld [tilespmem:s17+$0x0];
	(pc) =	sbr.rel @p1 .LBB2_4-.Ltmp1, $4  }
0x147: {  	s30 =	sor.u32 $0x420, s3;
	s24 =	sor.u32 $0x430, s4;
	s21 =	sor.u32 $0x430, s20;
	[tilespmem:v18+s11+$0x0] =	vst.idx.add.f32.msk vm0, v2;
	v16 =	vor.u32 v14, v16  }
0x148: {  	s25 =	sor.u32 $0x430, s3;
	s18 =	sor.u32 $0x438, s4;
	s17 =	sor.u32 $0x438, s20;
	v18 =	vshll.u32 v22, $0x8;
	[tilespmem:v15+s11+$0x0] =	vst.idx.add.f32.msk vm0, v2  }
0x149: {  	s20 =	sor.u32 $0x438, s3;
	v18 =	vor.u32 v9, v18;
	[tilespmem:v23+s11+$0x0] =	vst.idx.add.f32.msk $0xffff, v2  }
0x14a: {  	s22 =	sadd.s32 $0x200, s22;
	s23 =	sadd.s32 $0x400, s23;
	[tilespmem:v19+s11+$0x0] =	vst.idx.add.f32.msk $0xffff, v2;
	v15 =	vshll.u32 v20, $0x8  }
0x14b: {  	v19 =	vld [tilespmem:s16+$0xF0]  }
0x14c: {  	v20 =	vld [tilespmem:s16+$0x170];
	_ =	sdelay $0x3  }
0x14d: {  	v19 =	vshll.u32 v19, $0x8  }
0x14e: {  	v20 =	vshll.u32 v20, $0x8;
	v19 =	vor.u32 v9, v19  }
0x14f: {  	[tilespmem:v18+s11+$0x0] =	vst.idx.add.f32.msk $0xffff, v2;
	v18 =	vor.u32 v9, v20  }
0x150: {  	v20 =	vld [tilespmem:s9+$0x0];
	_ =	sdelay $0x2  }
0x151: {  	[tilespmem:v19+s11+$0x0] =	vst.idx.add.f32.msk $0xffff, v2  }
0x152: {  	[tilespmem:v18+s11+$0x0] =	vst.idx.add.f32.msk $0xffff, v2  }
0x153: {  	v18 =	vshll.u32 v20, $0x8;
	v19 =	vld [tilespmem:s14+$0x0]  }
0x154: {  	v18 =	vor.u32 v10, v18;
	v20 =	vld [tilespmem:s13+$0x0]  }
0x155: {  	v15 =	vor.u32 v10, v15;
	_ =	sdelay $0x2  }
0x156: {  	v19 =	vshll.u32 v19, $0x8  }
0x157: {  	[tilespmem:v18+s11+$0x0] =	vst.idx.add.f32.msk $0xffff, v2;
	v18 =	vshll.u32 v20, $0x8;
	v19 =	vor.u32 v10, v19  }
0x158: {  	s3 =	sor.u32 $0x410, s28;
	[tilespmem:v15+s11+$0x0] =	vst.idx.add.f32.msk $0xffff, v2;
	v18 =	vor.u32 v10, v18  }
0x159: {  	v15 =	vld [tilespmem:s3+$0x0]  }
0x15a: {  	v20 =	vld [tilespmem:s1+$0x0];
	_ =	sdelay $0x1  }
0x15b: {  	[tilespmem:v19+s11+$0x0] =	vst.idx.add.f32.msk $0xffff, v2  }
0x15c: {  	[tilespmem:v18+s11+$0x0] =	vst.idx.add.f32.msk $0xffff, v2  }
0x15d: {  	v19 =	vld [tilespmem:s0+$0x0]  }
0x15e: {  	v15 =	vshll.u32 v15, $0x8;
	v18 =	vshll.u32 v20, $0x8;
	v20 =	vld [tilespmem:s31+$0x0]  }
0x15f: {  	v15 =	vor.u32 v11, v15;
	_ =	sdelay $0x1  }
0x160: {  	v18 =	vor.u32 v11, v18  }
0x161: {  	v19 =	vshll.u32 v19, $0x8  }
0x162: {  	v20 =	vshll.u32 v20, $0x8;
	v19 =	vor.u32 v11, v19  }
0x163: {  	s23 =	sor.u32 $0x420, s28;
	[tilespmem:v15+s11+$0x0] =	vst.idx.add.f32.msk $0xffff, v2;
	v20 =	vor.u32 v11, v20  }
0x164: {  	v15 =	vld [tilespmem:s23+$0x0]  }
0x165: {  	[tilespmem:v18+s11+$0x0] =	vst.idx.add.f32.msk $0xffff, v2  }
0x166: {  	v18 =	vld [tilespmem:s30+$0x0]  }
0x167: {  	[tilespmem:v19+s11+$0x0] =	vst.idx.add.f32.msk $0xffff, v2  }
0x168: {  	[tilespmem:v20+s11+$0x0] =	vst.idx.add.f32.msk $0xffff, v2  }
0x169: {  	v15 =	vshll.u32 v15, $0x8;
	v19 =	vld [tilespmem:s29+$0x0]  }
0x16a: {  	v15 =	vor.u32 v12, v15;
	v20 =	vld [tilespmem:s26+$0x0];
	_ =	sdelay $0x1  }
0x16b: {  	v18 =	vshll.u32 v18, $0x8  }
0x16c: {  	v18 =	vor.u32 v12, v18  }
0x16d: {  	v19 =	vshll.u32 v19, $0x8  }
0x16e: {  	[tilespmem:v15+s11+$0x0] =	vst.idx.add.f32.msk $0xffff, v2;
	v15 =	vshll.u32 v20, $0x8;
	v19 =	vor.u32 v12, v19  }
0x16f: {  	s26 =	sor.u32 $0x430, s28;
	v15 =	vor.u32 v12, v15  }
0x170: {  	v20 =	vld [tilespmem:s26+$0x0]  }
0x171: {  	[tilespmem:v18+s11+$0x0] =	vst.idx.add.f32.msk $0xffff, v2  }
0x172: {  	v18 =	vld [tilespmem:s25+$0x0]  }
0x173: {  	[tilespmem:v19+s11+$0x0] =	vst.idx.add.f32.msk $0xffff, v2  }
0x174: {  	[tilespmem:v15+s11+$0x0] =	vst.idx.add.f32.msk $0xffff, v2  }
0x175: {  	v19 =	vld [tilespmem:s24+$0x0]  }
0x176: {  	v15 =	vshll.u32 v20, $0x8;
	v20 =	vld [tilespmem:s21+$0x0]  }
0x177: {  	v18 =	vshll.u32 v18, $0x8;
	v15 =	vor.u32 v13, v15  }
0x178: {  	v18 =	vor.u32 v13, v18;
	_ =	sdelay $0x1  }
0x179: {  	v19 =	vshll.u32 v19, $0x8  }
0x17a: {  	v20 =	vshll.u32 v20, $0x8;
	v19 =	vor.u32 v13, v19  }
0x17b: {  	[tilespmem:v15+s11+$0x0] =	vst.idx.add.f32.msk $0xffff, v2;
	v15 =	vor.u32 v13, v20  }
0x17c: {  	s1 =	sor.u32 $0x438, s28;
	[tilespmem:v18+s11+$0x0] =	vst.idx.add.f32.msk $0xffff, v2  }
0x17d: {  	v20 =	vld [tilespmem:s1+$0x0]  }
0x17e: {  	v18 =	vld [tilespmem:s20+$0x0]  }
0x17f: {  	[tilespmem:v19+s11+$0x0] =	vst.idx.add.f32.msk $0xffff, v2  }
0x180: {  	[tilespmem:v15+s11+$0x0] =	vst.idx.add.f32.msk $0xffff, v2  }
0x181: {  	v15 =	vld [tilespmem:s18+$0x0]  }
0x182: {  	v19 =	vld [tilespmem:s17+$0x0]  }
0x183: {  	v17 =	vshll.u32 v17, $0x8  }
0x184: {  	v17 =	vor.u32 v14, v17;
	v20 =	vshll.u32 v20, $0x8  }
0x185: {  	v18 =	vshll.u32 v18, $0x8;
	v20 =	vor.u32 v14, v20  }
0x186: {  	v18 =	vor.u32 v14, v18;
	v15 =	vshll.u32 v15, $0x8  }
0x187: {  	v19 =	vshll.u32 v19, $0x8;
	v15 =	vor.u32 v14, v15  }
0x188: {  	[tilespmem:v16+s11+$0x0] =	vst.idx.add.f32.msk vm0, v2;
	v16 =	vor.u32 v14, v19  }
0x189: {  	[tilespmem:v17+s11+$0x0] =	vst.idx.add.f32.msk vm0, v2  }
0x18a: {  	[tilespmem:v20+s11+$0x0] =	vst.idx.add.f32.msk vm0, v2  }
0x18b: {  	[tilespmem:v18+s11+$0x0] =	vst.idx.add.f32.msk vm0, v2  }
0x18c: {  	[tilespmem:v15+s11+$0x0] =	vst.idx.add.f32.msk vm0, v2  }
0x18d: {  	s3 =	simm.s32 $0x0;
	[tilespmem:v16+s11+$0x0] =	vst.idx.add.f32.msk vm0, v2  }
0x18e: {  	[tilespmem:s3], [sflag:$0x1] =	stream.linear.gather [hbm4b:s5+s3], $0x8000, $0x38;
	[tilespmem:$0x11100] =	vst v63  }
0x18f: {  	_ =	swait.ge [sflag:s12], $0x8000  }
0x190: {  	s4 =	sand.u32 $0x7800, s3;
	s0 =	sand.u32 $0x200, s3;
	[sflag:s12] =	ssyncset.done $0x0  }
0x191: {  	s1 =	sor.u32 s0, s4;
	[sflag:s12] =	ssyncadd.s32 $0xFFFF8000  }
0x192: {  	v15 =	vld [tilespmem:s1+$0x8180];
	_ =	sdelay $0x4  }
0x193: {  	v15 =	vshll.u32 v15, $0x8  }
0x194: {  	v15 =	vor.u32 v0, v15  }
0x195: {  	v16 =	vld [tilespmem:s1+$0x8000]  }
0x196: {  	v17 =	vld [tilespmem:s1+$0x8080];
	_ =	sdelay $0x2  }
0x197: {  	[tilespmem:v15+s11+$0x0] =	vst.idx.add.f32.msk $0xffff, v2  }
0x198: {  	v15 =	vshll.u32 v16, $0x8;
	v16 =	vld [tilespmem:s1+$0x8190]  }
0x199: {  	v17 =	vshll.u32 v17, $0x8;
	v15 =	vor.u32 v0, v15  }
0x19a: {  	v18 =	vld [tilespmem:s1+$0x8100];
	v17 =	vor.u32 v0, v17;
	_ =	sdelay $0x2  }
0x19b: {  	v16 =	vshll.u32 v16, $0x8  }
0x19c: {  	[tilespmem:v15+s11+$0x0] =	vst.idx.add.f32.msk $0xffff, v2;
	v15 =	vor.u32 v3, v16  }
0x19d: {  	[tilespmem:v17+s11+$0x0] =	vst.idx.add.f32.msk $0xffff, v2;
	v16 =	vshll.u32 v18, $0x8  }
0x19e: {  	v18 =	vld [tilespmem:s1+$0x8090];
	v16 =	vor.u32 v0, v16  }
0x19f: {  	v17 =	vld [tilespmem:s1+$0x8010];
	_ =	sdelay $0x1  }
0x1a0: {  	[tilespmem:v15+s11+$0x0] =	vst.idx.add.f32.msk $0xffff, v2  }
0x1a1: {  	v15 =	vld [tilespmem:s1+$0x81A0]  }
0x1a2: {  	v18 =	vshll.u32 v18, $0x8;
	[tilespmem:v16+s11+$0x0] =	vst.idx.add.f32.msk $0xffff, v2  }
0x1a3: {  	v16 =	vshll.u32 v17, $0x8;
	v18 =	vor.u32 v3, v18;
	v17 =	vld [tilespmem:s1+$0x8110]  }
0x1a4: {  	v16 =	vor.u32 v3, v16;
	_ =	sdelay $0x1  }
0x1a5: {  	v15 =	vshll.u32 v15, $0x8  }
0x1a6: {  	v15 =	vor.u32 v4, v15  }
0x1a7: {  	[tilespmem:v18+s11+$0x0] =	vst.idx.add.f32.msk $0xffff, v2;
	v17 =	vshll.u32 v17, $0x8  }
0x1a8: {  	[tilespmem:v16+s11+$0x0] =	vst.idx.add.f32.msk $0xffff, v2;
	v16 =	vor.u32 v3, v17  }
0x1a9: {  	v18 =	vld [tilespmem:s1+$0x80A0]  }
0x1aa: {  	v17 =	vld [tilespmem:s1+$0x8020]  }
0x1ab: {  	[tilespmem:v15+s11+$0x0] =	vst.idx.add.f32.msk $0xffff, v2  }
0x1ac: {  	v15 =	vld [tilespmem:s1+$0x81B0]  }
0x1ad: {  	[tilespmem:v16+s11+$0x0] =	vst.idx.add.f32.msk $0xffff, v2  }
0x1ae: {  	v18 =	vshll.u32 v18, $0x8;
	v16 =	vld [tilespmem:s1+$0x8120]  }
0x1af: {  	v17 =	vshll.u32 v17, $0x8;
	v18 =	vor.u32 v4, v18  }
0x1b0: {  	v17 =	vor.u32 v4, v17  }
0x1b1: {  	v15 =	vshll.u32 v15, $0x8  }
0x1b2: {  	v15 =	vor.u32 v5, v15  }
0x1b3: {  	v16 =	vshll.u32 v16, $0x8  }
0x1b4: {  	[tilespmem:v18+s11+$0x0] =	vst.idx.add.f32.msk $0xffff, v2;
	v16 =	vor.u32 v4, v16  }
0x1b5: {  	[tilespmem:v17+s11+$0x0] =	vst.idx.add.f32.msk $0xffff, v2  }
0x1b6: {  	v17 =	vld [tilespmem:s1+$0x8030]  }
0x1b7: {  	[tilespmem:v15+s11+$0x0] =	vst.idx.add.f32.msk $0xffff, v2  }
0x1b8: {  	v15 =	vld [tilespmem:s1+$0x81C0]  }
0x1b9: {  	[tilespmem:v16+s11+$0x0] =	vst.idx.add.f32.msk $0xffff, v2  }
0x1ba: {  	v16 =	vld [tilespmem:s1+$0x80B0]  }
0x1bb: {  	v17 =	vshll.u32 v17, $0x8;
	v18 =	vld [tilespmem:s1+$0x8130]  }
0x1bc: {  	v17 =	vor.u32 v5, v17  }
0x1bd: {  	v15 =	vshll.u32 v15, $0x8  }
0x1be: {  	v15 =	vor.u32 v6, v15  }
0x1bf: {  	v16 =	vshll.u32 v16, $0x8  }
0x1c0: {  	v16 =	vor.u32 v5, v16;
	v18 =	vshll.u32 v18, $0x8  }
0x1c1: {  	[tilespmem:v17+s11+$0x0] =	vst.idx.add.f32.msk $0xffff, v2;
	v18 =	vor.u32 v5, v18  }
0x1c2: {  	v17 =	vld [tilespmem:s1+$0x8040]  }
0x1c3: {  	[tilespmem:v15+s11+$0x0] =	vst.idx.add.f32.msk $0xffff, v2  }
0x1c4: {  	v15 =	vld [tilespmem:s1+$0x81D0]  }
0x1c5: {  	[tilespmem:v16+s11+$0x0] =	vst.idx.add.f32.msk $0xffff, v2  }
0x1c6: {  	[tilespmem:v18+s11+$0x0] =	vst.idx.add.f32.msk $0xffff, v2  }
0x1c7: {  	v16 =	vld [tilespmem:s1+$0x80C0]  }
0x1c8: {  	v17 =	vshll.u32 v17, $0x8;
	v18 =	vld [tilespmem:s1+$0x8140]  }
0x1c9: {  	v17 =	vor.u32 v6, v17;
	v15 =	vshll.u32 v15, $0x8  }
0x1ca: {  	v15 =	vor.u32 v7, v15;
	_ =	sdelay $0x1  }
0x1cb: {  	v16 =	vshll.u32 v16, $0x8  }
0x1cc: {  	v16 =	vor.u32 v6, v16;
	v18 =	vshll.u32 v18, $0x8  }
0x1cd: {  	[tilespmem:v17+s11+$0x0] =	vst.idx.add.f32.msk $0xffff, v2;
	v17 =	vor.u32 v6, v18  }
0x1ce: {  	[tilespmem:v15+s11+$0x0] =	vst.idx.add.f32.msk $0xffff, v2  }
0x1cf: {  	v15 =	vld [tilespmem:s1+$0x81E0]  }
0x1d0: {  	v18 =	vld [tilespmem:s1+$0x8050]  }
0x1d1: {  	[tilespmem:v16+s11+$0x0] =	vst.idx.add.f32.msk $0xffff, v2  }
0x1d2: {  	[tilespmem:v17+s11+$0x0] =	vst.idx.add.f32.msk $0xffff, v2  }
0x1d3: {  	v16 =	vld [tilespmem:s1+$0x80D0]  }
0x1d4: {  	v17 =	vld [tilespmem:s1+$0x8150];
	v15 =	vshll.u32 v15, $0x8  }
0x1d5: {  	v15 =	vor.u32 v8, v15  }
0x1d6: {  	v18 =	vshll.u32 v18, $0x8  }
0x1d7: {  	v18 =	vor.u32 v7, v18  }
0x1d8: {  	v16 =	vshll.u32 v16, $0x8  }
0x1d9: {  	v16 =	vor.u32 v7, v16;
	v17 =	vshll.u32 v17, $0x8  }
0x1da: {  	v17 =	vor.u32 v7, v17;
	[tilespmem:v15+s11+$0x0] =	vst.idx.add.f32.msk $0xffff, v2  }
0x1db: {  	v15 =	vld [tilespmem:s1+$0x81F0]  }
0x1dc: {  	[tilespmem:v18+s11+$0x0] =	vst.idx.add.f32.msk $0xffff, v2  }
0x1dd: {  	v18 =	vld [tilespmem:s1+$0x8060]  }
0x1de: {  	[tilespmem:v16+s11+$0x0] =	vst.idx.add.f32.msk $0xffff, v2  }
0x1df: {  	[tilespmem:v17+s11+$0x0] =	vst.idx.add.f32.msk $0xffff, v2  }
0x1e0: {  	v16 =	vld [tilespmem:s1+$0x80E0];
	v15 =	vshll.u32 v15, $0x8  }
0x1e1: {  	p0 =	por $0x0, $0x0;
	s0 =	simm.s32 $0x1;
	v17 =	vld [tilespmem:s1+$0x8160];
	v15 =	vor.u32 v9, v15  }
0x1e2: {  	s0 =	simm.s32 @!p0 $0x0  }
0x1e3: {  	s0 =	sshll.u32 s0, $0x9;
	v18 =	vshll.u32 v18, $0x8  }
0x1e4: {  	s0 =	sadd.s32 $0x0, s0;
	v18 =	vor.u32 v8, v18  }
0x1e5: {  	s9 =	sadd.s32 $0x180, s0;
	v16 =	vshll.u32 v16, $0x8  }
0x1e6: {  	s14 =	sor.u32 $0x400, s9;
	v16 =	vor.u32 v8, v16;
	v17 =	vshll.u32 v17, $0x8;
	[tilespmem:v15+s11+$0x0] =	vst.idx.add.f32.msk $0xffff, v2  }
0x1e7: {  	v15 =	vor.u32 v8, v17;
	v17 =	vld [tilespmem:s14+$0x8000];
	_ =	sdelay $0x1  }
0x1e8: {  	[tilespmem:v18+s11+$0x0] =	vst.idx.add.f32.msk $0xffff, v2  }
0x1e9: {  	v18 =	vld [tilespmem:s1+$0x8070]  }
0x1ea: {  	s16 =	simm.s32 $0x200;
	s4 =	simm.s32 $0x400;
	[tilespmem:v16+s11+$0x0] =	vst.idx.add.f32.msk $0xffff, v2  }
0x1eb: {  	s4 =	sand.u32 $0x7800, s4;
	s3 =	sand.u32 $0x200, s16;
	[tilespmem:v15+s11+$0x0] =	vst.idx.add.f32.msk $0xffff, v2;
	v15 =	vshll.u32 v17, $0x8  }
0x1ec: {  	s16 =	sor.u32 s3, s4;
	v16 =	vld [tilespmem:s1+$0x80F0];
	v15 =	vor.u32 v10, v15  }
0x1ed: {  	v17 =	vld [tilespmem:s16+$0x8180];
	_ =	sdelay $0x1  }
0x1ee: {  	v20 =	vld [tilespmem:s16+$0x8000]  }
0x1ef: {  	v21 =	vld [tilespmem:s16+$0x8080];
	v18 =	vshll.u32 v18, $0x8  }
0x1f0: {  	s17 =	sor.u32 $0x410, s9;
	v18 =	vor.u32 v9, v18;
	v16 =	vshll.u32 v16, $0x8;
	[tilespmem:v15+s11+$0x0] =	vst.idx.add.f32.msk $0xffff, v2  }
0x1f1: {  	v17 =	vshll.u32 v17, $0x8;
	v15 =	vor.u32 v9, v16;
	v16 =	vld [tilespmem:s17+$0x8000]  }
0x1f2: {  	v22 =	vld [tilespmem:s16+$0x8100];
	v17 =	vor.u32 v0, v17;
	_ =	sdelay $0x1  }
0x1f3: {  	v20 =	vshll.u32 v20, $0x8;
	v19 =	vld [tilespmem:s1+$0x8170]  }
0x1f4: {  	[tilespmem:v18+s11+$0x0] =	vst.idx.add.f32.msk $0xffff, v2;
	v18 =	vor.u32 v0, v20;
	v20 =	vshll.u32 v21, $0x8  }
0x1f5: {  	v20 =	vor.u32 v0, v20;
	[tilespmem:v15+s11+$0x0] =	vst.idx.add.f32.msk $0xffff, v2;
	v15 =	vshll.u32 v16, $0x8  }
0x1f6: {  	[tilespmem:v17+s11+$0x0] =	vst.idx.add.f32.msk $0xffff, v2;
	v16 =	vshll.u32 v22, $0x8;
	v15 =	vor.u32 v11, v15  }
0x1f7: {  	s18 =	sor.u32 $0x400, s0;
	v17 =	vld [tilespmem:s16+$0x8190];
	v16 =	vor.u32 v0, v16  }
0x1f8: {  	v50 =	vld [tilespmem:s18+$0x8000]  }
0x1f9: {  	v19 =	vshll.u32 v19, $0x8;
	[tilespmem:v18+s11+$0x0] =	vst.idx.add.f32.msk $0xffff, v2  }
0x1fa: {  	v19 =	vor.u32 v9, v19;
	[tilespmem:v20+s11+$0x0] =	vst.idx.add.f32.msk $0xffff, v2  }
0x1fb: {  	[tilespmem:v15+s11+$0x0] =	vst.idx.add.f32.msk $0xffff, v2  }
0x1fc: {  	v17 =	vshll.u32 v17, $0x8;
	[tilespmem:v16+s11+$0x0] =	vst.idx.add.f32.msk $0xffff, v2  }
0x1fd: {  	s19 =	sor.u32 $0x420, s9;
	v16 =	vor.u32 v3, v17;
	v17 =	vld [tilespmem:s16+$0x8010]  }
0x1fe: {  	v15 =	vld [tilespmem:s19+$0x8000]  }
0x1ff: {  	[tilespmem:v19+s11+$0x0] =	vst.idx.add.f32.msk $0xffff, v2  }
0x200: {  	v19 =	vld [tilespmem:s16+$0x8090]  }
0x201: {  	v18 =	vshll.u32 v50, $0x8  }
0x202: {  	v18 =	vor.u32 v10, v18;
	[tilespmem:v16+s11+$0x0] =	vst.idx.add.f32.msk $0xffff, v2;
	v16 =	vshll.u32 v17, $0x8  }
0x203: {  	s17 =	sadd.s32 $0x80, s0;
	v20 =	vld [tilespmem:s16+$0x8110];
	v15 =	vshll.u32 v15, $0x8;
	v16 =	vor.u32 v3, v16  }
0x204: {  	s1 =	sadd.s32 $0x100, s0;
	s20 =	sor.u32 $0x400, s17;
	v17 =	vld [tilespmem:s16+$0x81A0];
	v15 =	vor.u32 v12, v15  }
0x205: {  	s21 =	sor.u32 $0x400, s1;
	v51 =	vld [tilespmem:s20+$0x8000];
	v19 =	vshll.u32 v19, $0x8  }
0x206: {  	v52 =	vld [tilespmem:s21+$0x8000];
	v19 =	vor.u32 v3, v19  }
0x207: {  	[tilespmem:v18+s11+$0x0] =	vst.idx.add.f32.msk $0xffff, v2  }
0x208: {  	v20 =	vshll.u32 v20, $0x8;
	[tilespmem:v16+s11+$0x0] =	vst.idx.add.f32.msk $0xffff, v2  }
0x209: {  	s23 =	sor.u32 $0x430, s9;
	v18 =	vor.u32 v3, v20;
	v17 =	vshll.u32 v17, $0x8;
	[tilespmem:v15+s11+$0x0] =	vst.idx.add.f32.msk $0xffff, v2  }
0x20a: {  	v16 =	vor.u32 v4, v17;
	v15 =	vld [tilespmem:s23+$0x8000]  }
0x20b: {  	[tilespmem:v19+s11+$0x0] =	vst.idx.add.f32.msk $0xffff, v2  }
0x20c: {  	v53 =	vld [tilespmem:s16+$0x80A0]  }
0x20d: {  	v17 =	vshll.u32 v51, $0x8;
	v19 =	vld [tilespmem:s16+$0x8020]  }
0x20e: {  	[tilespmem:v18+s11+$0x0] =	vst.idx.add.f32.msk $0xffff, v2;
	v18 =	vshll.u32 v52, $0x8;
	v17 =	vor.u32 v10, v17  }
0x20f: {  	v18 =	vor.u32 v10, v18;
	[tilespmem:v16+s11+$0x0] =	vst.idx.add.f32.msk $0xffff, v2;
	v15 =	vshll.u32 v15, $0x8  }
0x210: {  	s22 =	sor.u32 $0x410, s0;
	v16 =	vld [tilespmem:s16+$0x81B0];
	v15 =	vor.u32 v13, v15  }
0x211: {  	v20 =	vld [tilespmem:s22+$0x8000]  }
0x212: {  	v54 =	vld [tilespmem:s16+$0x8120];
	v19 =	vshll.u32 v19, $0x8  }
0x213: {  	[tilespmem:v17+s11+$0x0] =	vst.idx.add.f32.msk $0xffff, v2;
	v17 =	vor.u32 v4, v19;
	v19 =	vshll.u32 v53, $0x8  }
0x214: {  	[tilespmem:v18+s11+$0x0] =	vst.idx.add.f32.msk $0xffff, v2;
	v18 =	vor.u32 v4, v19  }
0x215: {  	s24 =	sor.u32 $0x438, s9;
	v16 =	vshll.u32 v16, $0x8;
	[tilespmem:v15+s11+$0x0] =	vst.idx.add.f32.msk $0xffff, v2  }
0x216: {  	s25 =	sor.u32 $0x410, s17;
	v16 =	vor.u32 v5, v16;
	v15 =	vld [tilespmem:s24+$0x8000]  }
0x217: {  	v55 =	vshll.u32 v54, $0x8;
	v19 =	vld [tilespmem:s25+$0x8000]  }
0x218: {  	v21 =	vor.u32 v4, v55;
	[tilespmem:v17+s11+$0x0] =	vst.idx.add.f32.msk $0xffff, v2  }
0x219: {  	[tilespmem:v18+s11+$0x0] =	vst.idx.add.f32.msk $0xffff, v2  }
0x21a: {  	v17 =	vld [tilespmem:s16+$0x8030];
	v18 =	vshll.u32 v20, $0x8  }
0x21b: {  	[tilespmem:v16+s11+$0x0] =	vst.idx.add.f32.msk $0xffff, v2;
	v16 =	vor.u32 v11, v18;
	v15 =	vshll.u32 v15, $0x8  }
0x21c: {  	v18 =	vshll.u32 v19, $0x8;
	v19 =	vld [tilespmem:s16+$0x81C0];
	v15 =	vor.u32 v14, v15  }
0x21d: {  	[tilespmem:v21+s11+$0x0] =	vst.idx.add.f32.msk $0xffff, v2  }
0x21e: {  	v20 =	vld [tilespmem:s16+$0x80B0];
	v18 =	vor.u32 v11, v18  }
0x21f: {  	v21 =	vld [tilespmem:s16+$0x8130]  }
0x220: {  	v17 =	vshll.u32 v17, $0x8;
	[tilespmem:v16+s11+$0x0] =	vst.idx.add.f32.msk $0xffff, v2  }
0x221: {  	s26 =	sor.u32 $0x410, s1;
	v16 =	vshll.u32 v19, $0x8;
	[tilespmem:v15+s11+$0x0] =	vst.idx.add.f32.msk vm0, v2;
	v15 =	vor.u32 v5, v17  }
0x222: {  	v56 =	vld [tilespmem:s26+$0x8000];
	v16 =	vor.u32 v6, v16  }
0x223: {  	s4 =	sor.u32 $0x420, s0;
	[tilespmem:v18+s11+$0x0] =	vst.idx.add.f32.msk $0xffff, v2  }
0x224: {  	s9 =	sor.u32 $0x420, s17;
	v18 =	vld [tilespmem:s4+$0x8000];
	v19 =	vshll.u32 v21, $0x8  }
0x225: {  	v17 =	vshll.u32 v20, $0x8;
	v20 =	vld [tilespmem:s9+$0x8000];
	v19 =	vor.u32 v5, v19  }
0x226: {  	v17 =	vor.u32 v5, v17;
	[tilespmem:v15+s11+$0x0] =	vst.idx.add.f32.msk $0xffff, v2  }
0x227: {  	[tilespmem:v16+s11+$0x0] =	vst.idx.add.f32.msk $0xffff, v2  }
0x228: {  	v57 =	vshll.u32 v56, $0x8;
	v15 =	vld [tilespmem:s16+$0x8040]  }
0x229: {  	v16 =	vor.u32 v11, v57;
	v58 =	vld [tilespmem:s16+$0x81D0]  }
0x22a: {  	v18 =	vshll.u32 v18, $0x8;
	[tilespmem:v19+s11+$0x0] =	vst.idx.add.f32.msk $0xffff, v2  }
0x22b: {  	[tilespmem:v17+s11+$0x0] =	vst.idx.add.f32.msk $0xffff, v2;
	v17 =	vor.u32 v12, v18;
	v18 =	vshll.u32 v20, $0x8  }
0x22c: {  	v20 =	vld [tilespmem:s16+$0x8140];
	v18 =	vor.u32 v12, v18  }
0x22d: {  	v19 =	vld [tilespmem:s16+$0x80C0];
	v15 =	vshll.u32 v15, $0x8  }
0x22e: {  	s13 =	sor.u32 $0x420, s1;
	[tilespmem:v16+s11+$0x0] =	vst.idx.add.f32.msk $0xffff, v2;
	v16 =	vshll.u32 v58, $0x8;
	v15 =	vor.u32 v6, v15  }
0x22f: {  	v59 =	vld [tilespmem:s13+$0x8000];
	v16 =	vor.u32 v7, v16  }
0x230: {  	[tilespmem:v17+s11+$0x0] =	vst.idx.add.f32.msk $0xffff, v2  }
0x231: {  	s14 =	sor.u32 $0x430, s0;
	[tilespmem:v18+s11+$0x0] =	vst.idx.add.f32.msk $0xffff, v2  }
0x232: {  	v17 =	vshll.u32 v19, $0x8;
	v19 =	vld [tilespmem:s14+$0x8000]  }
0x233: {  	[tilespmem:v15+s11+$0x0] =	vst.idx.add.f32.msk $0xffff, v2  }
0x234: {  	v15 =	vor.u32 v6, v17;
	v17 =	vshll.u32 v20, $0x8;
	[tilespmem:v16+s11+$0x0] =	vst.idx.add.f32.msk $0xffff, v2  }
0x235: {  	v18 =	vld [tilespmem:s16+$0x8050];
	v17 =	vor.u32 v6, v17  }
0x236: {  	v20 =	vshll.u32 v59, $0x8;
	v16 =	vld [tilespmem:s16+$0x81E0]  }
0x237: {  	s18 =	sor.u32 $0x430, s17;
	v20 =	vor.u32 v12, v20  }
0x238: {  	v60 =	vld [tilespmem:s18+$0x8000];
	v19 =	vshll.u32 v19, $0x8  }
0x239: {  	v19 =	vor.u32 v13, v19;
	[tilespmem:v15+s11+$0x0] =	vst.idx.add.f32.msk $0xffff, v2  }
0x23a: {  	v15 =	vshll.u32 v18, $0x8;
	[tilespmem:v17+s11+$0x0] =	vst.idx.add.f32.msk $0xffff, v2  }
0x23b: {  	v17 =	vld [tilespmem:s16+$0x80D0];
	v16 =	vshll.u32 v16, $0x8;
	v15 =	vor.u32 v7, v15  }
0x23c: {  	[tilespmem:v20+s11+$0x0] =	vst.idx.add.f32.msk $0xffff, v2;
	v16 =	vor.u32 v8, v16  }
0x23d: {  	v18 =	vld [tilespmem:s16+$0x8150]  }
0x23e: {  	s19 =	sor.u32 $0x430, s1;
	[tilespmem:v19+s11+$0x0] =	vst.idx.add.f32.msk $0xffff, v2  }
0x23f: {  	v20 =	vld [tilespmem:s19+$0x8000]  }
0x240: {  	v21 =	vshll.u32 v60, $0x8;
	[tilespmem:v15+s11+$0x0] =	vst.idx.add.f32.msk $0xffff, v2  }
0x241: {  	v19 =	vor.u32 v13, v21;
	v15 =	vshll.u32 v17, $0x8;
	[tilespmem:v16+s11+$0x0] =	vst.idx.add.f32.msk $0xffff, v2  }
0x242: {  	v18 =	vshll.u32 v18, $0x8;
	v17 =	vld [tilespmem:s16+$0x8060];
	v15 =	vor.u32 v7, v15  }
0x243: {  	v18 =	vor.u32 v7, v18;
	v16 =	vld [tilespmem:s16+$0x81F0]  }
0x244: {  	s0 =	sor.u32 $0x438, s0  }
0x245: {  	v61 =	vld [tilespmem:s0+$0x8000]  }
0x246: {  	[tilespmem:v19+s11+$0x0] =	vst.idx.add.f32.msk $0xffff, v2;
	v20 =	vshll.u32 v20, $0x8  }
0x247: {  	v19 =	vor.u32 v13, v20;
	v17 =	vshll.u32 v17, $0x8;
	[tilespmem:v15+s11+$0x0] =	vst.idx.add.f32.msk $0xffff, v2  }
0x248: {  	[tilespmem:v18+s11+$0x0] =	vst.idx.add.f32.msk $0xffff, v2;
	v16 =	vshll.u32 v16, $0x8;
	v15 =	vor.u32 v8, v17  }
0x249: {  	v17 =	vld [tilespmem:s16+$0x80E0];
	v16 =	vor.u32 v9, v16  }
0x24a: {  	p0 =	por !p0, !p0;
	s20 =	sor.u32 $0x438, s17;
	s0 =	simm.s32 $0x1;
	v18 =	vld [tilespmem:s16+$0x8160]  }
0x24b: {  	s0 =	simm.s32 @!p0 $0x0;
	v20 =	vld [tilespmem:s20+$0x8000]  }
0x24c: {  	s0 =	sshll.u32 s0, $0x9;
	[tilespmem:v19+s11+$0x0] =	vst.idx.add.f32.msk $0xffff, v2  }
0x24d: {  	s3 =	sadd.s32 $0x400, s0;
	v21 =	vshll.u32 v61, $0x8;
	[tilespmem:v15+s11+$0x0] =	vst.idx.add.f32.msk $0xffff, v2  }
0x24e: {  	s21 =	sor.u32 $0x438, s1;
	s28 =	sadd.s32 $0x180, s3;
	v15 =	vor.u32 v14, v21;
	v17 =	vshll.u32 v17, $0x8;
	[tilespmem:v16+s11+$0x0] =	vst.idx.add.f32.msk $0xffff, v2  }
0x24f: {  	s19 =	simm.s32 $0x4;
	s22 =	sadd.s32 $0x80, s3;
	s26 =	sor.u32 $0x400, s28;
	v62 =	vld [tilespmem:s16+$0x8070];
	v63 =	vor.u32 v8, v17;
	v17 =	vshll.u32 v18, $0x8  }
0x250: {  	s23 =	sadd.s32 $0x100, s3;
	s9 =	sor.u32 $0x400, s3;
	s1 =	sor.u32 $0x410, s3;
	v24 =	vld [tilespmem:s26+$0x8000];
	v23 =	vor.u32 v8, v17  }
0x251: {  	s30 =	sor.u32 $0x420, s3;
	s25 =	sor.u32 $0x430, s3;
	s14 =	sor.u32 $0x400, s22;
	v17 =	vld [tilespmem:s21+$0x8000]  }
0x252: {  	s13 =	sor.u32 $0x400, s23;
	s0 =	sor.u32 $0x410, s22;
	s31 =	sor.u32 $0x410, s23  }
0x253: {  	s29 =	sor.u32 $0x420, s22;
	s24 =	sor.u32 $0x430, s22;
	s18 =	sor.u32 $0x438, s22;
	[tilespmem:v15+s11+$0x0] =	vst.idx.add.f32.msk vm0, v2  }
0x254: {  	s17 =	sor.u32 $0x438, s23;
	s22 =	simm.s32 $0x400;
	s20 =	sor.u32 $0x438, s3;
	v15 =	vshll.u32 v20, $0x8;
	v18 =	vshll.u32 v62, $0x8;
	[tilespmem:v63+s11+$0x0] =	vst.idx.add.f32.msk $0xffff, v2  }
0x255: {  	s26 =	sor.u32 $0x420, s23;
	s21 =	sor.u32 $0x430, s23;
	s23 =	simm.s32 $0x800;
	v16 =	vor.u32 v14, v15;
	v15 =	vshll.u32 v24, $0x8;
	v18 =	vor.u32 v9, v18;
	[tilespmem:v23+s11+$0x0] =	vst.idx.add.f32.msk $0xffff, v2  }
.LBB2_6:
0x256: {  	s3 =	sand.u32 $0x7800, s23;
	s4 =	sand.u32 $0x200, s22;
	s19 =	sadd.s32 $0x4, s19;
	v19 =	vld [tilespmem:s16+$0x80F0];
	v20 =	vor.u32 v10, v15;
	v15 =	vshll.u32 v17, $0x8  }
0x257: {  	p1 =	slt.u32 s19, $0x7C;
	v17 =	vld [tilespmem:s16+$0x8170];
	s16 =	sor.u32 s4, s3;
	v15 =	vor.u32 v14, v15  }
0x258: {  	v21 =	vld [tilespmem:s16+$0x8180]  }
0x259: {  	v22 =	vld [tilespmem:s16+$0x8000]  }
0x25a: {  	v23 =	vld [tilespmem:s16+$0x8080]  }
0x25b: {  	s3 =	sor.u32 $0x410, s28;
	v19 =	vshll.u32 v19, $0x8;
	[tilespmem:v20+s11+$0x0] =	vst.idx.add.f32.msk $0xffff, v2  }
0x25c: {  	v19 =	vor.u32 v9, v19;
	v17 =	vshll.u32 v17, $0x8;
	v20 =	vld [tilespmem:s3+$0x8000]  }
0x25d: {  	v24 =	vld [tilespmem:s16+$0x8100];
	v21 =	vshll.u32 v21, $0x8;
	v17 =	vor.u32 v9, v17  }
0x25e: {  	v22 =	vshll.u32 v22, $0x8;
	v21 =	vor.u32 v0, v21;
	[tilespmem:v18+s11+$0x0] =	vst.idx.add.f32.msk $0xffff, v2  }
0x25f: {  	v18 =	vor.u32 v0, v22;
	v22 =	vshll.u32 v23, $0x8;
	v23 =	vld [tilespmem:s9+$0x8000]  }
0x260: {  	v22 =	vor.u32 v0, v22;
	[tilespmem:v16+s11+$0x0] =	vst.idx.add.f32.msk vm0, v2  }
0x261: {  	[tilespmem:v19+s11+$0x0] =	vst.idx.add.f32.msk $0xffff, v2;
	v16 =	vshll.u32 v20, $0x8  }
0x262: {  	v19 =	vshll.u32 v24, $0x8;
	[tilespmem:v17+s11+$0x0] =	vst.idx.add.f32.msk $0xffff, v2;
	v16 =	vor.u32 v11, v16  }
0x263: {  	v17 =	vor.u32 v0, v19;
	[tilespmem:v21+s11+$0x0] =	vst.idx.add.f32.msk $0xffff, v2  }
0x264: {  	v19 =	vld [tilespmem:s16+$0x8190];
	v20 =	vshll.u32 v23, $0x8  }
0x265: {  	[tilespmem:v18+s11+$0x0] =	vst.idx.add.f32.msk $0xffff, v2;
	v18 =	vor.u32 v10, v20  }
0x266: {  	[tilespmem:v22+s11+$0x0] =	vst.idx.add.f32.msk $0xffff, v2  }
0x267: {  	s3 =	sor.u32 $0x420, s28;
	[tilespmem:v16+s11+$0x0] =	vst.idx.add.f32.msk $0xffff, v2  }
0x268: {  	v16 =	vld [tilespmem:s3+$0x8000]  }
0x269: {  	[tilespmem:v17+s11+$0x0] =	vst.idx.add.f32.msk $0xffff, v2;
	v17 =	vshll.u32 v19, $0x8  }
0x26a: {  	v19 =	vld [tilespmem:s16+$0x8010];
	v17 =	vor.u32 v3, v17  }
0x26b: {  	v20 =	vld [tilespmem:s16+$0x8090]  }
0x26c: {  	v21 =	vld [tilespmem:s16+$0x8110]  }
0x26d: {  	v22 =	vld [tilespmem:s14+$0x8000];
	v16 =	vshll.u32 v16, $0x8  }
0x26e: {  	v23 =	vld [tilespmem:s13+$0x8000];
	v16 =	vor.u32 v12, v16  }
0x26f: {  	v19 =	vshll.u32 v19, $0x8;
	[tilespmem:v17+s11+$0x0] =	vst.idx.add.f32.msk $0xffff, v2  }
0x270: {  	v17 =	vor.u32 v3, v19;
	v19 =	vshll.u32 v20, $0x8;
	v20 =	vld [tilespmem:s16+$0x81A0]  }
0x271: {  	v19 =	vor.u32 v3, v19;
	v21 =	vshll.u32 v21, $0x8;
	[tilespmem:v18+s11+$0x0] =	vst.idx.add.f32.msk $0xffff, v2  }
0x272: {  	v18 =	vor.u32 v3, v21;
	v21 =	vld [tilespmem:s1+$0x8000];
	v22 =	vshll.u32 v22, $0x8  }
0x273: {  	s1 =	sor.u32 $0x430, s28;
	v22 =	vor.u32 v10, v22;
	v23 =	vshll.u32 v23, $0x8;
	[tilespmem:v16+s11+$0x0] =	vst.idx.add.f32.msk $0xffff, v2  }
0x274: {  	v16 =	vor.u32 v10, v23;
	v23 =	vld [tilespmem:s1+$0x8000]  }
0x275: {  	[tilespmem:v17+s11+$0x0] =	vst.idx.add.f32.msk $0xffff, v2;
	v17 =	vshll.u32 v20, $0x8  }
0x276: {  	[tilespmem:v19+s11+$0x0] =	vst.idx.add.f32.msk $0xffff, v2;
	v17 =	vor.u32 v4, v17  }
0x277: {  	[tilespmem:v18+s11+$0x0] =	vst.idx.add.f32.msk $0xffff, v2;
	v18 =	vshll.u32 v21, $0x8  }
0x278: {  	v19 =	vld [tilespmem:s16+$0x8020];
	v18 =	vor.u32 v11, v18  }
0x279: {  	v20 =	vld [tilespmem:s16+$0x80A0];
	v21 =	vshll.u32 v23, $0x8  }
0x27a: {  	v23 =	vld [tilespmem:s16+$0x8120];
	v21 =	vor.u32 v13, v21  }
0x27b: {  	[tilespmem:v17+s11+$0x0] =	vst.idx.add.f32.msk $0xffff, v2  }
0x27c: {  	v17 =	vld [tilespmem:s16+$0x81B0]  }
0x27d: {  	v19 =	vshll.u32 v19, $0x8;
	[tilespmem:v22+s11+$0x0] =	vst.idx.add.f32.msk $0xffff, v2  }
0x27e: {  	v19 =	vor.u32 v4, v19;
	v20 =	vshll.u32 v20, $0x8;
	[tilespmem:v16+s11+$0x0] =	vst.idx.add.f32.msk $0xffff, v2  }
0x27f: {  	s1 =	sor.u32 $0x438, s28;
	v16 =	vor.u32 v4, v20;
	v20 =	vshll.u32 v23, $0x8;
	[tilespmem:v21+s11+$0x0] =	vst.idx.add.f32.msk $0xffff, v2  }
0x280: {  	v20 =	vor.u32 v4, v20;
	v21 =	vld [tilespmem:s1+$0x8000]  }
0x281: {  	v17 =	vshll.u32 v17, $0x8;
	v22 =	vld [tilespmem:s0+$0x8000]  }
0x282: {  	v17 =	vor.u32 v5, v17;
	v23 =	vld [tilespmem:s31+$0x8000]  }
0x283: {  	[tilespmem:v19+s11+$0x0] =	vst.idx.add.f32.msk $0xffff, v2  }
0x284: {  	[tilespmem:v16+s11+$0x0] =	vst.idx.add.f32.msk $0xffff, v2  }
0x285: {  	[tilespmem:v20+s11+$0x0] =	vst.idx.add.f32.msk $0xffff, v2;
	v16 =	vshll.u32 v21, $0x8  }
0x286: {  	v19 =	vld [tilespmem:s16+$0x8030];
	v20 =	vshll.u32 v22, $0x8;
	v16 =	vor.u32 v14, v16  }
0x287: {  	[tilespmem:v17+s11+$0x0] =	vst.idx.add.f32.msk $0xffff, v2;
	v17 =	vor.u32 v11, v20;
	v20 =	vshll.u32 v23, $0x8  }
0x288: {  	v21 =	vld [tilespmem:s16+$0x81C0];
	v20 =	vor.u32 v11, v20  }
0x289: {  	v22 =	vld [tilespmem:s16+$0x80B0]  }
0x28a: {  	v23 =	vld [tilespmem:s16+$0x8130]  }
0x28b: {  	v19 =	vshll.u32 v19, $0x8;
	[tilespmem:v16+s11+$0x0] =	vst.idx.add.f32.msk vm0, v2  }
0x28c: {  	v16 =	vor.u32 v5, v19;
	[tilespmem:v18+s11+$0x0] =	vst.idx.add.f32.msk $0xffff, v2  }
0x28d: {  	v18 =	vshll.u32 v21, $0x8;
	[tilespmem:v17+s11+$0x0] =	vst.idx.add.f32.msk $0xffff, v2  }
0x28e: {  	v17 =	vshll.u32 v22, $0x8;
	v18 =	vor.u32 v6, v18;
	[tilespmem:v20+s11+$0x0] =	vst.idx.add.f32.msk $0xffff, v2  }
0x28f: {  	v17 =	vor.u32 v5, v17;
	v19 =	vshll.u32 v23, $0x8;
	v20 =	vld [tilespmem:s30+$0x8000]  }
0x290: {  	v19 =	vor.u32 v5, v19;
	v21 =	vld [tilespmem:s29+$0x8000]  }
0x291: {  	[tilespmem:v16+s11+$0x0] =	vst.idx.add.f32.msk $0xffff, v2  }
0x292: {  	v16 =	vld [tilespmem:s16+$0x8040]  }
0x293: {  	[tilespmem:v18+s11+$0x0] =	vst.idx.add.f32.msk $0xffff, v2  }
0x294: {  	v18 =	vld [tilespmem:s16+$0x81D0];
	v20 =	vshll.u32 v20, $0x8  }
0x295: {  	[tilespmem:v17+s11+$0x0] =	vst.idx.add.f32.msk $0xffff, v2;
	v17 =	vor.u32 v12, v20;
	v20 =	vshll.u32 v21, $0x8  }
0x296: {  	[tilespmem:v19+s11+$0x0] =	vst.idx.add.f32.msk $0xffff, v2;
	v19 =	vor.u32 v12, v20  }
0x297: {  	v16 =	vshll.u32 v16, $0x8;
	v20 =	vld [tilespmem:s16+$0x80C0]  }
0x298: {  	v16 =	vor.u32 v6, v16;
	v21 =	vld [tilespmem:s16+$0x8140]  }
0x299: {  	v18 =	vshll.u32 v18, $0x8;
	v22 =	vld [tilespmem:s26+$0x8000]  }
0x29a: {  	v18 =	vor.u32 v7, v18;
	[tilespmem:v17+s11+$0x0] =	vst.idx.add.f32.msk $0xffff, v2  }
0x29b: {  	[tilespmem:v19+s11+$0x0] =	vst.idx.add.f32.msk $0xffff, v2  }
0x29c: {  	v17 =	vshll.u32 v20, $0x8;
	v19 =	vld [tilespmem:s25+$0x8000]  }
0x29d: {  	[tilespmem:v16+s11+$0x0] =	vst.idx.add.f32.msk $0xffff, v2;
	v16 =	vor.u32 v6, v17;
	v17 =	vshll.u32 v21, $0x8  }
0x29e: {  	v20 =	vld [tilespmem:s16+$0x8050];
	v17 =	vor.u32 v6, v17;
	v21 =	vshll.u32 v22, $0x8  }
0x29f: {  	[tilespmem:v18+s11+$0x0] =	vst.idx.add.f32.msk $0xffff, v2;
	v18 =	vor.u32 v12, v21  }
0x2a0: {  	v21 =	vld [tilespmem:s16+$0x81E0]  }
0x2a1: {  	v19 =	vshll.u32 v19, $0x8;
	v22 =	vld [tilespmem:s24+$0x8000]  }
0x2a2: {  	[tilespmem:v16+s11+$0x0] =	vst.idx.add.f32.msk $0xffff, v2;
	v16 =	vor.u32 v13, v19  }
0x2a3: {  	v19 =	vshll.u32 v20, $0x8;
	[tilespmem:v17+s11+$0x0] =	vst.idx.add.f32.msk $0xffff, v2  }
0x2a4: {  	v17 =	vor.u32 v7, v19;
	v19 =	vld [tilespmem:s16+$0x80D0]  }
0x2a5: {  	v20 =	vld [tilespmem:s16+$0x8150];
	v21 =	vshll.u32 v21, $0x8  }
0x2a6: {  	v21 =	vor.u32 v8, v21;
	v22 =	vshll.u32 v22, $0x8;
	[tilespmem:v18+s11+$0x0] =	vst.idx.add.f32.msk $0xffff, v2  }
0x2a7: {  	v18 =	vor.u32 v13, v22;
	v22 =	vld [tilespmem:s21+$0x8000]  }
0x2a8: {  	[tilespmem:v16+s11+$0x0] =	vst.idx.add.f32.msk $0xffff, v2  }
0x2a9: {  	[tilespmem:v17+s11+$0x0] =	vst.idx.add.f32.msk $0xffff, v2;
	v16 =	vshll.u32 v19, $0x8  }
0x2aa: {  	v17 =	vld [tilespmem:s16+$0x8060];
	v16 =	vor.u32 v7, v16;
	v19 =	vshll.u32 v20, $0x8  }
0x2ab: {  	v19 =	vor.u32 v7, v19;
	[tilespmem:v21+s11+$0x0] =	vst.idx.add.f32.msk $0xffff, v2  }
0x2ac: {  	v20 =	vld [tilespmem:s16+$0x81F0];
	v21 =	vshll.u32 v22, $0x8  }
0x2ad: {  	[tilespmem:v18+s11+$0x0] =	vst.idx.add.f32.msk $0xffff, v2;
	v18 =	vor.u32 v13, v21  }
0x2ae: {  	v21 =	vld [tilespmem:s20+$0x8000]  }
0x2af: {  	v17 =	vshll.u32 v17, $0x8;
	[tilespmem:v16+s11+$0x0] =	vst.idx.add.f32.msk $0xffff, v2  }
0x2b0: {  	v16 =	vor.u32 v8, v17;
	[tilespmem:v19+s11+$0x0] =	vst.idx.add.f32.msk $0xffff, v2  }
0x2b1: {  	p0 =	por !p0, !p0;
	s0 =	simm.s32 $0x1;
	v17 =	vld [tilespmem:s16+$0x80E0];
	v19 =	vshll.u32 v20, $0x8  }
0x2b2: {  	s0 =	simm.s32 @!p0 $0x0;
	v20 =	vld [tilespmem:s16+$0x8160];
	v19 =	vor.u32 v9, v19  }
0x2b3: {  	s0 =	sshll.u32 s0, $0x9;
	v21 =	vshll.u32 v21, $0x8;
	[tilespmem:v18+s11+$0x0] =	vst.idx.add.f32.msk $0xffff, v2  }
0x2b4: {  	s3 =	sadd.s32 s0, s23;
	v18 =	vor.u32 v14, v21;
	v21 =	vld [tilespmem:s18+$0x8000]  }
0x2b5: {  	s4 =	sadd.s32 $0x80, s3;
	[tilespmem:v16+s11+$0x0] =	vst.idx.add.f32.msk $0xffff, v2  }
0x2b6: {  	s28 =	sadd.s32 $0x180, s3;
	s9 =	sor.u32 $0x400, s3;
	s20 =	sadd.s32 $0x100, s3;
	v22 =	vld [tilespmem:s16+$0x8070];
	v16 =	vshll.u32 v17, $0x8  }
0x2b7: {  	s14 =	sor.u32 $0x400, s4;
	s1 =	sor.u32 $0x400, s28;
	s13 =	sor.u32 $0x400, s20;
	v23 =	vor.u32 v8, v16;
	v16 =	vshll.u32 v20, $0x8;
	[tilespmem:v19+s11+$0x0] =	vst.idx.add.f32.msk $0xffff, v2  }
0x2b8: {  	s0 =	sor.u32 $0x410, s4;
	s29 =	sor.u32 $0x420, s4;
	s31 =	sor.u32 $0x410, s20;
	v19 =	vor.u32 v8, v16;
	v20 =	vld [tilespmem:s1+$0x8000]  }
.Ltmp2:
0x2b9: {  	s26 =	sor.u32 $0x420, s20;
	s1 =	sor.u32 $0x410, s3;
	v16 =	vshll.u32 v21, $0x8;
	v17 =	vld [tilespmem:s17+$0x8000];
	(pc) =	sbr.rel @p1 .LBB2_6-.Ltmp2, $4  }
0x2ba: {  	s30 =	sor.u32 $0x420, s3;
	s24 =	sor.u32 $0x430, s4;
	s21 =	sor.u32 $0x430, s20;
	[tilespmem:v18+s11+$0x0] =	vst.idx.add.f32.msk vm0, v2;
	v16 =	vor.u32 v14, v16  }
0x2bb: {  	s25 =	sor.u32 $0x430, s3;
	s18 =	sor.u32 $0x438, s4;
	s17 =	sor.u32 $0x438, s20;
	v18 =	vshll.u32 v22, $0x8;
	[tilespmem:v15+s11+$0x0] =	vst.idx.add.f32.msk vm0, v2  }
0x2bc: {  	s20 =	sor.u32 $0x438, s3;
	v18 =	vor.u32 v9, v18;
	[tilespmem:v23+s11+$0x0] =	vst.idx.add.f32.msk $0xffff, v2  }
0x2bd: {  	s22 =	sadd.s32 $0x200, s22;
	s23 =	sadd.s32 $0x400, s23;
	[tilespmem:v19+s11+$0x0] =	vst.idx.add.f32.msk $0xffff, v2;
	v15 =	vshll.u32 v20, $0x8  }
0x2be: {  	v19 =	vld [tilespmem:s16+$0x80F0]  }
0x2bf: {  	v20 =	vld [tilespmem:s16+$0x8170];
	_ =	sdelay $0x3  }
0x2c0: {  	v19 =	vshll.u32 v19, $0x8  }
0x2c1: {  	v20 =	vshll.u32 v20, $0x8;
	v19 =	vor.u32 v9, v19  }
0x2c2: {  	[tilespmem:v18+s11+$0x0] =	vst.idx.add.f32.msk $0xffff, v2;
	v18 =	vor.u32 v9, v20  }
0x2c3: {  	v20 =	vld [tilespmem:s9+$0x8000];
	_ =	sdelay $0x2  }
0x2c4: {  	[tilespmem:v19+s11+$0x0] =	vst.idx.add.f32.msk $0xffff, v2  }
0x2c5: {  	[tilespmem:v18+s11+$0x0] =	vst.idx.add.f32.msk $0xffff, v2  }
0x2c6: {  	v18 =	vshll.u32 v20, $0x8;
	v19 =	vld [tilespmem:s14+$0x8000]  }
0x2c7: {  	v18 =	vor.u32 v10, v18;
	v20 =	vld [tilespmem:s13+$0x8000]  }
0x2c8: {  	v15 =	vor.u32 v10, v15;
	_ =	sdelay $0x2  }
0x2c9: {  	v19 =	vshll.u32 v19, $0x8  }
0x2ca: {  	[tilespmem:v18+s11+$0x0] =	vst.idx.add.f32.msk $0xffff, v2;
	v18 =	vshll.u32 v20, $0x8;
	v19 =	vor.u32 v10, v19  }
0x2cb: {  	s3 =	sor.u32 $0x410, s28;
	[tilespmem:v15+s11+$0x0] =	vst.idx.add.f32.msk $0xffff, v2;
	v18 =	vor.u32 v10, v18  }
0x2cc: {  	v15 =	vld [tilespmem:s3+$0x8000]  }
0x2cd: {  	v20 =	vld [tilespmem:s1+$0x8000];
	_ =	sdelay $0x1  }
0x2ce: {  	[tilespmem:v19+s11+$0x0] =	vst.idx.add.f32.msk $0xffff, v2  }
0x2cf: {  	[tilespmem:v18+s11+$0x0] =	vst.idx.add.f32.msk $0xffff, v2  }
0x2d0: {  	v19 =	vld [tilespmem:s0+$0x8000]  }
0x2d1: {  	v15 =	vshll.u32 v15, $0x8;
	v18 =	vshll.u32 v20, $0x8;
	v20 =	vld [tilespmem:s31+$0x8000]  }
0x2d2: {  	v15 =	vor.u32 v11, v15;
	_ =	sdelay $0x1  }
0x2d3: {  	v18 =	vor.u32 v11, v18  }
0x2d4: {  	v19 =	vshll.u32 v19, $0x8  }
0x2d5: {  	v20 =	vshll.u32 v20, $0x8;
	v19 =	vor.u32 v11, v19  }
0x2d6: {  	s22 =	sor.u32 $0x420, s28;
	[tilespmem:v15+s11+$0x0] =	vst.idx.add.f32.msk $0xffff, v2;
	v20 =	vor.u32 v11, v20  }
0x2d7: {  	v15 =	vld [tilespmem:s22+$0x8000]  }
0x2d8: {  	[tilespmem:v18+s11+$0x0] =	vst.idx.add.f32.msk $0xffff, v2  }
0x2d9: {  	v18 =	vld [tilespmem:s30+$0x8000]  }
0x2da: {  	[tilespmem:v19+s11+$0x0] =	vst.idx.add.f32.msk $0xffff, v2  }
0x2db: {  	[tilespmem:v20+s11+$0x0] =	vst.idx.add.f32.msk $0xffff, v2  }
0x2dc: {  	v15 =	vshll.u32 v15, $0x8;
	v19 =	vld [tilespmem:s29+$0x8000]  }
0x2dd: {  	v15 =	vor.u32 v12, v15;
	v20 =	vld [tilespmem:s26+$0x8000];
	_ =	sdelay $0x1  }
0x2de: {  	v18 =	vshll.u32 v18, $0x8  }
0x2df: {  	v18 =	vor.u32 v12, v18  }
0x2e0: {  	v19 =	vshll.u32 v19, $0x8  }
0x2e1: {  	[tilespmem:v15+s11+$0x0] =	vst.idx.add.f32.msk $0xffff, v2;
	v15 =	vshll.u32 v20, $0x8;
	v19 =	vor.u32 v12, v19  }
0x2e2: {  	s23 =	sor.u32 $0x430, s28;
	v15 =	vor.u32 v12, v15  }
0x2e3: {  	v20 =	vld [tilespmem:s23+$0x8000]  }
0x2e4: {  	[tilespmem:v18+s11+$0x0] =	vst.idx.add.f32.msk $0xffff, v2  }
0x2e5: {  	v18 =	vld [tilespmem:s25+$0x8000]  }
0x2e6: {  	[tilespmem:v19+s11+$0x0] =	vst.idx.add.f32.msk $0xffff, v2  }
0x2e7: {  	[tilespmem:v15+s11+$0x0] =	vst.idx.add.f32.msk $0xffff, v2  }
0x2e8: {  	v19 =	vld [tilespmem:s24+$0x8000]  }
0x2e9: {  	v15 =	vshll.u32 v20, $0x8;
	v20 =	vld [tilespmem:s21+$0x8000]  }
0x2ea: {  	v18 =	vshll.u32 v18, $0x8;
	v15 =	vor.u32 v13, v15  }
0x2eb: {  	v18 =	vor.u32 v13, v18;
	_ =	sdelay $0x1  }
0x2ec: {  	v19 =	vshll.u32 v19, $0x8  }
0x2ed: {  	v20 =	vshll.u32 v20, $0x8;
	v19 =	vor.u32 v13, v19  }
0x2ee: {  	[tilespmem:v15+s11+$0x0] =	vst.idx.add.f32.msk $0xffff, v2;
	v15 =	vor.u32 v13, v20  }
0x2ef: {  	s25 =	sor.u32 $0x438, s28;
	[tilespmem:v18+s11+$0x0] =	vst.idx.add.f32.msk $0xffff, v2  }
0x2f0: {  	v20 =	vld [tilespmem:s25+$0x8000]  }
0x2f1: {  	v18 =	vld [tilespmem:s20+$0x8000]  }
0x2f2: {  	[tilespmem:v19+s11+$0x0] =	vst.idx.add.f32.msk $0xffff, v2  }
0x2f3: {  	[tilespmem:v15+s11+$0x0] =	vst.idx.add.f32.msk $0xffff, v2  }
0x2f4: {  	v15 =	vld [tilespmem:s18+$0x8000]  }
0x2f5: {  	v19 =	vld [tilespmem:s17+$0x8000]  }
0x2f6: {  	v17 =	vshll.u32 v17, $0x8  }
0x2f7: {  	v17 =	vor.u32 v14, v17;
	v20 =	vshll.u32 v20, $0x8  }
0x2f8: {  	v18 =	vshll.u32 v18, $0x8;
	v20 =	vor.u32 v14, v20  }
0x2f9: {  	v18 =	vor.u32 v14, v18;
	v15 =	vshll.u32 v15, $0x8  }
0x2fa: {  	v19 =	vshll.u32 v19, $0x8;
	v15 =	vor.u32 v14, v15  }
0x2fb: {  	[tilespmem:v16+s11+$0x0] =	vst.idx.add.f32.msk vm0, v2;
	v16 =	vor.u32 v14, v19  }
0x2fc: {  	[tilespmem:v17+s11+$0x0] =	vst.idx.add.f32.msk vm0, v2  }
0x2fd: {  	[tilespmem:v20+s11+$0x0] =	vst.idx.add.f32.msk vm0, v2  }
0x2fe: {  	[tilespmem:v18+s11+$0x0] =	vst.idx.add.f32.msk vm0, v2  }
0x2ff: {  	[tilespmem:v15+s11+$0x0] =	vst.idx.add.f32.msk vm0, v2  }
0x300: {  	s3 =	simm.s32 $0x8000;
	s26 =	simm.s32 $0x0;
	[tilespmem:v16+s11+$0x0] =	vst.idx.add.f32.msk vm0, v2  }
0x301: {  	[tilespmem:s3], [sflag:$0x2] =	stream.linear.gather [hbm4b:s6+s26], $0x8000, $0x38;
	[tilespmem:$0x11100] =	vst v63  }
0x302: {  	_ =	swait.ge [sflag:s10], $0x8000  }
0x303: {  	s4 =	sand.u32 $0x7800, s26;
	s0 =	sand.u32 $0x200, s26;
	[sflag:s10] =	ssyncset.done $0x0  }
0x304: {  	s1 =	sor.u32 s0, s4;
	[sflag:s10] =	ssyncadd.s32 $0xFFFF8000  }
0x305: {  	v15 =	vld [tilespmem:s1+$0x180];
	_ =	sdelay $0x4  }
0x306: {  	v15 =	vshll.u32 v15, $0x8  }
0x307: {  	v15 =	vor.u32 v0, v15  }
0x308: {  	v16 =	vld [tilespmem:s1+$0x0]  }
0x309: {  	v17 =	vld [tilespmem:s1+$0x80];
	_ =	sdelay $0x2  }
0x30a: {  	[tilespmem:v15+s11+$0x0] =	vst.idx.add.f32.msk $0xffff, v2  }
0x30b: {  	v15 =	vshll.u32 v16, $0x8;
	v16 =	vld [tilespmem:s1+$0x190]  }
0x30c: {  	v17 =	vshll.u32 v17, $0x8;
	v15 =	vor.u32 v0, v15  }
0x30d: {  	v18 =	vld [tilespmem:s1+$0x100];
	v17 =	vor.u32 v0, v17;
	_ =	sdelay $0x2  }
0x30e: {  	v16 =	vshll.u32 v16, $0x8  }
0x30f: {  	[tilespmem:v15+s11+$0x0] =	vst.idx.add.f32.msk $0xffff, v2;
	v15 =	vor.u32 v3, v16  }
0x310: {  	[tilespmem:v17+s11+$0x0] =	vst.idx.add.f32.msk $0xffff, v2;
	v16 =	vshll.u32 v18, $0x8  }
0x311: {  	v18 =	vld [tilespmem:s1+$0x90];
	v16 =	vor.u32 v0, v16  }
0x312: {  	v17 =	vld [tilespmem:s1+$0x10];
	_ =	sdelay $0x1  }
0x313: {  	[tilespmem:v15+s11+$0x0] =	vst.idx.add.f32.msk $0xffff, v2  }
0x314: {  	v15 =	vld [tilespmem:s1+$0x1A0]  }
0x315: {  	v18 =	vshll.u32 v18, $0x8;
	[tilespmem:v16+s11+$0x0] =	vst.idx.add.f32.msk $0xffff, v2  }
0x316: {  	v16 =	vshll.u32 v17, $0x8;
	v18 =	vor.u32 v3, v18;
	v17 =	vld [tilespmem:s1+$0x110]  }
0x317: {  	v16 =	vor.u32 v3, v16;
	_ =	sdelay $0x1  }
0x318: {  	v15 =	vshll.u32 v15, $0x8  }
0x319: {  	v15 =	vor.u32 v4, v15  }
0x31a: {  	[tilespmem:v18+s11+$0x0] =	vst.idx.add.f32.msk $0xffff, v2;
	v17 =	vshll.u32 v17, $0x8  }
0x31b: {  	[tilespmem:v16+s11+$0x0] =	vst.idx.add.f32.msk $0xffff, v2;
	v16 =	vor.u32 v3, v17  }
0x31c: {  	v18 =	vld [tilespmem:s1+$0xA0]  }
0x31d: {  	v17 =	vld [tilespmem:s1+$0x20]  }
0x31e: {  	[tilespmem:v15+s11+$0x0] =	vst.idx.add.f32.msk $0xffff, v2  }
0x31f: {  	v15 =	vld [tilespmem:s1+$0x1B0]  }
0x320: {  	[tilespmem:v16+s11+$0x0] =	vst.idx.add.f32.msk $0xffff, v2  }
0x321: {  	v18 =	vshll.u32 v18, $0x8;
	v16 =	vld [tilespmem:s1+$0x120]  }
0x322: {  	v17 =	vshll.u32 v17, $0x8;
	v18 =	vor.u32 v4, v18  }
0x323: {  	v17 =	vor.u32 v4, v17  }
0x324: {  	v15 =	vshll.u32 v15, $0x8  }
0x325: {  	v15 =	vor.u32 v5, v15  }
0x326: {  	v16 =	vshll.u32 v16, $0x8  }
0x327: {  	[tilespmem:v18+s11+$0x0] =	vst.idx.add.f32.msk $0xffff, v2;
	v16 =	vor.u32 v4, v16  }
0x328: {  	[tilespmem:v17+s11+$0x0] =	vst.idx.add.f32.msk $0xffff, v2  }
0x329: {  	v17 =	vld [tilespmem:s1+$0x30]  }
0x32a: {  	[tilespmem:v15+s11+$0x0] =	vst.idx.add.f32.msk $0xffff, v2  }
0x32b: {  	v15 =	vld [tilespmem:s1+$0x1C0]  }
0x32c: {  	[tilespmem:v16+s11+$0x0] =	vst.idx.add.f32.msk $0xffff, v2  }
0x32d: {  	v16 =	vld [tilespmem:s1+$0xB0]  }
0x32e: {  	v17 =	vshll.u32 v17, $0x8;
	v18 =	vld [tilespmem:s1+$0x130]  }
0x32f: {  	v17 =	vor.u32 v5, v17  }
0x330: {  	v15 =	vshll.u32 v15, $0x8  }
0x331: {  	v15 =	vor.u32 v6, v15  }
0x332: {  	v16 =	vshll.u32 v16, $0x8  }
0x333: {  	v16 =	vor.u32 v5, v16;
	v18 =	vshll.u32 v18, $0x8  }
0x334: {  	[tilespmem:v17+s11+$0x0] =	vst.idx.add.f32.msk $0xffff, v2;
	v18 =	vor.u32 v5, v18  }
0x335: {  	v17 =	vld [tilespmem:s1+$0x40]  }
0x336: {  	[tilespmem:v15+s11+$0x0] =	vst.idx.add.f32.msk $0xffff, v2  }
0x337: {  	v15 =	vld [tilespmem:s1+$0x1D0]  }
0x338: {  	[tilespmem:v16+s11+$0x0] =	vst.idx.add.f32.msk $0xffff, v2  }
0x339: {  	[tilespmem:v18+s11+$0x0] =	vst.idx.add.f32.msk $0xffff, v2  }
0x33a: {  	v16 =	vld [tilespmem:s1+$0xC0]  }
0x33b: {  	v17 =	vshll.u32 v17, $0x8;
	v18 =	vld [tilespmem:s1+$0x140]  }
0x33c: {  	v17 =	vor.u32 v6, v17;
	v15 =	vshll.u32 v15, $0x8  }
0x33d: {  	v15 =	vor.u32 v7, v15;
	_ =	sdelay $0x1  }
0x33e: {  	v16 =	vshll.u32 v16, $0x8  }
0x33f: {  	v16 =	vor.u32 v6, v16;
	v18 =	vshll.u32 v18, $0x8  }
0x340: {  	[tilespmem:v17+s11+$0x0] =	vst.idx.add.f32.msk $0xffff, v2;
	v17 =	vor.u32 v6, v18  }
0x341: {  	[tilespmem:v15+s11+$0x0] =	vst.idx.add.f32.msk $0xffff, v2  }
0x342: {  	v15 =	vld [tilespmem:s1+$0x1E0]  }
0x343: {  	v18 =	vld [tilespmem:s1+$0x50]  }
0x344: {  	[tilespmem:v16+s11+$0x0] =	vst.idx.add.f32.msk $0xffff, v2  }
0x345: {  	[tilespmem:v17+s11+$0x0] =	vst.idx.add.f32.msk $0xffff, v2  }
0x346: {  	v16 =	vld [tilespmem:s1+$0xD0]  }
0x347: {  	v17 =	vld [tilespmem:s1+$0x150];
	v15 =	vshll.u32 v15, $0x8  }
0x348: {  	v15 =	vor.u32 v8, v15  }
0x349: {  	v18 =	vshll.u32 v18, $0x8  }
0x34a: {  	v18 =	vor.u32 v7, v18  }
0x34b: {  	v16 =	vshll.u32 v16, $0x8  }
0x34c: {  	v16 =	vor.u32 v7, v16;
	v17 =	vshll.u32 v17, $0x8  }
0x34d: {  	v17 =	vor.u32 v7, v17;
	[tilespmem:v15+s11+$0x0] =	vst.idx.add.f32.msk $0xffff, v2  }
0x34e: {  	v15 =	vld [tilespmem:s1+$0x1F0]  }
0x34f: {  	[tilespmem:v18+s11+$0x0] =	vst.idx.add.f32.msk $0xffff, v2  }
0x350: {  	v18 =	vld [tilespmem:s1+$0x60]  }
0x351: {  	[tilespmem:v16+s11+$0x0] =	vst.idx.add.f32.msk $0xffff, v2  }
0x352: {  	[tilespmem:v17+s11+$0x0] =	vst.idx.add.f32.msk $0xffff, v2  }
0x353: {  	v16 =	vld [tilespmem:s1+$0xE0];
	v15 =	vshll.u32 v15, $0x8  }
0x354: {  	p0 =	por $0x0, $0x0;
	s0 =	simm.s32 $0x1;
	v17 =	vld [tilespmem:s1+$0x160];
	v15 =	vor.u32 v9, v15  }
0x355: {  	s0 =	simm.s32 @!p0 $0x0  }
0x356: {  	s0 =	sshll.u32 s0, $0x9;
	v18 =	vshll.u32 v18, $0x8  }
0x357: {  	s0 =	sadd.s32 $0x0, s0;
	v18 =	vor.u32 v8, v18  }
0x358: {  	s9 =	sadd.s32 $0x180, s0;
	v16 =	vshll.u32 v16, $0x8  }
0x359: {  	s14 =	sor.u32 $0x400, s9;
	v16 =	vor.u32 v8, v16;
	v17 =	vshll.u32 v17, $0x8;
	[tilespmem:v15+s11+$0x0] =	vst.idx.add.f32.msk $0xffff, v2  }
0x35a: {  	v15 =	vor.u32 v8, v17;
	v17 =	vld [tilespmem:s14+$0x0];
	_ =	sdelay $0x1  }
0x35b: {  	[tilespmem:v18+s11+$0x0] =	vst.idx.add.f32.msk $0xffff, v2  }
0x35c: {  	v18 =	vld [tilespmem:s1+$0x70]  }
0x35d: {  	s16 =	simm.s32 $0x200;
	s4 =	simm.s32 $0x400;
	[tilespmem:v16+s11+$0x0] =	vst.idx.add.f32.msk $0xffff, v2  }
0x35e: {  	s4 =	sand.u32 $0x7800, s4;
	s3 =	sand.u32 $0x200, s16;
	[tilespmem:v15+s11+$0x0] =	vst.idx.add.f32.msk $0xffff, v2;
	v15 =	vshll.u32 v17, $0x8  }
0x35f: {  	s16 =	sor.u32 s3, s4;
	v16 =	vld [tilespmem:s1+$0xF0];
	v15 =	vor.u32 v10, v15  }
0x360: {  	v17 =	vld [tilespmem:s16+$0x180];
	_ =	sdelay $0x1  }
0x361: {  	v20 =	vld [tilespmem:s16+$0x0]  }
0x362: {  	v21 =	vld [tilespmem:s16+$0x80];
	v18 =	vshll.u32 v18, $0x8  }
0x363: {  	s17 =	sor.u32 $0x410, s9;
	v18 =	vor.u32 v9, v18;
	v16 =	vshll.u32 v16, $0x8;
	[tilespmem:v15+s11+$0x0] =	vst.idx.add.f32.msk $0xffff, v2  }
0x364: {  	v17 =	vshll.u32 v17, $0x8;
	v15 =	vor.u32 v9, v16;
	v16 =	vld [tilespmem:s17+$0x0]  }
0x365: {  	v22 =	vld [tilespmem:s16+$0x100];
	v17 =	vor.u32 v0, v17;
	_ =	sdelay $0x1  }
0x366: {  	v20 =	vshll.u32 v20, $0x8;
	v19 =	vld [tilespmem:s1+$0x170]  }
0x367: {  	[tilespmem:v18+s11+$0x0] =	vst.idx.add.f32.msk $0xffff, v2;
	v18 =	vor.u32 v0, v20;
	v20 =	vshll.u32 v21, $0x8  }
0x368: {  	v20 =	vor.u32 v0, v20;
	[tilespmem:v15+s11+$0x0] =	vst.idx.add.f32.msk $0xffff, v2;
	v15 =	vshll.u32 v16, $0x8  }
0x369: {  	[tilespmem:v17+s11+$0x0] =	vst.idx.add.f32.msk $0xffff, v2;
	v16 =	vshll.u32 v22, $0x8;
	v15 =	vor.u32 v11, v15  }
0x36a: {  	s18 =	sor.u32 $0x400, s0;
	v17 =	vld [tilespmem:s16+$0x190];
	v16 =	vor.u32 v0, v16  }
0x36b: {  	v50 =	vld [tilespmem:s18+$0x0]  }
0x36c: {  	v19 =	vshll.u32 v19, $0x8;
	[tilespmem:v18+s11+$0x0] =	vst.idx.add.f32.msk $0xffff, v2  }
0x36d: {  	v19 =	vor.u32 v9, v19;
	[tilespmem:v20+s11+$0x0] =	vst.idx.add.f32.msk $0xffff, v2  }
0x36e: {  	[tilespmem:v15+s11+$0x0] =	vst.idx.add.f32.msk $0xffff, v2  }
0x36f: {  	v17 =	vshll.u32 v17, $0x8;
	[tilespmem:v16+s11+$0x0] =	vst.idx.add.f32.msk $0xffff, v2  }
0x370: {  	s19 =	sor.u32 $0x420, s9;
	v16 =	vor.u32 v3, v17;
	v17 =	vld [tilespmem:s16+$0x10]  }
0x371: {  	v15 =	vld [tilespmem:s19+$0x0]  }
0x372: {  	[tilespmem:v19+s11+$0x0] =	vst.idx.add.f32.msk $0xffff, v2  }
0x373: {  	v19 =	vld [tilespmem:s16+$0x90]  }
0x374: {  	v18 =	vshll.u32 v50, $0x8  }
0x375: {  	v18 =	vor.u32 v10, v18;
	[tilespmem:v16+s11+$0x0] =	vst.idx.add.f32.msk $0xffff, v2;
	v16 =	vshll.u32 v17, $0x8  }
0x376: {  	s17 =	sadd.s32 $0x80, s0;
	v20 =	vld [tilespmem:s16+$0x110];
	v15 =	vshll.u32 v15, $0x8;
	v16 =	vor.u32 v3, v16  }
0x377: {  	s1 =	sadd.s32 $0x100, s0;
	s20 =	sor.u32 $0x400, s17;
	v17 =	vld [tilespmem:s16+$0x1A0];
	v15 =	vor.u32 v12, v15  }
0x378: {  	s21 =	sor.u32 $0x400, s1;
	v51 =	vld [tilespmem:s20+$0x0];
	v19 =	vshll.u32 v19, $0x8  }
0x379: {  	v52 =	vld [tilespmem:s21+$0x0];
	v19 =	vor.u32 v3, v19  }
0x37a: {  	[tilespmem:v18+s11+$0x0] =	vst.idx.add.f32.msk $0xffff, v2  }
0x37b: {  	v20 =	vshll.u32 v20, $0x8;
	[tilespmem:v16+s11+$0x0] =	vst.idx.add.f32.msk $0xffff, v2  }
0x37c: {  	s23 =	sor.u32 $0x430, s9;
	v18 =	vor.u32 v3, v20;
	v17 =	vshll.u32 v17, $0x8;
	[tilespmem:v15+s11+$0x0] =	vst.idx.add.f32.msk $0xffff, v2  }
0x37d: {  	v16 =	vor.u32 v4, v17;
	v15 =	vld [tilespmem:s23+$0x0]  }
0x37e: {  	[tilespmem:v19+s11+$0x0] =	vst.idx.add.f32.msk $0xffff, v2  }
0x37f: {  	v53 =	vld [tilespmem:s16+$0xA0]  }
0x380: {  	v17 =	vshll.u32 v51, $0x8;
	v19 =	vld [tilespmem:s16+$0x20]  }
0x381: {  	[tilespmem:v18+s11+$0x0] =	vst.idx.add.f32.msk $0xffff, v2;
	v18 =	vshll.u32 v52, $0x8;
	v17 =	vor.u32 v10, v17  }
0x382: {  	v18 =	vor.u32 v10, v18;
	[tilespmem:v16+s11+$0x0] =	vst.idx.add.f32.msk $0xffff, v2;
	v15 =	vshll.u32 v15, $0x8  }
0x383: {  	s22 =	sor.u32 $0x410, s0;
	v16 =	vld [tilespmem:s16+$0x1B0];
	v15 =	vor.u32 v13, v15  }
0x384: {  	v20 =	vld [tilespmem:s22+$0x0]  }
0x385: {  	v54 =	vld [tilespmem:s16+$0x120];
	v19 =	vshll.u32 v19, $0x8  }
0x386: {  	[tilespmem:v17+s11+$0x0] =	vst.idx.add.f32.msk $0xffff, v2;
	v17 =	vor.u32 v4, v19;
	v19 =	vshll.u32 v53, $0x8  }
0x387: {  	[tilespmem:v18+s11+$0x0] =	vst.idx.add.f32.msk $0xffff, v2;
	v18 =	vor.u32 v4, v19  }
0x388: {  	s24 =	sor.u32 $0x438, s9;
	v16 =	vshll.u32 v16, $0x8;
	[tilespmem:v15+s11+$0x0] =	vst.idx.add.f32.msk $0xffff, v2  }
0x389: {  	s25 =	sor.u32 $0x410, s17;
	v16 =	vor.u32 v5, v16;
	v15 =	vld [tilespmem:s24+$0x0]  }
0x38a: {  	v55 =	vshll.u32 v54, $0x8;
	v19 =	vld [tilespmem:s25+$0x0]  }
0x38b: {  	v21 =	vor.u32 v4, v55;
	[tilespmem:v17+s11+$0x0] =	vst.idx.add.f32.msk $0xffff, v2  }
0x38c: {  	[tilespmem:v18+s11+$0x0] =	vst.idx.add.f32.msk $0xffff, v2  }
0x38d: {  	v17 =	vld [tilespmem:s16+$0x30];
	v18 =	vshll.u32 v20, $0x8  }
0x38e: {  	[tilespmem:v16+s11+$0x0] =	vst.idx.add.f32.msk $0xffff, v2;
	v16 =	vor.u32 v11, v18;
	v15 =	vshll.u32 v15, $0x8  }
0x38f: {  	v18 =	vshll.u32 v19, $0x8;
	v19 =	vld [tilespmem:s16+$0x1C0];
	v15 =	vor.u32 v14, v15  }
0x390: {  	[tilespmem:v21+s11+$0x0] =	vst.idx.add.f32.msk $0xffff, v2  }
0x391: {  	v20 =	vld [tilespmem:s16+$0xB0];
	v18 =	vor.u32 v11, v18  }
0x392: {  	v21 =	vld [tilespmem:s16+$0x130]  }
0x393: {  	v17 =	vshll.u32 v17, $0x8;
	[tilespmem:v16+s11+$0x0] =	vst.idx.add.f32.msk $0xffff, v2  }
0x394: {  	s26 =	sor.u32 $0x410, s1;
	v16 =	vshll.u32 v19, $0x8;
	[tilespmem:v15+s11+$0x0] =	vst.idx.add.f32.msk vm0, v2;
	v15 =	vor.u32 v5, v17  }
0x395: {  	v56 =	vld [tilespmem:s26+$0x0];
	v16 =	vor.u32 v6, v16  }
0x396: {  	s4 =	sor.u32 $0x420, s0;
	[tilespmem:v18+s11+$0x0] =	vst.idx.add.f32.msk $0xffff, v2  }
0x397: {  	s9 =	sor.u32 $0x420, s17;
	v18 =	vld [tilespmem:s4+$0x0];
	v19 =	vshll.u32 v21, $0x8  }
0x398: {  	v17 =	vshll.u32 v20, $0x8;
	v20 =	vld [tilespmem:s9+$0x0];
	v19 =	vor.u32 v5, v19  }
0x399: {  	v17 =	vor.u32 v5, v17;
	[tilespmem:v15+s11+$0x0] =	vst.idx.add.f32.msk $0xffff, v2  }
0x39a: {  	[tilespmem:v16+s11+$0x0] =	vst.idx.add.f32.msk $0xffff, v2  }
0x39b: {  	v57 =	vshll.u32 v56, $0x8;
	v15 =	vld [tilespmem:s16+$0x40]  }
0x39c: {  	v16 =	vor.u32 v11, v57;
	v58 =	vld [tilespmem:s16+$0x1D0]  }
0x39d: {  	v18 =	vshll.u32 v18, $0x8;
	[tilespmem:v19+s11+$0x0] =	vst.idx.add.f32.msk $0xffff, v2  }
0x39e: {  	[tilespmem:v17+s11+$0x0] =	vst.idx.add.f32.msk $0xffff, v2;
	v17 =	vor.u32 v12, v18;
	v18 =	vshll.u32 v20, $0x8  }
0x39f: {  	v20 =	vld [tilespmem:s16+$0x140];
	v18 =	vor.u32 v12, v18  }
0x3a0: {  	v19 =	vld [tilespmem:s16+$0xC0];
	v15 =	vshll.u32 v15, $0x8  }
0x3a1: {  	s13 =	sor.u32 $0x420, s1;
	[tilespmem:v16+s11+$0x0] =	vst.idx.add.f32.msk $0xffff, v2;
	v16 =	vshll.u32 v58, $0x8;
	v15 =	vor.u32 v6, v15  }
0x3a2: {  	v59 =	vld [tilespmem:s13+$0x0];
	v16 =	vor.u32 v7, v16  }
0x3a3: {  	[tilespmem:v17+s11+$0x0] =	vst.idx.add.f32.msk $0xffff, v2  }
0x3a4: {  	s14 =	sor.u32 $0x430, s0;
	[tilespmem:v18+s11+$0x0] =	vst.idx.add.f32.msk $0xffff, v2  }
0x3a5: {  	v17 =	vshll.u32 v19, $0x8;
	v19 =	vld [tilespmem:s14+$0x0]  }
0x3a6: {  	[tilespmem:v15+s11+$0x0] =	vst.idx.add.f32.msk $0xffff, v2  }
0x3a7: {  	v15 =	vor.u32 v6, v17;
	v17 =	vshll.u32 v20, $0x8;
	[tilespmem:v16+s11+$0x0] =	vst.idx.add.f32.msk $0xffff, v2  }
0x3a8: {  	v18 =	vld [tilespmem:s16+$0x50];
	v17 =	vor.u32 v6, v17  }
0x3a9: {  	v20 =	vshll.u32 v59, $0x8;
	v16 =	vld [tilespmem:s16+$0x1E0]  }
0x3aa: {  	s18 =	sor.u32 $0x430, s17;
	v20 =	vor.u32 v12, v20  }
0x3ab: {  	v60 =	vld [tilespmem:s18+$0x0];
	v19 =	vshll.u32 v19, $0x8  }
0x3ac: {  	v19 =	vor.u32 v13, v19;
	[tilespmem:v15+s11+$0x0] =	vst.idx.add.f32.msk $0xffff, v2  }
0x3ad: {  	v15 =	vshll.u32 v18, $0x8;
	[tilespmem:v17+s11+$0x0] =	vst.idx.add.f32.msk $0xffff, v2  }
0x3ae: {  	v17 =	vld [tilespmem:s16+$0xD0];
	v16 =	vshll.u32 v16, $0x8;
	v15 =	vor.u32 v7, v15  }
0x3af: {  	[tilespmem:v20+s11+$0x0] =	vst.idx.add.f32.msk $0xffff, v2;
	v16 =	vor.u32 v8, v16  }
0x3b0: {  	v18 =	vld [tilespmem:s16+$0x150]  }
0x3b1: {  	s19 =	sor.u32 $0x430, s1;
	[tilespmem:v19+s11+$0x0] =	vst.idx.add.f32.msk $0xffff, v2  }
0x3b2: {  	v20 =	vld [tilespmem:s19+$0x0]  }
0x3b3: {  	v21 =	vshll.u32 v60, $0x8;
	[tilespmem:v15+s11+$0x0] =	vst.idx.add.f32.msk $0xffff, v2  }
0x3b4: {  	v19 =	vor.u32 v13, v21;
	v15 =	vshll.u32 v17, $0x8;
	[tilespmem:v16+s11+$0x0] =	vst.idx.add.f32.msk $0xffff, v2  }
0x3b5: {  	v18 =	vshll.u32 v18, $0x8;
	v17 =	vld [tilespmem:s16+$0x60];
	v15 =	vor.u32 v7, v15  }
0x3b6: {  	v18 =	vor.u32 v7, v18;
	v16 =	vld [tilespmem:s16+$0x1F0]  }
0x3b7: {  	s0 =	sor.u32 $0x438, s0  }
0x3b8: {  	v61 =	vld [tilespmem:s0+$0x0]  }
0x3b9: {  	[tilespmem:v19+s11+$0x0] =	vst.idx.add.f32.msk $0xffff, v2;
	v20 =	vshll.u32 v20, $0x8  }
0x3ba: {  	v19 =	vor.u32 v13, v20;
	v17 =	vshll.u32 v17, $0x8;
	[tilespmem:v15+s11+$0x0] =	vst.idx.add.f32.msk $0xffff, v2  }
0x3bb: {  	[tilespmem:v18+s11+$0x0] =	vst.idx.add.f32.msk $0xffff, v2;
	v16 =	vshll.u32 v16, $0x8;
	v15 =	vor.u32 v8, v17  }
0x3bc: {  	v17 =	vld [tilespmem:s16+$0xE0];
	v16 =	vor.u32 v9, v16  }
0x3bd: {  	p0 =	por !p0, !p0;
	s20 =	sor.u32 $0x438, s17;
	s0 =	simm.s32 $0x1;
	v18 =	vld [tilespmem:s16+$0x160]  }
0x3be: {  	s0 =	simm.s32 @!p0 $0x0;
	v20 =	vld [tilespmem:s20+$0x0]  }
0x3bf: {  	s0 =	sshll.u32 s0, $0x9;
	[tilespmem:v19+s11+$0x0] =	vst.idx.add.f32.msk $0xffff, v2  }
0x3c0: {  	s3 =	sadd.s32 $0x400, s0;
	v21 =	vshll.u32 v61, $0x8;
	[tilespmem:v15+s11+$0x0] =	vst.idx.add.f32.msk $0xffff, v2  }
0x3c1: {  	s21 =	sor.u32 $0x438, s1;
	s28 =	sadd.s32 $0x180, s3;
	v15 =	vor.u32 v14, v21;
	v17 =	vshll.u32 v17, $0x8;
	[tilespmem:v16+s11+$0x0] =	vst.idx.add.f32.msk $0xffff, v2  }
0x3c2: {  	s19 =	simm.s32 $0x4;
	s22 =	sadd.s32 $0x80, s3;
	s26 =	sor.u32 $0x400, s28;
	v62 =	vld [tilespmem:s16+$0x70];
	v63 =	vor.u32 v8, v17;
	v17 =	vshll.u32 v18, $0x8  }
0x3c3: {  	s23 =	sadd.s32 $0x100, s3;
	s9 =	sor.u32 $0x400, s3;
	s1 =	sor.u32 $0x410, s3;
	v24 =	vld [tilespmem:s26+$0x0];
	v23 =	vor.u32 v8, v17  }
0x3c4: {  	s30 =	sor.u32 $0x420, s3;
	s25 =	sor.u32 $0x430, s3;
	s14 =	sor.u32 $0x400, s22;
	v17 =	vld [tilespmem:s21+$0x0]  }
0x3c5: {  	s13 =	sor.u32 $0x400, s23;
	s0 =	sor.u32 $0x410, s22;
	s31 =	sor.u32 $0x410, s23  }
0x3c6: {  	s29 =	sor.u32 $0x420, s22;
	s24 =	sor.u32 $0x430, s22;
	s18 =	sor.u32 $0x438, s22;
	[tilespmem:v15+s11+$0x0] =	vst.idx.add.f32.msk vm0, v2  }
0x3c7: {  	s17 =	sor.u32 $0x438, s23;
	s22 =	simm.s32 $0x400;
	s20 =	sor.u32 $0x438, s3;
	v15 =	vshll.u32 v20, $0x8;
	v18 =	vshll.u32 v62, $0x8;
	[tilespmem:v63+s11+$0x0] =	vst.idx.add.f32.msk $0xffff, v2  }
0x3c8: {  	s26 =	sor.u32 $0x420, s23;
	s21 =	sor.u32 $0x430, s23;
	s23 =	simm.s32 $0x800;
	v16 =	vor.u32 v14, v15;
	v15 =	vshll.u32 v24, $0x8;
	v18 =	vor.u32 v9, v18;
	[tilespmem:v23+s11+$0x0] =	vst.idx.add.f32.msk $0xffff, v2  }
.LBB2_8:
0x3c9: {  	s3 =	sand.u32 $0x7800, s23;
	s4 =	sand.u32 $0x200, s22;
	s19 =	sadd.s32 $0x4, s19;
	v19 =	vld [tilespmem:s16+$0xF0];
	v20 =	vor.u32 v10, v15;
	v15 =	vshll.u32 v17, $0x8  }
0x3ca: {  	p1 =	slt.u32 s19, $0x7C;
	v17 =	vld [tilespmem:s16+$0x170];
	s16 =	sor.u32 s4, s3;
	v15 =	vor.u32 v14, v15  }
0x3cb: {  	v21 =	vld [tilespmem:s16+$0x180]  }
0x3cc: {  	v22 =	vld [tilespmem:s16+$0x0]  }
0x3cd: {  	v23 =	vld [tilespmem:s16+$0x80]  }
0x3ce: {  	s3 =	sor.u32 $0x410, s28;
	v19 =	vshll.u32 v19, $0x8;
	[tilespmem:v20+s11+$0x0] =	vst.idx.add.f32.msk $0xffff, v2  }
0x3cf: {  	v19 =	vor.u32 v9, v19;
	v17 =	vshll.u32 v17, $0x8;
	v20 =	vld [tilespmem:s3+$0x0]  }
0x3d0: {  	v24 =	vld [tilespmem:s16+$0x100];
	v21 =	vshll.u32 v21, $0x8;
	v17 =	vor.u32 v9, v17  }
0x3d1: {  	v22 =	vshll.u32 v22, $0x8;
	v21 =	vor.u32 v0, v21;
	[tilespmem:v18+s11+$0x0] =	vst.idx.add.f32.msk $0xffff, v2  }
0x3d2: {  	v18 =	vor.u32 v0, v22;
	v22 =	vshll.u32 v23, $0x8;
	v23 =	vld [tilespmem:s9+$0x0]  }
0x3d3: {  	v22 =	vor.u32 v0, v22;
	[tilespmem:v16+s11+$0x0] =	vst.idx.add.f32.msk vm0, v2  }
0x3d4: {  	[tilespmem:v19+s11+$0x0] =	vst.idx.add.f32.msk $0xffff, v2;
	v16 =	vshll.u32 v20, $0x8  }
0x3d5: {  	v19 =	vshll.u32 v24, $0x8;
	[tilespmem:v17+s11+$0x0] =	vst.idx.add.f32.msk $0xffff, v2;
	v16 =	vor.u32 v11, v16  }
0x3d6: {  	v17 =	vor.u32 v0, v19;
	[tilespmem:v21+s11+$0x0] =	vst.idx.add.f32.msk $0xffff, v2  }
0x3d7: {  	v19 =	vld [tilespmem:s16+$0x190];
	v20 =	vshll.u32 v23, $0x8  }
0x3d8: {  	[tilespmem:v18+s11+$0x0] =	vst.idx.add.f32.msk $0xffff, v2;
	v18 =	vor.u32 v10, v20  }
0x3d9: {  	[tilespmem:v22+s11+$0x0] =	vst.idx.add.f32.msk $0xffff, v2  }
0x3da: {  	s3 =	sor.u32 $0x420, s28;
	[tilespmem:v16+s11+$0x0] =	vst.idx.add.f32.msk $0xffff, v2  }
0x3db: {  	v16 =	vld [tilespmem:s3+$0x0]  }
0x3dc: {  	[tilespmem:v17+s11+$0x0] =	vst.idx.add.f32.msk $0xffff, v2;
	v17 =	vshll.u32 v19, $0x8  }
0x3dd: {  	v19 =	vld [tilespmem:s16+$0x10];
	v17 =	vor.u32 v3, v17  }
0x3de: {  	v20 =	vld [tilespmem:s16+$0x90]  }
0x3df: {  	v21 =	vld [tilespmem:s16+$0x110]  }
0x3e0: {  	v22 =	vld [tilespmem:s14+$0x0];
	v16 =	vshll.u32 v16, $0x8  }
0x3e1: {  	v23 =	vld [tilespmem:s13+$0x0];
	v16 =	vor.u32 v12, v16  }
0x3e2: {  	v19 =	vshll.u32 v19, $0x8;
	[tilespmem:v17+s11+$0x0] =	vst.idx.add.f32.msk $0xffff, v2  }
0x3e3: {  	v17 =	vor.u32 v3, v19;
	v19 =	vshll.u32 v20, $0x8;
	v20 =	vld [tilespmem:s16+$0x1A0]  }
0x3e4: {  	v19 =	vor.u32 v3, v19;
	v21 =	vshll.u32 v21, $0x8;
	[tilespmem:v18+s11+$0x0] =	vst.idx.add.f32.msk $0xffff, v2  }
0x3e5: {  	v18 =	vor.u32 v3, v21;
	v21 =	vld [tilespmem:s1+$0x0];
	v22 =	vshll.u32 v22, $0x8  }
0x3e6: {  	s1 =	sor.u32 $0x430, s28;
	v22 =	vor.u32 v10, v22;
	v23 =	vshll.u32 v23, $0x8;
	[tilespmem:v16+s11+$0x0] =	vst.idx.add.f32.msk $0xffff, v2  }
0x3e7: {  	v16 =	vor.u32 v10, v23;
	v23 =	vld [tilespmem:s1+$0x0]  }
0x3e8: {  	[tilespmem:v17+s11+$0x0] =	vst.idx.add.f32.msk $0xffff, v2;
	v17 =	vshll.u32 v20, $0x8  }
0x3e9: {  	[tilespmem:v19+s11+$0x0] =	vst.idx.add.f32.msk $0xffff, v2;
	v17 =	vor.u32 v4, v17  }
0x3ea: {  	[tilespmem:v18+s11+$0x0] =	vst.idx.add.f32.msk $0xffff, v2;
	v18 =	vshll.u32 v21, $0x8  }
0x3eb: {  	v19 =	vld [tilespmem:s16+$0x20];
	v18 =	vor.u32 v11, v18  }
0x3ec: {  	v20 =	vld [tilespmem:s16+$0xA0];
	v21 =	vshll.u32 v23, $0x8  }
0x3ed: {  	v23 =	vld [tilespmem:s16+$0x120];
	v21 =	vor.u32 v13, v21  }
0x3ee: {  	[tilespmem:v17+s11+$0x0] =	vst.idx.add.f32.msk $0xffff, v2  }
0x3ef: {  	v17 =	vld [tilespmem:s16+$0x1B0]  }
0x3f0: {  	v19 =	vshll.u32 v19, $0x8;
	[tilespmem:v22+s11+$0x0] =	vst.idx.add.f32.msk $0xffff, v2  }
0x3f1: {  	v19 =	vor.u32 v4, v19;
	v20 =	vshll.u32 v20, $0x8;
	[tilespmem:v16+s11+$0x0] =	vst.idx.add.f32.msk $0xffff, v2  }
0x3f2: {  	s1 =	sor.u32 $0x438, s28;
	v16 =	vor.u32 v4, v20;
	v20 =	vshll.u32 v23, $0x8;
	[tilespmem:v21+s11+$0x0] =	vst.idx.add.f32.msk $0xffff, v2  }
0x3f3: {  	v20 =	vor.u32 v4, v20;
	v21 =	vld [tilespmem:s1+$0x0]  }
0x3f4: {  	v17 =	vshll.u32 v17, $0x8;
	v22 =	vld [tilespmem:s0+$0x0]  }
0x3f5: {  	v17 =	vor.u32 v5, v17;
	v23 =	vld [tilespmem:s31+$0x0]  }
0x3f6: {  	[tilespmem:v19+s11+$0x0] =	vst.idx.add.f32.msk $0xffff, v2  }
0x3f7: {  	[tilespmem:v16+s11+$0x0] =	vst.idx.add.f32.msk $0xffff, v2  }
0x3f8: {  	[tilespmem:v20+s11+$0x0] =	vst.idx.add.f32.msk $0xffff, v2;
	v16 =	vshll.u32 v21, $0x8  }
0x3f9: {  	v19 =	vld [tilespmem:s16+$0x30];
	v20 =	vshll.u32 v22, $0x8;
	v16 =	vor.u32 v14, v16  }
0x3fa: {  	[tilespmem:v17+s11+$0x0] =	vst.idx.add.f32.msk $0xffff, v2;
	v17 =	vor.u32 v11, v20;
	v20 =	vshll.u32 v23, $0x8  }
0x3fb: {  	v21 =	vld [tilespmem:s16+$0x1C0];
	v20 =	vor.u32 v11, v20  }
0x3fc: {  	v22 =	vld [tilespmem:s16+$0xB0]  }
0x3fd: {  	v23 =	vld [tilespmem:s16+$0x130]  }
0x3fe: {  	v19 =	vshll.u32 v19, $0x8;
	[tilespmem:v16+s11+$0x0] =	vst.idx.add.f32.msk vm0, v2  }
0x3ff: {  	v16 =	vor.u32 v5, v19;
	[tilespmem:v18+s11+$0x0] =	vst.idx.add.f32.msk $0xffff, v2  }
0x400: {  	v18 =	vshll.u32 v21, $0x8;
	[tilespmem:v17+s11+$0x0] =	vst.idx.add.f32.msk $0xffff, v2  }
0x401: {  	v17 =	vshll.u32 v22, $0x8;
	v18 =	vor.u32 v6, v18;
	[tilespmem:v20+s11+$0x0] =	vst.idx.add.f32.msk $0xffff, v2  }
0x402: {  	v17 =	vor.u32 v5, v17;
	v19 =	vshll.u32 v23, $0x8;
	v20 =	vld [tilespmem:s30+$0x0]  }
0x403: {  	v19 =	vor.u32 v5, v19;
	v21 =	vld [tilespmem:s29+$0x0]  }
0x404: {  	[tilespmem:v16+s11+$0x0] =	vst.idx.add.f32.msk $0xffff, v2  }
0x405: {  	v16 =	vld [tilespmem:s16+$0x40]  }
0x406: {  	[tilespmem:v18+s11+$0x0] =	vst.idx.add.f32.msk $0xffff, v2  }
0x407: {  	v18 =	vld [tilespmem:s16+$0x1D0];
	v20 =	vshll.u32 v20, $0x8  }
0x408: {  	[tilespmem:v17+s11+$0x0] =	vst.idx.add.f32.msk $0xffff, v2;
	v17 =	vor.u32 v12, v20;
	v20 =	vshll.u32 v21, $0x8  }
0x409: {  	[tilespmem:v19+s11+$0x0] =	vst.idx.add.f32.msk $0xffff, v2;
	v19 =	vor.u32 v12, v20  }
0x40a: {  	v16 =	vshll.u32 v16, $0x8;
	v20 =	vld [tilespmem:s16+$0xC0]  }
0x40b: {  	v16 =	vor.u32 v6, v16;
	v21 =	vld [tilespmem:s16+$0x140]  }
0x40c: {  	v18 =	vshll.u32 v18, $0x8;
	v22 =	vld [tilespmem:s26+$0x0]  }
0x40d: {  	v18 =	vor.u32 v7, v18;
	[tilespmem:v17+s11+$0x0] =	vst.idx.add.f32.msk $0xffff, v2  }
0x40e: {  	[tilespmem:v19+s11+$0x0] =	vst.idx.add.f32.msk $0xffff, v2  }
0x40f: {  	v17 =	vshll.u32 v20, $0x8;
	v19 =	vld [tilespmem:s25+$0x0]  }
0x410: {  	[tilespmem:v16+s11+$0x0] =	vst.idx.add.f32.msk $0xffff, v2;
	v16 =	vor.u32 v6, v17;
	v17 =	vshll.u32 v21, $0x8  }
0x411: {  	v20 =	vld [tilespmem:s16+$0x50];
	v17 =	vor.u32 v6, v17;
	v21 =	vshll.u32 v22, $0x8  }
0x412: {  	[tilespmem:v18+s11+$0x0] =	vst.idx.add.f32.msk $0xffff, v2;
	v18 =	vor.u32 v12, v21  }
0x413: {  	v21 =	vld [tilespmem:s16+$0x1E0]  }
0x414: {  	v19 =	vshll.u32 v19, $0x8;
	v22 =	vld [tilespmem:s24+$0x0]  }
0x415: {  	[tilespmem:v16+s11+$0x0] =	vst.idx.add.f32.msk $0xffff, v2;
	v16 =	vor.u32 v13, v19  }
0x416: {  	v19 =	vshll.u32 v20, $0x8;
	[tilespmem:v17+s11+$0x0] =	vst.idx.add.f32.msk $0xffff, v2  }
0x417: {  	v17 =	vor.u32 v7, v19;
	v19 =	vld [tilespmem:s16+$0xD0]  }
0x418: {  	v20 =	vld [tilespmem:s16+$0x150];
	v21 =	vshll.u32 v21, $0x8  }
0x419: {  	v21 =	vor.u32 v8, v21;
	v22 =	vshll.u32 v22, $0x8;
	[tilespmem:v18+s11+$0x0] =	vst.idx.add.f32.msk $0xffff, v2  }
0x41a: {  	v18 =	vor.u32 v13, v22;
	v22 =	vld [tilespmem:s21+$0x0]  }
0x41b: {  	[tilespmem:v16+s11+$0x0] =	vst.idx.add.f32.msk $0xffff, v2  }
0x41c: {  	[tilespmem:v17+s11+$0x0] =	vst.idx.add.f32.msk $0xffff, v2;
	v16 =	vshll.u32 v19, $0x8  }
0x41d: {  	v17 =	vld [tilespmem:s16+$0x60];
	v16 =	vor.u32 v7, v16;
	v19 =	vshll.u32 v20, $0x8  }
0x41e: {  	v19 =	vor.u32 v7, v19;
	[tilespmem:v21+s11+$0x0] =	vst.idx.add.f32.msk $0xffff, v2  }
0x41f: {  	v20 =	vld [tilespmem:s16+$0x1F0];
	v21 =	vshll.u32 v22, $0x8  }
0x420: {  	[tilespmem:v18+s11+$0x0] =	vst.idx.add.f32.msk $0xffff, v2;
	v18 =	vor.u32 v13, v21  }
0x421: {  	v21 =	vld [tilespmem:s20+$0x0]  }
0x422: {  	v17 =	vshll.u32 v17, $0x8;
	[tilespmem:v16+s11+$0x0] =	vst.idx.add.f32.msk $0xffff, v2  }
0x423: {  	v16 =	vor.u32 v8, v17;
	[tilespmem:v19+s11+$0x0] =	vst.idx.add.f32.msk $0xffff, v2  }
0x424: {  	p0 =	por !p0, !p0;
	s0 =	simm.s32 $0x1;
	v17 =	vld [tilespmem:s16+$0xE0];
	v19 =	vshll.u32 v20, $0x8  }
0x425: {  	s0 =	simm.s32 @!p0 $0x0;
	v20 =	vld [tilespmem:s16+$0x160];
	v19 =	vor.u32 v9, v19  }
0x426: {  	s0 =	sshll.u32 s0, $0x9;
	v21 =	vshll.u32 v21, $0x8;
	[tilespmem:v18+s11+$0x0] =	vst.idx.add.f32.msk $0xffff, v2  }
0x427: {  	s3 =	sadd.s32 s0, s23;
	v18 =	vor.u32 v14, v21;
	v21 =	vld [tilespmem:s18+$0x0]  }
0x428: {  	s4 =	sadd.s32 $0x80, s3;
	[tilespmem:v16+s11+$0x0] =	vst.idx.add.f32.msk $0xffff, v2  }
0x429: {  	s28 =	sadd.s32 $0x180, s3;
	s9 =	sor.u32 $0x400, s3;
	s20 =	sadd.s32 $0x100, s3;
	v22 =	vld [tilespmem:s16+$0x70];
	v16 =	vshll.u32 v17, $0x8  }
0x42a: {  	s14 =	sor.u32 $0x400, s4;
	s1 =	sor.u32 $0x400, s28;
	s13 =	sor.u32 $0x400, s20;
	v23 =	vor.u32 v8, v16;
	v16 =	vshll.u32 v20, $0x8;
	[tilespmem:v19+s11+$0x0] =	vst.idx.add.f32.msk $0xffff, v2  }
0x42b: {  	s0 =	sor.u32 $0x410, s4;
	s29 =	sor.u32 $0x420, s4;
	s31 =	sor.u32 $0x410, s20;
	v19 =	vor.u32 v8, v16;
	v20 =	vld [tilespmem:s1+$0x0]  }
.Ltmp3:
0x42c: {  	s26 =	sor.u32 $0x420, s20;
	s1 =	sor.u32 $0x410, s3;
	v16 =	vshll.u32 v21, $0x8;
	v17 =	vld [tilespmem:s17+$0x0];
	(pc) =	sbr.rel @p1 .LBB2_8-.Ltmp3, $4  }
0x42d: {  	s30 =	sor.u32 $0x420, s3;
	s24 =	sor.u32 $0x430, s4;
	s21 =	sor.u32 $0x430, s20;
	[tilespmem:v18+s11+$0x0] =	vst.idx.add.f32.msk vm0, v2;
	v16 =	vor.u32 v14, v16  }
0x42e: {  	s25 =	sor.u32 $0x430, s3;
	s18 =	sor.u32 $0x438, s4;
	s17 =	sor.u32 $0x438, s20;
	v18 =	vshll.u32 v22, $0x8;
	[tilespmem:v15+s11+$0x0] =	vst.idx.add.f32.msk vm0, v2  }
0x42f: {  	s20 =	sor.u32 $0x438, s3;
	v18 =	vor.u32 v9, v18;
	[tilespmem:v23+s11+$0x0] =	vst.idx.add.f32.msk $0xffff, v2  }
0x430: {  	s22 =	sadd.s32 $0x200, s22;
	s23 =	sadd.s32 $0x400, s23;
	[tilespmem:v19+s11+$0x0] =	vst.idx.add.f32.msk $0xffff, v2;
	v15 =	vshll.u32 v20, $0x8  }
0x431: {  	v19 =	vld [tilespmem:s16+$0xF0]  }
0x432: {  	v20 =	vld [tilespmem:s16+$0x170];
	_ =	sdelay $0x3  }
0x433: {  	v19 =	vshll.u32 v19, $0x8  }
0x434: {  	v20 =	vshll.u32 v20, $0x8;
	v19 =	vor.u32 v9, v19  }
0x435: {  	[tilespmem:v18+s11+$0x0] =	vst.idx.add.f32.msk $0xffff, v2;
	v18 =	vor.u32 v9, v20  }
0x436: {  	v20 =	vld [tilespmem:s9+$0x0];
	_ =	sdelay $0x2  }
0x437: {  	[tilespmem:v19+s11+$0x0] =	vst.idx.add.f32.msk $0xffff, v2  }
0x438: {  	[tilespmem:v18+s11+$0x0] =	vst.idx.add.f32.msk $0xffff, v2  }
0x439: {  	v18 =	vshll.u32 v20, $0x8;
	v19 =	vld [tilespmem:s14+$0x0]  }
0x43a: {  	v18 =	vor.u32 v10, v18;
	v20 =	vld [tilespmem:s13+$0x0]  }
0x43b: {  	v15 =	vor.u32 v10, v15;
	_ =	sdelay $0x2  }
0x43c: {  	v19 =	vshll.u32 v19, $0x8  }
0x43d: {  	[tilespmem:v18+s11+$0x0] =	vst.idx.add.f32.msk $0xffff, v2;
	v18 =	vshll.u32 v20, $0x8;
	v19 =	vor.u32 v10, v19  }
0x43e: {  	s3 =	sor.u32 $0x410, s28;
	[tilespmem:v15+s11+$0x0] =	vst.idx.add.f32.msk $0xffff, v2;
	v18 =	vor.u32 v10, v18  }
0x43f: {  	v15 =	vld [tilespmem:s3+$0x0]  }
0x440: {  	v20 =	vld [tilespmem:s1+$0x0];
	_ =	sdelay $0x1  }
0x441: {  	[tilespmem:v19+s11+$0x0] =	vst.idx.add.f32.msk $0xffff, v2  }
0x442: {  	[tilespmem:v18+s11+$0x0] =	vst.idx.add.f32.msk $0xffff, v2  }
0x443: {  	v19 =	vld [tilespmem:s0+$0x0]  }
0x444: {  	v15 =	vshll.u32 v15, $0x8;
	v18 =	vshll.u32 v20, $0x8;
	v20 =	vld [tilespmem:s31+$0x0]  }
0x445: {  	v15 =	vor.u32 v11, v15;
	_ =	sdelay $0x1  }
0x446: {  	v18 =	vor.u32 v11, v18  }
0x447: {  	v19 =	vshll.u32 v19, $0x8  }
0x448: {  	v20 =	vshll.u32 v20, $0x8;
	v19 =	vor.u32 v11, v19  }
0x449: {  	s23 =	sor.u32 $0x420, s28;
	[tilespmem:v15+s11+$0x0] =	vst.idx.add.f32.msk $0xffff, v2;
	v20 =	vor.u32 v11, v20  }
0x44a: {  	v15 =	vld [tilespmem:s23+$0x0]  }
0x44b: {  	[tilespmem:v18+s11+$0x0] =	vst.idx.add.f32.msk $0xffff, v2  }
0x44c: {  	v18 =	vld [tilespmem:s30+$0x0]  }
0x44d: {  	[tilespmem:v19+s11+$0x0] =	vst.idx.add.f32.msk $0xffff, v2  }
0x44e: {  	[tilespmem:v20+s11+$0x0] =	vst.idx.add.f32.msk $0xffff, v2  }
0x44f: {  	v15 =	vshll.u32 v15, $0x8;
	v19 =	vld [tilespmem:s29+$0x0]  }
0x450: {  	v15 =	vor.u32 v12, v15;
	v20 =	vld [tilespmem:s26+$0x0];
	_ =	sdelay $0x1  }
0x451: {  	v18 =	vshll.u32 v18, $0x8  }
0x452: {  	v18 =	vor.u32 v12, v18  }
0x453: {  	v19 =	vshll.u32 v19, $0x8  }
0x454: {  	[tilespmem:v15+s11+$0x0] =	vst.idx.add.f32.msk $0xffff, v2;
	v15 =	vshll.u32 v20, $0x8;
	v19 =	vor.u32 v12, v19  }
0x455: {  	s26 =	sor.u32 $0x430, s28;
	v15 =	vor.u32 v12, v15  }
0x456: {  	v20 =	vld [tilespmem:s26+$0x0]  }
0x457: {  	[tilespmem:v18+s11+$0x0] =	vst.idx.add.f32.msk $0xffff, v2  }
0x458: {  	v18 =	vld [tilespmem:s25+$0x0]  }
0x459: {  	[tilespmem:v19+s11+$0x0] =	vst.idx.add.f32.msk $0xffff, v2  }
0x45a: {  	[tilespmem:v15+s11+$0x0] =	vst.idx.add.f32.msk $0xffff, v2  }
0x45b: {  	v19 =	vld [tilespmem:s24+$0x0]  }
0x45c: {  	v15 =	vshll.u32 v20, $0x8;
	v20 =	vld [tilespmem:s21+$0x0]  }
0x45d: {  	v18 =	vshll.u32 v18, $0x8;
	v15 =	vor.u32 v13, v15  }
0x45e: {  	v18 =	vor.u32 v13, v18;
	_ =	sdelay $0x1  }
0x45f: {  	v19 =	vshll.u32 v19, $0x8  }
0x460: {  	v20 =	vshll.u32 v20, $0x8;
	v19 =	vor.u32 v13, v19  }
0x461: {  	[tilespmem:v15+s11+$0x0] =	vst.idx.add.f32.msk $0xffff, v2;
	v15 =	vor.u32 v13, v20  }
0x462: {  	s1 =	sor.u32 $0x438, s28;
	[tilespmem:v18+s11+$0x0] =	vst.idx.add.f32.msk $0xffff, v2  }
0x463: {  	v20 =	vld [tilespmem:s1+$0x0]  }
0x464: {  	v18 =	vld [tilespmem:s20+$0x0]  }
0x465: {  	[tilespmem:v19+s11+$0x0] =	vst.idx.add.f32.msk $0xffff, v2  }
0x466: {  	[tilespmem:v15+s11+$0x0] =	vst.idx.add.f32.msk $0xffff, v2  }
0x467: {  	v15 =	vld [tilespmem:s18+$0x0]  }
0x468: {  	v19 =	vld [tilespmem:s17+$0x0]  }
0x469: {  	v17 =	vshll.u32 v17, $0x8  }
0x46a: {  	v17 =	vor.u32 v14, v17;
	v20 =	vshll.u32 v20, $0x8  }
0x46b: {  	v18 =	vshll.u32 v18, $0x8;
	v20 =	vor.u32 v14, v20  }
0x46c: {  	v18 =	vor.u32 v14, v18;
	v15 =	vshll.u32 v15, $0x8  }
0x46d: {  	v19 =	vshll.u32 v19, $0x8;
	v15 =	vor.u32 v14, v15  }
0x46e: {  	[tilespmem:v16+s11+$0x0] =	vst.idx.add.f32.msk vm0, v2;
	v16 =	vor.u32 v14, v19  }
0x46f: {  	[tilespmem:v17+s11+$0x0] =	vst.idx.add.f32.msk vm0, v2  }
0x470: {  	[tilespmem:v20+s11+$0x0] =	vst.idx.add.f32.msk vm0, v2  }
0x471: {  	[tilespmem:v18+s11+$0x0] =	vst.idx.add.f32.msk vm0, v2  }
0x472: {  	[tilespmem:v15+s11+$0x0] =	vst.idx.add.f32.msk vm0, v2  }
0x473: {  	[tilespmem:v16+s11+$0x0] =	vst.idx.add.f32.msk vm0, v2  }
0x474: {  	s3 =	simm.s32 $0x0;
	_ =	swait.ge [sflag:s12], $0x8000  }
0x475: {  	s4 =	sand.u32 $0x7800, s3;
	s0 =	sand.u32 $0x200, s3;
	[sflag:s12] =	ssyncset.done $0x0  }
0x476: {  	s1 =	sor.u32 s0, s4;
	[sflag:s12] =	ssyncadd.s32 $0xFFFF8000  }
0x477: {  	v15 =	vld [tilespmem:s1+$0x8180];
	_ =	sdelay $0x4  }
0x478: {  	v15 =	vshll.u32 v15, $0x8  }
0x479: {  	v15 =	vor.u32 v0, v15  }
0x47a: {  	v16 =	vld [tilespmem:s1+$0x8000]  }
0x47b: {  	v17 =	vld [tilespmem:s1+$0x8080];
	_ =	sdelay $0x2  }
0x47c: {  	[tilespmem:v15+s11+$0x0] =	vst.idx.add.f32.msk $0xffff, v2  }
0x47d: {  	v15 =	vshll.u32 v16, $0x8;
	v16 =	vld [tilespmem:s1+$0x8190]  }
0x47e: {  	v17 =	vshll.u32 v17, $0x8;
	v15 =	vor.u32 v0, v15  }
0x47f: {  	v18 =	vld [tilespmem:s1+$0x8100];
	v17 =	vor.u32 v0, v17;
	_ =	sdelay $0x2  }
0x480: {  	v16 =	vshll.u32 v16, $0x8  }
0x481: {  	[tilespmem:v15+s11+$0x0] =	vst.idx.add.f32.msk $0xffff, v2;
	v15 =	vor.u32 v3, v16  }
0x482: {  	[tilespmem:v17+s11+$0x0] =	vst.idx.add.f32.msk $0xffff, v2;
	v16 =	vshll.u32 v18, $0x8  }
0x483: {  	v18 =	vld [tilespmem:s1+$0x8090];
	v16 =	vor.u32 v0, v16  }
0x484: {  	v17 =	vld [tilespmem:s1+$0x8010];
	_ =	sdelay $0x1  }
0x485: {  	[tilespmem:v15+s11+$0x0] =	vst.idx.add.f32.msk $0xffff, v2  }
0x486: {  	v15 =	vld [tilespmem:s1+$0x81A0]  }
0x487: {  	v18 =	vshll.u32 v18, $0x8;
	[tilespmem:v16+s11+$0x0] =	vst.idx.add.f32.msk $0xffff, v2  }
0x488: {  	v16 =	vshll.u32 v17, $0x8;
	v18 =	vor.u32 v3, v18;
	v17 =	vld [tilespmem:s1+$0x8110]  }
0x489: {  	v16 =	vor.u32 v3, v16;
	_ =	sdelay $0x1  }
0x48a: {  	v15 =	vshll.u32 v15, $0x8  }
0x48b: {  	v15 =	vor.u32 v4, v15  }
0x48c: {  	[tilespmem:v18+s11+$0x0] =	vst.idx.add.f32.msk $0xffff, v2;
	v17 =	vshll.u32 v17, $0x8  }
0x48d: {  	[tilespmem:v16+s11+$0x0] =	vst.idx.add.f32.msk $0xffff, v2;
	v16 =	vor.u32 v3, v17  }
0x48e: {  	v18 =	vld [tilespmem:s1+$0x80A0]  }
0x48f: {  	v17 =	vld [tilespmem:s1+$0x8020]  }
0x490: {  	[tilespmem:v15+s11+$0x0] =	vst.idx.add.f32.msk $0xffff, v2  }
0x491: {  	v15 =	vld [tilespmem:s1+$0x81B0]  }
0x492: {  	[tilespmem:v16+s11+$0x0] =	vst.idx.add.f32.msk $0xffff, v2  }
0x493: {  	v18 =	vshll.u32 v18, $0x8;
	v16 =	vld [tilespmem:s1+$0x8120]  }
0x494: {  	v17 =	vshll.u32 v17, $0x8;
	v18 =	vor.u32 v4, v18  }
0x495: {  	v17 =	vor.u32 v4, v17  }
0x496: {  	v15 =	vshll.u32 v15, $0x8  }
0x497: {  	v15 =	vor.u32 v5, v15  }
0x498: {  	v16 =	vshll.u32 v16, $0x8  }
0x499: {  	[tilespmem:v18+s11+$0x0] =	vst.idx.add.f32.msk $0xffff, v2;
	v16 =	vor.u32 v4, v16  }
0x49a: {  	[tilespmem:v17+s11+$0x0] =	vst.idx.add.f32.msk $0xffff, v2  }
0x49b: {  	v17 =	vld [tilespmem:s1+$0x8030]  }
0x49c: {  	[tilespmem:v15+s11+$0x0] =	vst.idx.add.f32.msk $0xffff, v2  }
0x49d: {  	v15 =	vld [tilespmem:s1+$0x81C0]  }
0x49e: {  	[tilespmem:v16+s11+$0x0] =	vst.idx.add.f32.msk $0xffff, v2  }
0x49f: {  	v16 =	vld [tilespmem:s1+$0x80B0]  }
0x4a0: {  	v17 =	vshll.u32 v17, $0x8;
	v18 =	vld [tilespmem:s1+$0x8130]  }
0x4a1: {  	v17 =	vor.u32 v5, v17  }
0x4a2: {  	v15 =	vshll.u32 v15, $0x8  }
0x4a3: {  	v15 =	vor.u32 v6, v15  }
0x4a4: {  	v16 =	vshll.u32 v16, $0x8  }
0x4a5: {  	v16 =	vor.u32 v5, v16;
	v18 =	vshll.u32 v18, $0x8  }
0x4a6: {  	[tilespmem:v17+s11+$0x0] =	vst.idx.add.f32.msk $0xffff, v2;
	v18 =	vor.u32 v5, v18  }
0x4a7: {  	v17 =	vld [tilespmem:s1+$0x8040]  }
0x4a8: {  	[tilespmem:v15+s11+$0x0] =	vst.idx.add.f32.msk $0xffff, v2  }
0x4a9: {  	v15 =	vld [tilespmem:s1+$0x81D0]  }
0x4aa: {  	[tilespmem:v16+s11+$0x0] =	vst.idx.add.f32.msk $0xffff, v2  }
0x4ab: {  	[tilespmem:v18+s11+$0x0] =	vst.idx.add.f32.msk $0xffff, v2  }
0x4ac: {  	v16 =	vld [tilespmem:s1+$0x80C0]  }
0x4ad: {  	v17 =	vshll.u32 v17, $0x8;
	v18 =	vld [tilespmem:s1+$0x8140]  }
0x4ae: {  	v17 =	vor.u32 v6, v17;
	v15 =	vshll.u32 v15, $0x8  }
0x4af: {  	v15 =	vor.u32 v7, v15;
	_ =	sdelay $0x1  }
0x4b0: {  	v16 =	vshll.u32 v16, $0x8  }
0x4b1: {  	v16 =	vor.u32 v6, v16;
	v18 =	vshll.u32 v18, $0x8  }
0x4b2: {  	[tilespmem:v17+s11+$0x0] =	vst.idx.add.f32.msk $0xffff, v2;
	v17 =	vor.u32 v6, v18  }
0x4b3: {  	[tilespmem:v15+s11+$0x0] =	vst.idx.add.f32.msk $0xffff, v2  }
0x4b4: {  	v15 =	vld [tilespmem:s1+$0x81E0]  }
0x4b5: {  	v18 =	vld [tilespmem:s1+$0x8050]  }
0x4b6: {  	[tilespmem:v16+s11+$0x0] =	vst.idx.add.f32.msk $0xffff, v2  }
0x4b7: {  	[tilespmem:v17+s11+$0x0] =	vst.idx.add.f32.msk $0xffff, v2  }
0x4b8: {  	v16 =	vld [tilespmem:s1+$0x80D0]  }
0x4b9: {  	v17 =	vld [tilespmem:s1+$0x8150];
	v15 =	vshll.u32 v15, $0x8  }
0x4ba: {  	v15 =	vor.u32 v8, v15  }
0x4bb: {  	v18 =	vshll.u32 v18, $0x8  }
0x4bc: {  	v18 =	vor.u32 v7, v18  }
0x4bd: {  	v16 =	vshll.u32 v16, $0x8  }
0x4be: {  	v16 =	vor.u32 v7, v16;
	v17 =	vshll.u32 v17, $0x8  }
0x4bf: {  	v17 =	vor.u32 v7, v17;
	[tilespmem:v15+s11+$0x0] =	vst.idx.add.f32.msk $0xffff, v2  }
0x4c0: {  	v15 =	vld [tilespmem:s1+$0x81F0]  }
0x4c1: {  	[tilespmem:v18+s11+$0x0] =	vst.idx.add.f32.msk $0xffff, v2  }
0x4c2: {  	v18 =	vld [tilespmem:s1+$0x8060]  }
0x4c3: {  	[tilespmem:v16+s11+$0x0] =	vst.idx.add.f32.msk $0xffff, v2  }
0x4c4: {  	[tilespmem:v17+s11+$0x0] =	vst.idx.add.f32.msk $0xffff, v2  }
0x4c5: {  	v16 =	vld [tilespmem:s1+$0x80E0];
	v15 =	vshll.u32 v15, $0x8  }
0x4c6: {  	p0 =	por $0x0, $0x0;
	s0 =	simm.s32 $0x1;
	v17 =	vld [tilespmem:s1+$0x8160];
	v15 =	vor.u32 v9, v15  }
0x4c7: {  	s0 =	simm.s32 @!p0 $0x0  }
0x4c8: {  	s0 =	sshll.u32 s0, $0x9;
	v18 =	vshll.u32 v18, $0x8  }
0x4c9: {  	s0 =	sadd.s32 $0x0, s0;
	v18 =	vor.u32 v8, v18  }
0x4ca: {  	s9 =	sadd.s32 $0x180, s0;
	v16 =	vshll.u32 v16, $0x8  }
0x4cb: {  	s14 =	sor.u32 $0x400, s9;
	v16 =	vor.u32 v8, v16;
	v17 =	vshll.u32 v17, $0x8;
	[tilespmem:v15+s11+$0x0] =	vst.idx.add.f32.msk $0xffff, v2  }
0x4cc: {  	v15 =	vor.u32 v8, v17;
	v17 =	vld [tilespmem:s14+$0x8000];
	_ =	sdelay $0x1  }
0x4cd: {  	[tilespmem:v18+s11+$0x0] =	vst.idx.add.f32.msk $0xffff, v2  }
0x4ce: {  	v18 =	vld [tilespmem:s1+$0x8070]  }
0x4cf: {  	s16 =	simm.s32 $0x200;
	s4 =	simm.s32 $0x400;
	[tilespmem:v16+s11+$0x0] =	vst.idx.add.f32.msk $0xffff, v2  }
0x4d0: {  	s3 =	sand.u32 $0x200, s16;
	s4 =	sand.u32 $0x7800, s4;
	[tilespmem:v15+s11+$0x0] =	vst.idx.add.f32.msk $0xffff, v2;
	v15 =	vshll.u32 v17, $0x8  }
0x4d1: {  	s16 =	sor.u32 s3, s4;
	v16 =	vld [tilespmem:s1+$0x80F0];
	v15 =	vor.u32 v10, v15  }
0x4d2: {  	v17 =	vld [tilespmem:s16+$0x8180];
	_ =	sdelay $0x1  }
0x4d3: {  	v20 =	vld [tilespmem:s16+$0x8000]  }
0x4d4: {  	v21 =	vld [tilespmem:s16+$0x8080];
	v18 =	vshll.u32 v18, $0x8  }
0x4d5: {  	s17 =	sor.u32 $0x410, s9;
	v18 =	vor.u32 v9, v18;
	v16 =	vshll.u32 v16, $0x8;
	[tilespmem:v15+s11+$0x0] =	vst.idx.add.f32.msk $0xffff, v2  }
0x4d6: {  	v17 =	vshll.u32 v17, $0x8;
	v15 =	vor.u32 v9, v16;
	v16 =	vld [tilespmem:s17+$0x8000]  }
0x4d7: {  	v22 =	vld [tilespmem:s16+$0x8100];
	v17 =	vor.u32 v0, v17;
	_ =	sdelay $0x1  }
0x4d8: {  	v20 =	vshll.u32 v20, $0x8;
	v19 =	vld [tilespmem:s1+$0x8170]  }
0x4d9: {  	[tilespmem:v18+s11+$0x0] =	vst.idx.add.f32.msk $0xffff, v2;
	v18 =	vor.u32 v0, v20;
	v20 =	vshll.u32 v21, $0x8  }
0x4da: {  	v20 =	vor.u32 v0, v20;
	[tilespmem:v15+s11+$0x0] =	vst.idx.add.f32.msk $0xffff, v2;
	v15 =	vshll.u32 v16, $0x8  }
0x4db: {  	[tilespmem:v17+s11+$0x0] =	vst.idx.add.f32.msk $0xffff, v2;
	v16 =	vshll.u32 v22, $0x8;
	v15 =	vor.u32 v11, v15  }
0x4dc: {  	s18 =	sor.u32 $0x400, s0;
	v17 =	vld [tilespmem:s16+$0x8190];
	v16 =	vor.u32 v0, v16  }
0x4dd: {  	v50 =	vld [tilespmem:s18+$0x8000]  }
0x4de: {  	v19 =	vshll.u32 v19, $0x8;
	[tilespmem:v18+s11+$0x0] =	vst.idx.add.f32.msk $0xffff, v2  }
0x4df: {  	v19 =	vor.u32 v9, v19;
	[tilespmem:v20+s11+$0x0] =	vst.idx.add.f32.msk $0xffff, v2  }
0x4e0: {  	[tilespmem:v15+s11+$0x0] =	vst.idx.add.f32.msk $0xffff, v2  }
0x4e1: {  	v17 =	vshll.u32 v17, $0x8;
	[tilespmem:v16+s11+$0x0] =	vst.idx.add.f32.msk $0xffff, v2  }
0x4e2: {  	s19 =	sor.u32 $0x420, s9;
	v16 =	vor.u32 v3, v17;
	v17 =	vld [tilespmem:s16+$0x8010]  }
0x4e3: {  	v15 =	vld [tilespmem:s19+$0x8000]  }
0x4e4: {  	[tilespmem:v19+s11+$0x0] =	vst.idx.add.f32.msk $0xffff, v2  }
0x4e5: {  	v19 =	vld [tilespmem:s16+$0x8090]  }
0x4e6: {  	v18 =	vshll.u32 v50, $0x8  }
0x4e7: {  	v18 =	vor.u32 v10, v18;
	[tilespmem:v16+s11+$0x0] =	vst.idx.add.f32.msk $0xffff, v2;
	v16 =	vshll.u32 v17, $0x8  }
0x4e8: {  	s17 =	sadd.s32 $0x80, s0;
	v20 =	vld [tilespmem:s16+$0x8110];
	v15 =	vshll.u32 v15, $0x8;
	v16 =	vor.u32 v3, v16  }
0x4e9: {  	s1 =	sadd.s32 $0x100, s0;
	s20 =	sor.u32 $0x400, s17;
	v17 =	vld [tilespmem:s16+$0x81A0];
	v15 =	vor.u32 v12, v15  }
0x4ea: {  	s21 =	sor.u32 $0x400, s1;
	v51 =	vld [tilespmem:s20+$0x8000];
	v19 =	vshll.u32 v19, $0x8  }
0x4eb: {  	v52 =	vld [tilespmem:s21+$0x8000];
	v19 =	vor.u32 v3, v19  }
0x4ec: {  	[tilespmem:v18+s11+$0x0] =	vst.idx.add.f32.msk $0xffff, v2  }
0x4ed: {  	v20 =	vshll.u32 v20, $0x8;
	[tilespmem:v16+s11+$0x0] =	vst.idx.add.f32.msk $0xffff, v2  }
0x4ee: {  	s23 =	sor.u32 $0x430, s9;
	v18 =	vor.u32 v3, v20;
	v17 =	vshll.u32 v17, $0x8;
	[tilespmem:v15+s11+$0x0] =	vst.idx.add.f32.msk $0xffff, v2  }
0x4ef: {  	v16 =	vor.u32 v4, v17;
	v15 =	vld [tilespmem:s23+$0x8000]  }
0x4f0: {  	[tilespmem:v19+s11+$0x0] =	vst.idx.add.f32.msk $0xffff, v2  }
0x4f1: {  	v53 =	vld [tilespmem:s16+$0x80A0]  }
0x4f2: {  	v17 =	vshll.u32 v51, $0x8;
	v19 =	vld [tilespmem:s16+$0x8020]  }
0x4f3: {  	[tilespmem:v18+s11+$0x0] =	vst.idx.add.f32.msk $0xffff, v2;
	v18 =	vshll.u32 v52, $0x8;
	v17 =	vor.u32 v10, v17  }
0x4f4: {  	v18 =	vor.u32 v10, v18;
	[tilespmem:v16+s11+$0x0] =	vst.idx.add.f32.msk $0xffff, v2;
	v15 =	vshll.u32 v15, $0x8  }
0x4f5: {  	s22 =	sor.u32 $0x410, s0;
	v16 =	vld [tilespmem:s16+$0x81B0];
	v15 =	vor.u32 v13, v15  }
0x4f6: {  	v20 =	vld [tilespmem:s22+$0x8000]  }
0x4f7: {  	v54 =	vld [tilespmem:s16+$0x8120];
	v19 =	vshll.u32 v19, $0x8  }
0x4f8: {  	[tilespmem:v17+s11+$0x0] =	vst.idx.add.f32.msk $0xffff, v2;
	v17 =	vor.u32 v4, v19;
	v19 =	vshll.u32 v53, $0x8  }
0x4f9: {  	[tilespmem:v18+s11+$0x0] =	vst.idx.add.f32.msk $0xffff, v2;
	v18 =	vor.u32 v4, v19  }
0x4fa: {  	s24 =	sor.u32 $0x438, s9;
	v16 =	vshll.u32 v16, $0x8;
	[tilespmem:v15+s11+$0x0] =	vst.idx.add.f32.msk $0xffff, v2  }
0x4fb: {  	s25 =	sor.u32 $0x410, s17;
	v16 =	vor.u32 v5, v16;
	v15 =	vld [tilespmem:s24+$0x8000]  }
0x4fc: {  	v55 =	vshll.u32 v54, $0x8;
	v19 =	vld [tilespmem:s25+$0x8000]  }
0x4fd: {  	v21 =	vor.u32 v4, v55;
	[tilespmem:v17+s11+$0x0] =	vst.idx.add.f32.msk $0xffff, v2  }
0x4fe: {  	[tilespmem:v18+s11+$0x0] =	vst.idx.add.f32.msk $0xffff, v2  }
0x4ff: {  	v17 =	vld [tilespmem:s16+$0x8030];
	v18 =	vshll.u32 v20, $0x8  }
0x500: {  	[tilespmem:v16+s11+$0x0] =	vst.idx.add.f32.msk $0xffff, v2;
	v16 =	vor.u32 v11, v18;
	v15 =	vshll.u32 v15, $0x8  }
0x501: {  	v18 =	vshll.u32 v19, $0x8;
	v19 =	vld [tilespmem:s16+$0x81C0];
	v15 =	vor.u32 v14, v15  }
0x502: {  	[tilespmem:v21+s11+$0x0] =	vst.idx.add.f32.msk $0xffff, v2  }
0x503: {  	v20 =	vld [tilespmem:s16+$0x80B0];
	v18 =	vor.u32 v11, v18  }
0x504: {  	v21 =	vld [tilespmem:s16+$0x8130]  }
0x505: {  	v17 =	vshll.u32 v17, $0x8;
	[tilespmem:v16+s11+$0x0] =	vst.idx.add.f32.msk $0xffff, v2  }
0x506: {  	s26 =	sor.u32 $0x410, s1;
	v16 =	vshll.u32 v19, $0x8;
	[tilespmem:v15+s11+$0x0] =	vst.idx.add.f32.msk vm0, v2;
	v15 =	vor.u32 v5, v17  }
0x507: {  	v56 =	vld [tilespmem:s26+$0x8000];
	v16 =	vor.u32 v6, v16  }
0x508: {  	s4 =	sor.u32 $0x420, s0;
	[tilespmem:v18+s11+$0x0] =	vst.idx.add.f32.msk $0xffff, v2  }
0x509: {  	s9 =	sor.u32 $0x420, s17;
	v18 =	vld [tilespmem:s4+$0x8000];
	v19 =	vshll.u32 v21, $0x8  }
0x50a: {  	v17 =	vshll.u32 v20, $0x8;
	v20 =	vld [tilespmem:s9+$0x8000];
	v19 =	vor.u32 v5, v19  }
0x50b: {  	v17 =	vor.u32 v5, v17;
	[tilespmem:v15+s11+$0x0] =	vst.idx.add.f32.msk $0xffff, v2  }
0x50c: {  	[tilespmem:v16+s11+$0x0] =	vst.idx.add.f32.msk $0xffff, v2  }
0x50d: {  	v57 =	vshll.u32 v56, $0x8;
	v15 =	vld [tilespmem:s16+$0x8040]  }
0x50e: {  	v16 =	vor.u32 v11, v57;
	v58 =	vld [tilespmem:s16+$0x81D0]  }
0x50f: {  	v18 =	vshll.u32 v18, $0x8;
	[tilespmem:v19+s11+$0x0] =	vst.idx.add.f32.msk $0xffff, v2  }
0x510: {  	[tilespmem:v17+s11+$0x0] =	vst.idx.add.f32.msk $0xffff, v2;
	v17 =	vor.u32 v12, v18;
	v18 =	vshll.u32 v20, $0x8  }
0x511: {  	v20 =	vld [tilespmem:s16+$0x8140];
	v18 =	vor.u32 v12, v18  }
0x512: {  	v19 =	vld [tilespmem:s16+$0x80C0];
	v15 =	vshll.u32 v15, $0x8  }
0x513: {  	s13 =	sor.u32 $0x420, s1;
	[tilespmem:v16+s11+$0x0] =	vst.idx.add.f32.msk $0xffff, v2;
	v16 =	vshll.u32 v58, $0x8;
	v15 =	vor.u32 v6, v15  }
0x514: {  	v59 =	vld [tilespmem:s13+$0x8000];
	v16 =	vor.u32 v7, v16  }
0x515: {  	[tilespmem:v17+s11+$0x0] =	vst.idx.add.f32.msk $0xffff, v2  }
0x516: {  	s14 =	sor.u32 $0x430, s0;
	[tilespmem:v18+s11+$0x0] =	vst.idx.add.f32.msk $0xffff, v2  }
0x517: {  	v17 =	vshll.u32 v19, $0x8;
	v19 =	vld [tilespmem:s14+$0x8000]  }
0x518: {  	[tilespmem:v15+s11+$0x0] =	vst.idx.add.f32.msk $0xffff, v2  }
0x519: {  	v15 =	vor.u32 v6, v17;
	v17 =	vshll.u32 v20, $0x8;
	[tilespmem:v16+s11+$0x0] =	vst.idx.add.f32.msk $0xffff, v2  }
0x51a: {  	v18 =	vld [tilespmem:s16+$0x8050];
	v17 =	vor.u32 v6, v17  }
0x51b: {  	v20 =	vshll.u32 v59, $0x8;
	v16 =	vld [tilespmem:s16+$0x81E0]  }
0x51c: {  	s18 =	sor.u32 $0x430, s17;
	v20 =	vor.u32 v12, v20  }
0x51d: {  	v60 =	vld [tilespmem:s18+$0x8000];
	v19 =	vshll.u32 v19, $0x8  }
0x51e: {  	v19 =	vor.u32 v13, v19;
	[tilespmem:v15+s11+$0x0] =	vst.idx.add.f32.msk $0xffff, v2  }
0x51f: {  	v15 =	vshll.u32 v18, $0x8;
	[tilespmem:v17+s11+$0x0] =	vst.idx.add.f32.msk $0xffff, v2  }
0x520: {  	v17 =	vld [tilespmem:s16+$0x80D0];
	v16 =	vshll.u32 v16, $0x8;
	v15 =	vor.u32 v7, v15  }
0x521: {  	[tilespmem:v20+s11+$0x0] =	vst.idx.add.f32.msk $0xffff, v2;
	v16 =	vor.u32 v8, v16  }
0x522: {  	v18 =	vld [tilespmem:s16+$0x8150]  }
0x523: {  	s19 =	sor.u32 $0x430, s1;
	[tilespmem:v19+s11+$0x0] =	vst.idx.add.f32.msk $0xffff, v2  }
0x524: {  	v20 =	vld [tilespmem:s19+$0x8000]  }
0x525: {  	v21 =	vshll.u32 v60, $0x8;
	[tilespmem:v15+s11+$0x0] =	vst.idx.add.f32.msk $0xffff, v2  }
0x526: {  	v19 =	vor.u32 v13, v21;
	v15 =	vshll.u32 v17, $0x8;
	[tilespmem:v16+s11+$0x0] =	vst.idx.add.f32.msk $0xffff, v2  }
0x527: {  	v18 =	vshll.u32 v18, $0x8;
	v17 =	vld [tilespmem:s16+$0x8060];
	v15 =	vor.u32 v7, v15  }
0x528: {  	v18 =	vor.u32 v7, v18;
	v16 =	vld [tilespmem:s16+$0x81F0]  }
0x529: {  	s0 =	sor.u32 $0x438, s0  }
0x52a: {  	v61 =	vld [tilespmem:s0+$0x8000]  }
0x52b: {  	[tilespmem:v19+s11+$0x0] =	vst.idx.add.f32.msk $0xffff, v2;
	v20 =	vshll.u32 v20, $0x8  }
0x52c: {  	v19 =	vor.u32 v13, v20;
	v17 =	vshll.u32 v17, $0x8;
	[tilespmem:v15+s11+$0x0] =	vst.idx.add.f32.msk $0xffff, v2  }
0x52d: {  	[tilespmem:v18+s11+$0x0] =	vst.idx.add.f32.msk $0xffff, v2;
	v16 =	vshll.u32 v16, $0x8;
	v15 =	vor.u32 v8, v17  }
0x52e: {  	v17 =	vld [tilespmem:s16+$0x80E0];
	v16 =	vor.u32 v9, v16  }
0x52f: {  	p0 =	por !p0, !p0;
	s20 =	sor.u32 $0x438, s17;
	s0 =	simm.s32 $0x1;
	v18 =	vld [tilespmem:s16+$0x8160]  }
0x530: {  	s0 =	simm.s32 @!p0 $0x0;
	v20 =	vld [tilespmem:s20+$0x8000]  }
0x531: {  	s0 =	sshll.u32 s0, $0x9;
	[tilespmem:v19+s11+$0x0] =	vst.idx.add.f32.msk $0xffff, v2  }
0x532: {  	s3 =	sadd.s32 $0x400, s0;
	v21 =	vshll.u32 v61, $0x8;
	[tilespmem:v15+s11+$0x0] =	vst.idx.add.f32.msk $0xffff, v2  }
0x533: {  	s21 =	sor.u32 $0x438, s1;
	s28 =	sadd.s32 $0x180, s3;
	v15 =	vor.u32 v14, v21;
	v17 =	vshll.u32 v17, $0x8;
	[tilespmem:v16+s11+$0x0] =	vst.idx.add.f32.msk $0xffff, v2  }
0x534: {  	s19 =	simm.s32 $0x4;
	s22 =	sadd.s32 $0x80, s3;
	s26 =	sor.u32 $0x400, s28;
	v62 =	vld [tilespmem:s16+$0x8070];
	v63 =	vor.u32 v8, v17;
	v17 =	vshll.u32 v18, $0x8  }
0x535: {  	s23 =	sadd.s32 $0x100, s3;
	s9 =	sor.u32 $0x400, s3;
	s1 =	sor.u32 $0x410, s3;
	v24 =	vld [tilespmem:s26+$0x8000];
	v23 =	vor.u32 v8, v17  }
0x536: {  	s30 =	sor.u32 $0x420, s3;
	s25 =	sor.u32 $0x430, s3;
	s14 =	sor.u32 $0x400, s22;
	v17 =	vld [tilespmem:s21+$0x8000]  }
0x537: {  	s13 =	sor.u32 $0x400, s23;
	s0 =	sor.u32 $0x410, s22;
	s31 =	sor.u32 $0x410, s23  }
0x538: {  	s29 =	sor.u32 $0x420, s22;
	s24 =	sor.u32 $0x430, s22;
	s18 =	sor.u32 $0x438, s22;
	[tilespmem:v15+s11+$0x0] =	vst.idx.add.f32.msk vm0, v2  }
0x539: {  	s17 =	sor.u32 $0x438, s23;
	s22 =	simm.s32 $0x400;
	s20 =	sor.u32 $0x438, s3;
	v15 =	vshll.u32 v20, $0x8;
	v18 =	vshll.u32 v62, $0x8;
	[tilespmem:v63+s11+$0x0] =	vst.idx.add.f32.msk $0xffff, v2  }
0x53a: {  	s26 =	sor.u32 $0x420, s23;
	s21 =	sor.u32 $0x430, s23;
	s23 =	simm.s32 $0x800;
	v16 =	vor.u32 v14, v15;
	v15 =	vshll.u32 v24, $0x8;
	v18 =	vor.u32 v9, v18;
	[tilespmem:v23+s11+$0x0] =	vst.idx.add.f32.msk $0xffff, v2  }
.LBB2_10:
0x53b: {  	s3 =	sand.u32 $0x7800, s23;
	s4 =	sand.u32 $0x200, s22;
	s19 =	sadd.s32 $0x4, s19;
	v19 =	vld [tilespmem:s16+$0x80F0];
	v20 =	vor.u32 v10, v15;
	v15 =	vshll.u32 v17, $0x8  }
0x53c: {  	p1 =	slt.u32 s19, $0x7C;
	v17 =	vld [tilespmem:s16+$0x8170];
	s16 =	sor.u32 s4, s3;
	v15 =	vor.u32 v14, v15  }
0x53d: {  	v21 =	vld [tilespmem:s16+$0x8180]  }
0x53e: {  	v22 =	vld [tilespmem:s16+$0x8000]  }
0x53f: {  	v23 =	vld [tilespmem:s16+$0x8080]  }
0x540: {  	s3 =	sor.u32 $0x410, s28;
	v19 =	vshll.u32 v19, $0x8;
	[tilespmem:v20+s11+$0x0] =	vst.idx.add.f32.msk $0xffff, v2  }
0x541: {  	v19 =	vor.u32 v9, v19;
	v17 =	vshll.u32 v17, $0x8;
	v20 =	vld [tilespmem:s3+$0x8000]  }
0x542: {  	v24 =	vld [tilespmem:s16+$0x8100];
	v21 =	vshll.u32 v21, $0x8;
	v17 =	vor.u32 v9, v17  }
0x543: {  	v22 =	vshll.u32 v22, $0x8;
	v21 =	vor.u32 v0, v21;
	[tilespmem:v18+s11+$0x0] =	vst.idx.add.f32.msk $0xffff, v2  }
0x544: {  	v18 =	vor.u32 v0, v22;
	v22 =	vshll.u32 v23, $0x8;
	v23 =	vld [tilespmem:s9+$0x8000]  }
0x545: {  	v22 =	vor.u32 v0, v22;
	[tilespmem:v16+s11+$0x0] =	vst.idx.add.f32.msk vm0, v2  }
0x546: {  	[tilespmem:v19+s11+$0x0] =	vst.idx.add.f32.msk $0xffff, v2;
	v16 =	vshll.u32 v20, $0x8  }
0x547: {  	v19 =	vshll.u32 v24, $0x8;
	[tilespmem:v17+s11+$0x0] =	vst.idx.add.f32.msk $0xffff, v2;
	v16 =	vor.u32 v11, v16  }
0x548: {  	v17 =	vor.u32 v0, v19;
	[tilespmem:v21+s11+$0x0] =	vst.idx.add.f32.msk $0xffff, v2  }
0x549: {  	v19 =	vld [tilespmem:s16+$0x8190];
	v20 =	vshll.u32 v23, $0x8  }
0x54a: {  	[tilespmem:v18+s11+$0x0] =	vst.idx.add.f32.msk $0xffff, v2;
	v18 =	vor.u32 v10, v20  }
0x54b: {  	[tilespmem:v22+s11+$0x0] =	vst.idx.add.f32.msk $0xffff, v2  }
0x54c: {  	s3 =	sor.u32 $0x420, s28;
	[tilespmem:v16+s11+$0x0] =	vst.idx.add.f32.msk $0xffff, v2  }
0x54d: {  	v16 =	vld [tilespmem:s3+$0x8000]  }
0x54e: {  	[tilespmem:v17+s11+$0x0] =	vst.idx.add.f32.msk $0xffff, v2;
	v17 =	vshll.u32 v19, $0x8  }
0x54f: {  	v19 =	vld [tilespmem:s16+$0x8010];
	v17 =	vor.u32 v3, v17  }
0x550: {  	v20 =	vld [tilespmem:s16+$0x8090]  }
0x551: {  	v21 =	vld [tilespmem:s16+$0x8110]  }
0x552: {  	v22 =	vld [tilespmem:s14+$0x8000];
	v16 =	vshll.u32 v16, $0x8  }
0x553: {  	v23 =	vld [tilespmem:s13+$0x8000];
	v16 =	vor.u32 v12, v16  }
0x554: {  	v19 =	vshll.u32 v19, $0x8;
	[tilespmem:v17+s11+$0x0] =	vst.idx.add.f32.msk $0xffff, v2  }
0x555: {  	v17 =	vor.u32 v3, v19;
	v19 =	vshll.u32 v20, $0x8;
	v20 =	vld [tilespmem:s16+$0x81A0]  }
0x556: {  	v19 =	vor.u32 v3, v19;
	v21 =	vshll.u32 v21, $0x8;
	[tilespmem:v18+s11+$0x0] =	vst.idx.add.f32.msk $0xffff, v2  }
0x557: {  	v18 =	vor.u32 v3, v21;
	v21 =	vld [tilespmem:s1+$0x8000];
	v22 =	vshll.u32 v22, $0x8  }
0x558: {  	s1 =	sor.u32 $0x430, s28;
	v22 =	vor.u32 v10, v22;
	v23 =	vshll.u32 v23, $0x8;
	[tilespmem:v16+s11+$0x0] =	vst.idx.add.f32.msk $0xffff, v2  }
0x559: {  	v16 =	vor.u32 v10, v23;
	v23 =	vld [tilespmem:s1+$0x8000]  }
0x55a: {  	[tilespmem:v17+s11+$0x0] =	vst.idx.add.f32.msk $0xffff, v2;
	v17 =	vshll.u32 v20, $0x8  }
0x55b: {  	[tilespmem:v19+s11+$0x0] =	vst.idx.add.f32.msk $0xffff, v2;
	v17 =	vor.u32 v4, v17  }
0x55c: {  	[tilespmem:v18+s11+$0x0] =	vst.idx.add.f32.msk $0xffff, v2;
	v18 =	vshll.u32 v21, $0x8  }
0x55d: {  	v19 =	vld [tilespmem:s16+$0x8020];
	v18 =	vor.u32 v11, v18  }
0x55e: {  	v20 =	vld [tilespmem:s16+$0x80A0];
	v21 =	vshll.u32 v23, $0x8  }
0x55f: {  	v23 =	vld [tilespmem:s16+$0x8120];
	v21 =	vor.u32 v13, v21  }
0x560: {  	[tilespmem:v17+s11+$0x0] =	vst.idx.add.f32.msk $0xffff, v2  }
0x561: {  	v17 =	vld [tilespmem:s16+$0x81B0]  }
0x562: {  	v19 =	vshll.u32 v19, $0x8;
	[tilespmem:v22+s11+$0x0] =	vst.idx.add.f32.msk $0xffff, v2  }
0x563: {  	v19 =	vor.u32 v4, v19;
	v20 =	vshll.u32 v20, $0x8;
	[tilespmem:v16+s11+$0x0] =	vst.idx.add.f32.msk $0xffff, v2  }
0x564: {  	s1 =	sor.u32 $0x438, s28;
	v16 =	vor.u32 v4, v20;
	v20 =	vshll.u32 v23, $0x8;
	[tilespmem:v21+s11+$0x0] =	vst.idx.add.f32.msk $0xffff, v2  }
0x565: {  	v20 =	vor.u32 v4, v20;
	v21 =	vld [tilespmem:s1+$0x8000]  }
0x566: {  	v17 =	vshll.u32 v17, $0x8;
	v22 =	vld [tilespmem:s0+$0x8000]  }
0x567: {  	v17 =	vor.u32 v5, v17;
	v23 =	vld [tilespmem:s31+$0x8000]  }
0x568: {  	[tilespmem:v19+s11+$0x0] =	vst.idx.add.f32.msk $0xffff, v2  }
0x569: {  	[tilespmem:v16+s11+$0x0] =	vst.idx.add.f32.msk $0xffff, v2  }
0x56a: {  	[tilespmem:v20+s11+$0x0] =	vst.idx.add.f32.msk $0xffff, v2;
	v16 =	vshll.u32 v21, $0x8  }
0x56b: {  	v19 =	vld [tilespmem:s16+$0x8030];
	v20 =	vshll.u32 v22, $0x8;
	v16 =	vor.u32 v14, v16  }
0x56c: {  	[tilespmem:v17+s11+$0x0] =	vst.idx.add.f32.msk $0xffff, v2;
	v17 =	vor.u32 v11, v20;
	v20 =	vshll.u32 v23, $0x8  }
0x56d: {  	v21 =	vld [tilespmem:s16+$0x81C0];
	v20 =	vor.u32 v11, v20  }
0x56e: {  	v22 =	vld [tilespmem:s16+$0x80B0]  }
0x56f: {  	v23 =	vld [tilespmem:s16+$0x8130]  }
0x570: {  	v19 =	vshll.u32 v19, $0x8;
	[tilespmem:v16+s11+$0x0] =	vst.idx.add.f32.msk vm0, v2  }
0x571: {  	v16 =	vor.u32 v5, v19;
	[tilespmem:v18+s11+$0x0] =	vst.idx.add.f32.msk $0xffff, v2  }
0x572: {  	v18 =	vshll.u32 v21, $0x8;
	[tilespmem:v17+s11+$0x0] =	vst.idx.add.f32.msk $0xffff, v2  }
0x573: {  	v17 =	vshll.u32 v22, $0x8;
	v18 =	vor.u32 v6, v18;
	[tilespmem:v20+s11+$0x0] =	vst.idx.add.f32.msk $0xffff, v2  }
0x574: {  	v17 =	vor.u32 v5, v17;
	v19 =	vshll.u32 v23, $0x8;
	v20 =	vld [tilespmem:s30+$0x8000]  }
0x575: {  	v19 =	vor.u32 v5, v19;
	v21 =	vld [tilespmem:s29+$0x8000]  }
0x576: {  	[tilespmem:v16+s11+$0x0] =	vst.idx.add.f32.msk $0xffff, v2  }
0x577: {  	v16 =	vld [tilespmem:s16+$0x8040]  }
0x578: {  	[tilespmem:v18+s11+$0x0] =	vst.idx.add.f32.msk $0xffff, v2  }
0x579: {  	v18 =	vld [tilespmem:s16+$0x81D0];
	v20 =	vshll.u32 v20, $0x8  }
0x57a: {  	[tilespmem:v17+s11+$0x0] =	vst.idx.add.f32.msk $0xffff, v2;
	v17 =	vor.u32 v12, v20;
	v20 =	vshll.u32 v21, $0x8  }
0x57b: {  	[tilespmem:v19+s11+$0x0] =	vst.idx.add.f32.msk $0xffff, v2;
	v19 =	vor.u32 v12, v20  }
0x57c: {  	v16 =	vshll.u32 v16, $0x8;
	v20 =	vld [tilespmem:s16+$0x80C0]  }
0x57d: {  	v16 =	vor.u32 v6, v16;
	v21 =	vld [tilespmem:s16+$0x8140]  }
0x57e: {  	v18 =	vshll.u32 v18, $0x8;
	v22 =	vld [tilespmem:s26+$0x8000]  }
0x57f: {  	v18 =	vor.u32 v7, v18;
	[tilespmem:v17+s11+$0x0] =	vst.idx.add.f32.msk $0xffff, v2  }
0x580: {  	[tilespmem:v19+s11+$0x0] =	vst.idx.add.f32.msk $0xffff, v2  }
0x581: {  	v17 =	vshll.u32 v20, $0x8;
	v19 =	vld [tilespmem:s25+$0x8000]  }
0x582: {  	[tilespmem:v16+s11+$0x0] =	vst.idx.add.f32.msk $0xffff, v2;
	v16 =	vor.u32 v6, v17;
	v17 =	vshll.u32 v21, $0x8  }
0x583: {  	v20 =	vld [tilespmem:s16+$0x8050];
	v17 =	vor.u32 v6, v17;
	v21 =	vshll.u32 v22, $0x8  }
0x584: {  	[tilespmem:v18+s11+$0x0] =	vst.idx.add.f32.msk $0xffff, v2;
	v18 =	vor.u32 v12, v21  }
0x585: {  	v21 =	vld [tilespmem:s16+$0x81E0]  }
0x586: {  	v19 =	vshll.u32 v19, $0x8;
	v22 =	vld [tilespmem:s24+$0x8000]  }
0x587: {  	[tilespmem:v16+s11+$0x0] =	vst.idx.add.f32.msk $0xffff, v2;
	v16 =	vor.u32 v13, v19  }
0x588: {  	v19 =	vshll.u32 v20, $0x8;
	[tilespmem:v17+s11+$0x0] =	vst.idx.add.f32.msk $0xffff, v2  }
0x589: {  	v17 =	vor.u32 v7, v19;
	v19 =	vld [tilespmem:s16+$0x80D0]  }
0x58a: {  	v20 =	vld [tilespmem:s16+$0x8150];
	v21 =	vshll.u32 v21, $0x8  }
0x58b: {  	v21 =	vor.u32 v8, v21;
	v22 =	vshll.u32 v22, $0x8;
	[tilespmem:v18+s11+$0x0] =	vst.idx.add.f32.msk $0xffff, v2  }
0x58c: {  	v18 =	vor.u32 v13, v22;
	v22 =	vld [tilespmem:s21+$0x8000]  }
0x58d: {  	[tilespmem:v16+s11+$0x0] =	vst.idx.add.f32.msk $0xffff, v2  }
0x58e: {  	[tilespmem:v17+s11+$0x0] =	vst.idx.add.f32.msk $0xffff, v2;
	v16 =	vshll.u32 v19, $0x8  }
0x58f: {  	v17 =	vld [tilespmem:s16+$0x8060];
	v16 =	vor.u32 v7, v16;
	v19 =	vshll.u32 v20, $0x8  }
0x590: {  	v19 =	vor.u32 v7, v19;
	[tilespmem:v21+s11+$0x0] =	vst.idx.add.f32.msk $0xffff, v2  }
0x591: {  	v20 =	vld [tilespmem:s16+$0x81F0];
	v21 =	vshll.u32 v22, $0x8  }
0x592: {  	[tilespmem:v18+s11+$0x0] =	vst.idx.add.f32.msk $0xffff, v2;
	v18 =	vor.u32 v13, v21  }
0x593: {  	v21 =	vld [tilespmem:s20+$0x8000]  }
0x594: {  	v17 =	vshll.u32 v17, $0x8;
	[tilespmem:v16+s11+$0x0] =	vst.idx.add.f32.msk $0xffff, v2  }
0x595: {  	v16 =	vor.u32 v8, v17;
	[tilespmem:v19+s11+$0x0] =	vst.idx.add.f32.msk $0xffff, v2  }
0x596: {  	p0 =	por !p0, !p0;
	s0 =	simm.s32 $0x1;
	v17 =	vld [tilespmem:s16+$0x80E0];
	v19 =	vshll.u32 v20, $0x8  }
0x597: {  	s0 =	simm.s32 @!p0 $0x0;
	v20 =	vld [tilespmem:s16+$0x8160];
	v19 =	vor.u32 v9, v19  }
0x598: {  	s0 =	sshll.u32 s0, $0x9;
	v21 =	vshll.u32 v21, $0x8;
	[tilespmem:v18+s11+$0x0] =	vst.idx.add.f32.msk $0xffff, v2  }
0x599: {  	s3 =	sadd.s32 s0, s23;
	v18 =	vor.u32 v14, v21;
	v21 =	vld [tilespmem:s18+$0x8000]  }
0x59a: {  	s4 =	sadd.s32 $0x80, s3;
	[tilespmem:v16+s11+$0x0] =	vst.idx.add.f32.msk $0xffff, v2  }
0x59b: {  	s28 =	sadd.s32 $0x180, s3;
	s9 =	sor.u32 $0x400, s3;
	s20 =	sadd.s32 $0x100, s3;
	v22 =	vld [tilespmem:s16+$0x8070];
	v16 =	vshll.u32 v17, $0x8  }
0x59c: {  	s14 =	sor.u32 $0x400, s4;
	s1 =	sor.u32 $0x400, s28;
	s13 =	sor.u32 $0x400, s20;
	v23 =	vor.u32 v8, v16;
	v16 =	vshll.u32 v20, $0x8;
	[tilespmem:v19+s11+$0x0] =	vst.idx.add.f32.msk $0xffff, v2  }
0x59d: {  	s0 =	sor.u32 $0x410, s4;
	s29 =	sor.u32 $0x420, s4;
	s31 =	sor.u32 $0x410, s20;
	v19 =	vor.u32 v8, v16;
	v20 =	vld [tilespmem:s1+$0x8000]  }
.Ltmp4:
0x59e: {  	s26 =	sor.u32 $0x420, s20;
	s1 =	sor.u32 $0x410, s3;
	v16 =	vshll.u32 v21, $0x8;
	v17 =	vld [tilespmem:s17+$0x8000];
	(pc) =	sbr.rel @p1 .LBB2_10-.Ltmp4, $4  }
0x59f: {  	s30 =	sor.u32 $0x420, s3;
	s24 =	sor.u32 $0x430, s4;
	s21 =	sor.u32 $0x430, s20;
	[tilespmem:v18+s11+$0x0] =	vst.idx.add.f32.msk vm0, v2;
	v16 =	vor.u32 v14, v16  }
0x5a0: {  	s25 =	sor.u32 $0x430, s3;
	s18 =	sor.u32 $0x438, s4;
	s17 =	sor.u32 $0x438, s20;
	v18 =	vshll.u32 v22, $0x8;
	[tilespmem:v15+s11+$0x0] =	vst.idx.add.f32.msk vm0, v2  }
0x5a1: {  	s20 =	sor.u32 $0x438, s3;
	v18 =	vor.u32 v9, v18;
	[tilespmem:v23+s11+$0x0] =	vst.idx.add.f32.msk $0xffff, v2  }
0x5a2: {  	s22 =	sadd.s32 $0x200, s22;
	s23 =	sadd.s32 $0x400, s23;
	[tilespmem:v19+s11+$0x0] =	vst.idx.add.f32.msk $0xffff, v2;
	v15 =	vshll.u32 v20, $0x8  }
0x5a3: {  	v19 =	vld [tilespmem:s16+$0x80F0]  }
0x5a4: {  	v20 =	vld [tilespmem:s16+$0x8170];
	_ =	sdelay $0x3  }
0x5a5: {  	v19 =	vshll.u32 v19, $0x8  }
0x5a6: {  	v20 =	vshll.u32 v20, $0x8;
	v19 =	vor.u32 v9, v19  }
0x5a7: {  	v51 =	vor.u32 v9, v20  }
0x5a8: {  	[tilespmem:v18+s11+$0x0] =	vst.idx.add.f32.msk $0xffff, v2  }
0x5a9: {  	v52 =	vld [tilespmem:s9+$0x8000];
	_ =	sdelay $0x1  }
0x5aa: {  	[tilespmem:v19+s11+$0x0] =	vst.idx.add.f32.msk $0xffff, v2  }
0x5ab: {  	[tilespmem:v51+s11+$0x0] =	vst.idx.add.f32.msk $0xffff, v2  }
0x5ac: {  	v19 =	vld [tilespmem:s14+$0x8000]  }
0x5ad: {  	v53 =	vshll.u32 v52, $0x8;
	v54 =	vld [tilespmem:s13+$0x8000]  }
0x5ae: {  	v18 =	vor.u32 v10, v53  }
0x5af: {  	v15 =	vor.u32 v10, v15;
	_ =	sdelay $0x1  }
0x5b0: {  	v19 =	vshll.u32 v19, $0x8  }
0x5b1: {  	v55 =	vshll.u32 v54, $0x8;
	v19 =	vor.u32 v10, v19  }
0x5b2: {  	[tilespmem:v18+s11+$0x0] =	vst.idx.add.f32.msk $0xffff, v2;
	v18 =	vor.u32 v10, v55  }
0x5b3: {  	s3 =	sor.u32 $0x410, s28;
	[tilespmem:v15+s11+$0x0] =	vst.idx.add.f32.msk $0xffff, v2  }
0x5b4: {  	v15 =	vld [tilespmem:s3+$0x8000]  }
0x5b5: {  	v56 =	vld [tilespmem:s1+$0x8000]  }
0x5b6: {  	[tilespmem:v19+s11+$0x0] =	vst.idx.add.f32.msk $0xffff, v2  }
0x5b7: {  	[tilespmem:v18+s11+$0x0] =	vst.idx.add.f32.msk $0xffff, v2  }
0x5b8: {  	v19 =	vld [tilespmem:s0+$0x8000]  }
0x5b9: {  	v15 =	vshll.u32 v15, $0x8;
	v58 =	vld [tilespmem:s31+$0x8000]  }
0x5ba: {  	v15 =	vor.u32 v11, v15  }
0x5bb: {  	v57 =	vshll.u32 v56, $0x8  }
0x5bc: {  	v18 =	vor.u32 v11, v57  }
0x5bd: {  	v19 =	vshll.u32 v19, $0x8  }
0x5be: {  	v20 =	vshll.u32 v58, $0x8;
	v19 =	vor.u32 v11, v19  }
0x5bf: {  	s23 =	sor.u32 $0x420, s28;
	[tilespmem:v15+s11+$0x0] =	vst.idx.add.f32.msk $0xffff, v2;
	v20 =	vor.u32 v11, v20  }
0x5c0: {  	v15 =	vld [tilespmem:s23+$0x8000]  }
0x5c1: {  	[tilespmem:v18+s11+$0x0] =	vst.idx.add.f32.msk $0xffff, v2  }
0x5c2: {  	v18 =	vld [tilespmem:s30+$0x8000]  }
0x5c3: {  	[tilespmem:v19+s11+$0x0] =	vst.idx.add.f32.msk $0xffff, v2  }
0x5c4: {  	[tilespmem:v20+s11+$0x0] =	vst.idx.add.f32.msk $0xffff, v2  }
0x5c5: {  	v15 =	vshll.u32 v15, $0x8;
	v19 =	vld [tilespmem:s29+$0x8000]  }
0x5c6: {  	v15 =	vor.u32 v12, v15;
	v20 =	vld [tilespmem:s26+$0x8000];
	_ =	sdelay $0x1  }
0x5c7: {  	v18 =	vshll.u32 v18, $0x8  }
0x5c8: {  	v18 =	vor.u32 v12, v18  }
0x5c9: {  	v19 =	vshll.u32 v19, $0x8  }
0x5ca: {  	[tilespmem:v15+s11+$0x0] =	vst.idx.add.f32.msk $0xffff, v2;
	v15 =	vshll.u32 v20, $0x8;
	v19 =	vor.u32 v12, v19  }
0x5cb: {  	s26 =	sor.u32 $0x430, s28;
	v15 =	vor.u32 v12, v15  }
0x5cc: {  	v59 =	vld [tilespmem:s26+$0x8000]  }
0x5cd: {  	[tilespmem:v18+s11+$0x0] =	vst.idx.add.f32.msk $0xffff, v2  }
0x5ce: {  	v18 =	vld [tilespmem:s25+$0x8000]  }
0x5cf: {  	[tilespmem:v19+s11+$0x0] =	vst.idx.add.f32.msk $0xffff, v2  }
0x5d0: {  	[tilespmem:v15+s11+$0x0] =	vst.idx.add.f32.msk $0xffff, v2  }
0x5d1: {  	v19 =	vld [tilespmem:s24+$0x8000]  }
0x5d2: {  	v15 =	vshll.u32 v59, $0x8;
	v60 =	vld [tilespmem:s21+$0x8000]  }
0x5d3: {  	v18 =	vshll.u32 v18, $0x8;
	v15 =	vor.u32 v13, v15  }
0x5d4: {  	v18 =	vor.u32 v13, v18;
	_ =	sdelay $0x1  }
0x5d5: {  	v19 =	vshll.u32 v19, $0x8  }
0x5d6: {  	v20 =	vshll.u32 v60, $0x8;
	v19 =	vor.u32 v13, v19  }
0x5d7: {  	[tilespmem:v15+s11+$0x0] =	vst.idx.add.f32.msk $0xffff, v2;
	v15 =	vor.u32 v13, v20  }
0x5d8: {  	[tilespmem:v18+s11+$0x0] =	vst.idx.add.f32.msk $0xffff, v2  }
0x5d9: {  	s29 =	sor.u32 $0x438, s28;
	v18 =	vld [tilespmem:s20+$0x8000]  }
0x5da: {  	v61 =	vld [tilespmem:s29+$0x8000]  }
0x5db: {  	[tilespmem:v19+s11+$0x0] =	vst.idx.add.f32.msk $0xffff, v2  }
0x5dc: {  	[tilespmem:v15+s11+$0x0] =	vst.idx.add.f32.msk $0xffff, v2  }
0x5dd: {  	v15 =	vld [tilespmem:s18+$0x8000]  }
0x5de: {  	v62 =	vld [tilespmem:s17+$0x8000]  }
0x5df: {  	v17 =	vshll.u32 v17, $0x8  }
0x5e0: {  	v17 =	vor.u32 v14, v17;
	v18 =	vshll.u32 v18, $0x8  }
0x5e1: {  	v20 =	vshll.u32 v61, $0x8;
	v18 =	vor.u32 v14, v18  }
0x5e2: {  	v20 =	vor.u32 v14, v20;
	v15 =	vshll.u32 v15, $0x8  }
0x5e3: {  	v19 =	vshll.u32 v62, $0x8;
	v15 =	vor.u32 v14, v15  }
0x5e4: {  	[tilespmem:v16+s11+$0x0] =	vst.idx.add.f32.msk vm0, v2;
	v63 =	vor.u32 v14, v19  }
0x5e5: {  	[tilespmem:v17+s11+$0x0] =	vst.idx.add.f32.msk vm0, v2  }
0x5e6: {  	[tilespmem:v18+s11+$0x0] =	vst.idx.add.f32.msk vm0, v2  }
0x5e7: {  	s2 =	sadd.s32 $0x1, s2;
	[tilespmem:v20+s11+$0x0] =	vst.idx.add.f32.msk vm0, v2  }
0x5e8: {  	p0 =	sne.s32 s2, s8;
	[tilespmem:v15+s11+$0x0] =	vst.idx.add.f32.msk vm0, v2  }
.Ltmp5:
0x5e9: {  	s31 =	simm.s32 $0x400;
	s30 =	simm.s32 $0x80;
	[tilespmem:v63+s11+$0x0] =	vst.idx.add.f32.msk vm0, v2;
	(pc) =	sbr.rel @p0 .LBB2_1-.Ltmp5, $4  }
0x5ea: {  	[hbm4b:s7+s30] =	stream.strided.scatter [tilespmem:s11], [sflag:$0x3], $0x1100, s31, s30, $0x38;
	[tilespmem:$0x11100] =	vst v63  }
0x5eb: {  	_ =	swait.ge [sflag:s15], $0x1100  }
0x5ec: {  	[sflag:s15] =	ssyncset.done $0x0  }
0x5ed: {  	[sflag:s15] =	ssyncadd.s32 $0xFFFFEF00  }
0x5ee: {  	_ =	sfence.sel $0x180000  }
0x5ef: {  	[bflag:$0x0] =	sbarrier.arrive $0xFFFF  }
0x5f0: {  	_ =	strace $0x90000047  }
0x5f1: {  	s0 =	stileid.u32;
	[bflag:$0x2] =	sbarrier.arrive $0xFFFF  }
0x5f2: {  	p0 =	sne.s32 s0, $0x0;
	s0 =	rddreg [dreg:$0x1]  }
0x5f3: {  	s0 =	sadd.s32 @!p0 $0x100000, s0  }
0x5f4: {  	[sflag:s0] =	ssyncadd.tile.s32 @!p0 $0x1;
	_ =	shalt  }
.Lfunc_end2:
_tile_overlayer_lowered:
.L_overlay_start_2:
0x5f5: {  	(tag) =	ssettag $0x2  }
0x5f6: {  	s0 =	rddreg [dreg:$0x0];
	s2 =	stileid.u32  }
0x5f7: {  	s1 =	rddreg [dreg:$0x1];
	p0 =	sne.s32 s2, $0x0  }
0x5f8: {  	s3 =	rddreg [dreg:$0x2];
	[bflag:$0x3] =	sbarrier.arrive $0xFFFF;
	s2 =	simm.s32 @!p0 $0x1C03  }
0x5f9: {  	[timem:s3], [sflag:s2] =	dma.local @!p0 [hbm:s0], s1  }
0x5fa: {  	s0 =	simm.s32 @!p0 $0x3  }
0x5fb: {  	_ =	swait.ge @!p0 [sflag:s0], s1  }
0x5fc: {  	s1 =	ssub.s32 @!p0 $0x0, s1;
	[sflag:s0] =	ssyncset.done @!p0 $0x0  }
0x5fd: {  	[sflag:s0] =	ssyncadd.s32 @!p0 s1  }
0x5fe: {  	[bflag:$0x3] =	sbarrier.arrive $0xFFFF  }
0x5ff: {  	_ =	shalt  }

</sc_bundles>
